<compile_context>
chip_gen: v7x
topology: tpu7x:2x2x1
jax: 0.10.2.dev20260603
libtpu: 0.0.44.dev20260713+nightly
codegen_flags: <defaults>
</compile_context>

<pallas_src>
import functools
import jax
import jax.numpy as jnp
from jax import lax
from jax.experimental import pallas as pl
from jax.experimental.pallas import tpu as pltpu
from jax.experimental.pallas import tpu_sc as plsc

N_BLK = 1000
NROW = 10240
HROW = 5120
CPAD = 5136
G = 16
NB = 8
NT = 4
ND = 128
NW = 32
DUMPI = 10048


def _gather16(v, idx):
    return lax.gather(
        v, idx[:, None],
        lax.GatherDimensionNumbers(
            offset_dims=(), collapsed_slice_dims=(0,), start_index_map=(0,)),
        (1,),
        mode=lax.GatherScatterMode.PROMISE_IN_BOUNDS)


def _stage1_body(x_ref, w1t_ref, w1b_ref, b1_ref, wself_ref, bself_ref,
                 a_ref, b_ref, out0_ref):
    xb = x_ref[...]
    a_ref[...] = jnp.dot(xb, w1t_ref[...], preferred_element_type=jnp.float32)
    b_ref[...] = (
        jnp.dot(xb, w1b_ref[...], preferred_element_type=jnp.float32)
        + b1_ref[...]
    )
    out0_ref[...] = (
        jnp.dot(xb, wself_ref[...], preferred_element_type=jnp.float32)
        + bself_ref[...]
    )


def _stage3_body(s_ref, cnt_ref, out0_ref, w2_ref, b2_ref, g_ref, be_ref,
                 o_ref):
    acc = out0_ref[...]
    cnt_tot = jnp.sum(cnt_ref[...], axis=(0, 3))
    for t in range(NT):
        st = s_ref[0, t] + s_ref[1, t]
        acc += jnp.dot(st, w2_ref[t], preferred_element_type=jnp.float32)
        acc += cnt_tot[t][:, None] * b2_ref[t][None, :]
    h = jnp.maximum(acc, 0.0)
    mean = jnp.mean(h, axis=-1, keepdims=True)
    var = jnp.mean((h - mean) ** 2, axis=-1, keepdims=True)
    o_ref[...] = (h - mean) * jax.lax.rsqrt(var + 1e-5) * g_ref[...] + be_ref[...]


def _sc_body(a2_hbm, b2_hbm, ep_hbm,
             s_out, cnt_out,
             ep_v, pk_v,
             gidxA, gidxB, sidx, bufA, bufB, zbuf, cnt_v, s_sh,
             semA, semB, semS):
    e_chunk = ep_hbm.shape[0] // NW
    cc = lax.axis_index("c")
    ss = lax.axis_index("s")
    wid = cc * 16 + ss
    base = wid * e_chunk
    n_scan = e_chunk // 16
    rows_per_tile = HROW // 16

    pltpu.sync_copy(ep_hbm.at[pl.ds(base, e_chunk)], ep_v)

    zero16 = jnp.zeros((16,), jnp.float32)

    @plsc.parallel_loop(0, (G * ND) // 16, step=1, unroll=4)
    def _zb(i):
        zbuf[i >> 3, pl.ds((i & 7) * 16, 16)] = zero16

    zero16i = jnp.zeros((16,), jnp.int32)
    dumppk = jnp.full((16,), HROW << 16, jnp.int32)
    iota16 = lax.iota(jnp.int32, 16)
    lane15 = jnp.full((16,), 15, jnp.int32)
    m14 = jnp.full((16,), 0x3FFF, jnp.int32)
    m16 = jnp.full((16,), 0xFFFF, jnp.int32)

    def _pass(p, _):
        t = p >> 1
        h = p & 1
        lo = h * HROW

        @plsc.parallel_loop(0, cnt_v.shape[0] // 16, step=1, unroll=4)
        def _zc(i):
            cnt_v[pl.ds(i * 16, 16)] = zero16

        for i in range(rows_per_tile // G):
            pltpu.sync_copy(
                zbuf,
                s_sh.at[pl.ds(ss * rows_per_tile + i * G, G)])
        plsc.subcore_barrier()

        t16 = jnp.full((16,), t, jnp.int32)
        lo16 = jnp.full((16,), lo, jnp.int32)

        @plsc.parallel_loop(0, n_scan, step=1, unroll=4, carry=zero16i)
        def _scan(i, cur):
            v = ep_v[pl.ds(i * 16, 16)]
            r16 = v & m14
            c16 = jnp.right_shift(v, 14) & m14
            a16 = jnp.right_shift(v, 28)
            cl16 = c16 - lo16
            m = (a16 == t16) & (cl16 >= zero16i) & (cl16 < jnp.full((16,), HROW, jnp.int32))
            pc = jnp.where(m, 1, 0)
            for k in (1, 2, 4, 8):
                sh = _gather16(pc, jnp.maximum(iota16 - k, 0))
                pc = pc + jnp.where(iota16 >= k, sh, 0)
            dest = jnp.where(m, cur + pc - 1, DUMPI)
            pk = (r16 * NT + a16) | jnp.left_shift(cl16, 16)
            plsc.store_scatter(pk_v, [dest], pk)
            plsc.addupdate_scatter(
                cnt_v, [jnp.where(m, cl16, HROW)], jnp.where(m, 1.0, 0.0))
            return cur + _gather16(pc, lane15)
        cnt_vec = _scan
        cnt_t = cnt_vec[0]

        for k in range(G // 16):
            dest = cnt_vec + k * 16 + iota16
            plsc.store_scatter(pk_v, [dest], dumppk)

        n_ch = jnp.right_shift(cnt_t + (G - 1), 4)

        def _launch(k, par):
            for g in range(G // 16):
                pv = pk_v[pl.ds(k * G + g * 16, 16)]
                cl = jnp.right_shift(pv, 16)
                gidxA[par, pl.ds(g * 16, 16)] = pv & m16
                sidx[par, pl.ds(g * 16, 16)] = cl
                gidxB[par, pl.ds(g * 16, 16)] = (cl + lo16) * NT + t16
            pltpu.async_copy(a2_hbm.at[gidxA.at[par]], bufA.at[par],
                             semA.at[par])
            pltpu.async_copy(b2_hbm.at[gidxB.at[par]], bufB.at[par],
                             semB.at[par])

        def _wait_scat(par):
            pltpu.make_async_copy(bufA.at[par], s_sh.at[sidx.at[par]],
                                  semS.at[par]).wait()

        @pl.when(n_ch > 0)
        def _prime():
            _launch(jnp.int32(0), jnp.int32(0))
        for j in range(1, NB - 1):
            @pl.when(n_ch > j)
            def _prime_j(j=j):
                _launch(jnp.int32(j), jnp.int32(j))

        def _chunk(k, _c):
            par = k & (NB - 1)
            nxt = k + (NB - 1)

            @pl.when(nxt < n_ch)
            def _next():
                @pl.when(nxt >= NB)
                def _ws():
                    _wait_scat(nxt & (NB - 1))
                _launch(nxt, nxt & (NB - 1))

            pltpu.make_async_copy(a2_hbm.at[gidxA.at[par]], bufA.at[par],
                                  semA.at[par]).wait()
            pltpu.make_async_copy(b2_hbm.at[gidxB.at[par]], bufB.at[par],
                                  semB.at[par]).wait()

            @plsc.parallel_loop(0, G, step=1, unroll=4)
            def _cmp(r):
                for g in range(ND // 16):
                    j = g * 16
                    va = bufA[par, r, pl.ds(j, 16)]
                    vb = bufB[par, r, pl.ds(j, 16)]
                    bufA[par, r, pl.ds(j, 16)] = jnp.maximum(va + vb, 0.0)

            pltpu.async_copy(bufA.at[par], s_sh.at[sidx.at[par]],
                             semS.at[par], add=True)
            return 0
        lax.fori_loop(0, n_ch, _chunk, 0)

        for d in range(NB):
            @pl.when(n_ch > d)
            def _drain(d=d):
                _wait_scat((n_ch - 1 - d) & (NB - 1))

        plsc.subcore_barrier()

        pltpu.sync_copy(
            s_sh.at[pl.ds(ss * rows_per_tile, rows_per_tile)],
            s_out.at[cc, t, pl.ds(lo + ss * rows_per_tile, rows_per_tile)])
        cslot = ((cc * NT + t) * 2 + h) * 16 + ss
        pltpu.sync_copy(cnt_v,
                        cnt_out.at[pl.ds(cslot * CPAD, CPAD)])
        plsc.subcore_barrier()
        return 0

    lax.fori_loop(0, 2 * NT, _pass, 0)


def kernel(x, edge_index, edge_attr, W1, b1, W2, b2, Wself, bself, gamma, beta):
    n_nodes, d_in = x.shape
    n_types, _, d_out = W1.shape
    n_edges = edge_index.shape[1]

    w1t = jnp.transpose(W1[:, :d_in, :], (1, 0, 2)).reshape(d_in, n_types * d_out)
    w1b = jnp.transpose(W1[:, d_in:, :], (1, 0, 2)).reshape(d_in, n_types * d_out)
    b1f = b1.reshape(1, n_types * d_out)

    grid = n_nodes // N_BLK
    a_mat, b_mat, out0 = pl.pallas_call(
        _stage1_body,
        grid=(grid,),
        in_specs=[
            pl.BlockSpec((N_BLK, d_in), lambda i: (i, 0)),
            pl.BlockSpec((d_in, n_types * d_out), lambda i: (0, 0)),
            pl.BlockSpec((d_in, n_types * d_out), lambda i: (0, 0)),
            pl.BlockSpec((1, n_types * d_out), lambda i: (0, 0)),
            pl.BlockSpec((d_in, d_out), lambda i: (0, 0)),
            pl.BlockSpec((1, d_out), lambda i: (0, 0)),
        ],
        out_specs=[
            pl.BlockSpec((N_BLK, n_types * d_out), lambda i: (i, 0)),
            pl.BlockSpec((N_BLK, n_types * d_out), lambda i: (i, 0)),
            pl.BlockSpec((N_BLK, d_out), lambda i: (i, 0)),
        ],
        out_shape=[
            jax.ShapeDtypeStruct((n_nodes, n_types * d_out), jnp.float32),
            jax.ShapeDtypeStruct((n_nodes, n_types * d_out), jnp.float32),
            jax.ShapeDtypeStruct((n_nodes, d_out), jnp.float32),
        ],
    )(x, w1t, w1b, b1f, Wself, bself.reshape(1, d_out))

    a2 = a_mat.reshape(n_nodes * n_types, d_out)
    b2m = b_mat.reshape(n_nodes * n_types, d_out)
    row_h = edge_index[0].astype(jnp.int32)
    col_h = edge_index[1].astype(jnp.int32)
    ea = edge_attr.astype(jnp.int32)

    e_chunk = n_edges // NW
    ep = row_h | jnp.left_shift(col_h, 14) | jnp.left_shift(ea, 28)
    mesh = plsc.VectorSubcoreMesh(core_axis_name="c", subcore_axis_name="s")
    s_out, cnt_out = pl.kernel(
        _sc_body,
        out_type=[
            jax.ShapeDtypeStruct((2, n_types, NROW, d_out), jnp.float32),
            jax.ShapeDtypeStruct((2 * n_types * 2 * 16 * CPAD,), jnp.float32),
        ],
        mesh=mesh,
        compiler_params=pltpu.CompilerParams(needs_layout_passes=False),
        scratch_types=[
            pltpu.VMEM((e_chunk,), jnp.int32),
            pltpu.VMEM((e_chunk + 2 * G,), jnp.int32),
            pltpu.VMEM((NB, G), jnp.int32),
            pltpu.VMEM((NB, G), jnp.int32),
            pltpu.VMEM((NB, G), jnp.int32),
            pltpu.VMEM((NB, G, d_out), jnp.float32),
            pltpu.VMEM((NB, G, d_out), jnp.float32),
            pltpu.VMEM((G, d_out), jnp.float32),
            pltpu.VMEM((CPAD,), jnp.float32),
            pltpu.VMEM_SHARED((HROW + 16, d_out), jnp.float32),
            pltpu.SemaphoreType.DMA((NB,)),
            pltpu.SemaphoreType.DMA((NB,)),
            pltpu.SemaphoreType.DMA((NB,)),
        ],
    )(a2, b2m, ep)

    cnt_r = jnp.transpose(
        cnt_out.reshape(2, n_types, 2, 16, CPAD)[..., :HROW],
        (0, 1, 2, 4, 3)).reshape(2, n_types, NROW, 16)[:, :, :n_nodes]

    out = pl.pallas_call(
        _stage3_body,
        grid=(grid,),
        in_specs=[
            pl.BlockSpec((2, n_types, N_BLK, d_out), lambda i: (0, 0, i, 0)),
            pl.BlockSpec((2, n_types, N_BLK, 16), lambda i: (0, 0, i, 0)),
            pl.BlockSpec((N_BLK, d_out), lambda i: (i, 0)),
            pl.BlockSpec((n_types, d_out, d_out), lambda i: (0, 0, 0)),
            pl.BlockSpec((n_types, d_out), lambda i: (0, 0)),
            pl.BlockSpec((1, d_out), lambda i: (0, 0)),
            pl.BlockSpec((1, d_out), lambda i: (0, 0)),
        ],
        out_specs=pl.BlockSpec((N_BLK, d_out), lambda i: (i, 0)),
        out_shape=jax.ShapeDtypeStruct((n_nodes, d_out), jnp.float32),
    )(s_out, cnt_r, out0, W2, b2, gamma.reshape(1, d_out),
      beta.reshape(1, d_out))
    return out

# --- scband reference (transcript-rebuilt; emitter-appended) ---
"""Pipeline reference for scband-wlnlayer-5188320494200 (READ-ONLY COPY).

The authoritative reference and input builder live on the scoring server;
editing this copy changes nothing except your own understanding.
"""

import jax, jax.numpy as jnp
import numpy as np

N_NODES = 10000
N_EDGES = 320000
D_IN = 128
D_OUT = 128
N_EDGE_TYPES = 4


def setup_inputs(seed: int = 0) -> dict:
    key = jax.random.key(seed)
    ks = jax.random.split(key, 12)
    x = jax.random.normal(ks[0], (N_NODES, D_IN), dtype=jnp.float32)
    edge_index = jax.random.randint(ks[1], (2, N_EDGES), 0, N_NODES, dtype=jnp.int64)
    edge_attr = jax.random.randint(ks[2], (N_EDGES,), 0, N_EDGE_TYPES, dtype=jnp.int64)
    s1 = 1.0 / np.sqrt(2 * D_IN)
    s2 = 1.0 / np.sqrt(D_OUT)
    si = 1.0 / np.sqrt(D_IN)
    W1 = jax.random.uniform(ks[3], (N_EDGE_TYPES, 2 * D_IN, D_OUT), dtype=jnp.float32, minval=-s1, maxval=s1)
    b1 = jax.random.uniform(ks[4], (N_EDGE_TYPES, D_OUT), dtype=jnp.float32, minval=-s1, maxval=s1)
    W2 = jax.random.uniform(ks[5], (N_EDGE_TYPES, D_OUT, D_OUT), dtype=jnp.float32, minval=-s2, maxval=s2)
    b2 = jax.random.uniform(ks[6], (N_EDGE_TYPES, D_OUT), dtype=jnp.float32, minval=-s2, maxval=s2)
    Wself = jax.random.uniform(ks[7], (D_IN, D_OUT), dtype=jnp.float32, minval=-si, maxval=si)
    bself = jax.random.uniform(ks[8], (D_OUT,), dtype=jnp.float32, minval=-si, maxval=si)
    gamma = jnp.ones((D_OUT,), dtype=jnp.float32)
    beta = jnp.zeros((D_OUT,), dtype=jnp.float32)
    return {"x": x, "edge_index": edge_index, "edge_attr": edge_attr,
            "W1": W1, "b1": b1, "W2": W2, "b2": b2,
            "Wself": Wself, "bself": bself, "gamma": gamma, "beta": beta}


def _layer_norm(h, gamma, beta, eps=1e-5):
    mean = jnp.mean(h, axis=-1, keepdims=True)
    var = jnp.mean((h - mean) ** 2, axis=-1, keepdims=True)
    return (h - mean) / jnp.sqrt(var + eps) * gamma + beta


def reference(x, edge_index, edge_attr, W1, b1, W2, b2, Wself, bself, gamma, beta):
    row = edge_index[0]
    col = edge_index[1]
    out = x @ Wself + bself
    edge_features = jnp.concatenate([x[row], x[col]], axis=1)
    for t in range(N_EDGE_TYPES):
        mask = (edge_attr == t).astype(x.dtype)[:, None]
        h = jax.nn.relu(edge_features @ W1[t] + b1[t])
        messages = h @ W2[t] + b2[t]
        out = out.at[col].add(messages * mask)
    out = jax.nn.relu(out)
    return _layer_norm(out, gamma, beta)

if __name__ == "__main__":
    import jax
    _d = setup_inputs()
    print(jax.jit(kernel)(*tuple(_d.values())))

</pallas_src>

<mosaic_0001>
#map = affine_map<(d0, d1) -> (0, 0)>
#map1 = affine_map<(d0, d1) -> (0)>
#map2 = affine_map<(d0, d1) -> (0, 0, 0, 0)>
module attributes {stable_mosaic.version = 14 : i64} {
  func.func @_sc_body(%arg0: i32, %arg1: i32, %arg2: memref<40000x128xf32, #tpu.memory_space<hbm>>, %arg3: memref<40000x128xf32, #tpu.memory_space<hbm>>, %arg4: memref<320000xi32, #tpu.memory_space<hbm>>, %arg5: memref<2x4x10240x128xf32, #tpu.memory_space<hbm>>, %arg6: memref<1314816xf32, #tpu.memory_space<hbm>>, %arg7: memref<10000xi32, #tpu.memory_space<vmem>>, %arg8: memref<10032xi32, #tpu.memory_space<vmem>>, %arg9: memref<8x16xi32, #tpu.memory_space<vmem>>, %arg10: memref<8x16xi32, #tpu.memory_space<vmem>>, %arg11: memref<8x16xi32, #tpu.memory_space<vmem>>, %arg12: memref<8x16x128xf32, #tpu.memory_space<vmem>>, %arg13: memref<8x16x128xf32, #tpu.memory_space<vmem>>, %arg14: memref<16x128xf32, #tpu.memory_space<vmem>>, %arg15: memref<5136xf32, #tpu.memory_space<vmem>>, %arg16: memref<5136x128xf32, #tpu.memory_space<vmem_shared>>, %arg17: memref<8x!tpu.dma_semaphore, #tpu.memory_space<semaphore_mem>>, %arg18: memref<8x!tpu.dma_semaphore, #tpu.memory_space<semaphore_mem>>, %arg19: memref<8x!tpu.dma_semaphore, #tpu.memory_space<semaphore_mem>>) attributes {dimension_semantics = [#tpu.dimension_semantics<core_parallel>, #tpu.dimension_semantics<subcore_parallel>], iteration_bounds = array<i64: 2, 16>, scalar_prefetch = 0 : i64, scratch_operands = 13 : i64, tpu.core_type = #tpu.core_type<sc_vector_subcore>, window_params = [{transform_indices = #map}, {transform_indices = #map}, {transform_indices = #map1}, {transform_indices = #map2}, {transform_indices = #map1}]} {
    %mul3A = arith.constant 16 : i32
    %mul3A_0 = arith.muli %arg0, %mul3A : i32
    %add3A = arith.addi %mul3A_0, %arg1 : i32
    %mul3A_1 = arith.constant 10000 : i32
    %mul3A_2 = arith.muli %add3A, %mul3A_1 : i32
    "tpu.region"() ({
      %run_scoped3A = tpu.sem_alloc : memref<!tpu.dma_semaphore, #tpu.memory_space<semaphore_mem>>
      %dma_start3A = tpu.memref_slice %arg4[%mul3A_2] : memref<320000xi32, #tpu.memory_space<hbm>> -> memref<10000xi32, #tpu.memory_space<hbm>>
      %dma_start3A_22 = tpu.memref_slice %arg4[%mul3A_2] : memref<320000xi32, #tpu.memory_space<hbm>> -> memref<10000xi32, #tpu.memory_space<hbm>>
      tpu.enqueue_dma source(%dma_start3A_22 : memref<10000xi32, #tpu.memory_space<hbm>>) target(%arg7 : memref<10000xi32, #tpu.memory_space<vmem>>) target_semaphore(%run_scoped3A : memref<!tpu.dma_semaphore, #tpu.memory_space<semaphore_mem>>)
      %dma_wait3A = tpu.memref_slice %arg4[%mul3A_2] : memref<320000xi32, #tpu.memory_space<hbm>> -> memref<10000xi32, #tpu.memory_space<hbm>>
      %dma_wait3A_23 = tpu.memref_slice %arg4[%mul3A_2] : memref<320000xi32, #tpu.memory_space<hbm>> -> memref<10000xi32, #tpu.memory_space<hbm>>
      tpu.wait_dma2 semaphore(%run_scoped3A : memref<!tpu.dma_semaphore, #tpu.memory_space<semaphore_mem>>) src(%dma_wait3A_23 : memref<10000xi32, #tpu.memory_space<hbm>>) dst(%arg7 : memref<10000xi32, #tpu.memory_space<vmem>>)
      tpu.yield
    }) : () -> ()
    %broadcast_in_dim3A = arith.constant 0.000000e+00 : f32
    %broadcast_in_dim3A_3 = vector.broadcast %broadcast_in_dim3A : f32 to vector<16xf32>
    %parallel_loop3A = arith.constant 0 : i32
    %parallel_loop3A_4 = arith.constant 128 : i32
    %parallel_loop3A_5 = arith.constant 1 : i32
    scf.for %parallel_loop3A_22 = %parallel_loop3A to %parallel_loop3A_4 step %parallel_loop3A_5  : i32 {
      %parallel_loop3A_23 = arith.constant 3 : i32
      %parallel_loop3A_24 = arith.shrsi %parallel_loop3A_22, %parallel_loop3A_23 : i32
      %parallel_loop3A_25 = arith.constant 7 : i32
      %parallel_loop3A_26 = arith.andi %parallel_loop3A_22, %parallel_loop3A_25 : i32
      %parallel_loop3A_27 = arith.constant 16 : i32
      %parallel_loop3A_28 = arith.muli %parallel_loop3A_26, %parallel_loop3A_27 : i32
      %parallel_loop3A_29 = arith.index_cast %parallel_loop3A_24 : i32 to index
      %parallel_loop3A_30 = arith.index_cast %parallel_loop3A_28 : i32 to index
      %parallel_loop3A_31 = tpu.vector_load %arg14[%parallel_loop3A_29, %parallel_loop3A_30] {strides = array<i32>} : memref<16x128xf32, #tpu.memory_space<vmem>>, vector<16xf32>,
      tpu.vector_store %arg14[%parallel_loop3A_29, %parallel_loop3A_30], %broadcast_in_dim3A_3 {strides = array<i32>} : memref<16x128xf32, #tpu.memory_space<vmem>>, vector<16xf32>,
    } {sc.loop_unroll_factor = 4 : i64, sc.parallel_access}
    %broadcast_in_dim3A_6 = arith.constant 0 : i32
    %broadcast_in_dim3A_7 = vector.broadcast %broadcast_in_dim3A_6 : i32 to vector<16xi32>
    %broadcast_in_dim3A_8 = arith.constant 335544320 : i32
    %broadcast_in_dim3A_9 = vector.broadcast %broadcast_in_dim3A_8 : i32 to vector<16xi32>
    %iota3A = tpu.iota {dimensions = array<i32: 0>} : vector<16xi32>
    %broadcast_in_dim3A_10 = arith.constant 15 : i32
    %broadcast_in_dim3A_11 = vector.broadcast %broadcast_in_dim3A_10 : i32 to vector<16xi32>
    %broadcast_in_dim3A_12 = arith.constant 16383 : i32
    %broadcast_in_dim3A_13 = vector.broadcast %broadcast_in_dim3A_12 : i32 to vector<16xi32>
    %broadcast_in_dim3A_14 = arith.constant 65535 : i32
    %broadcast_in_dim3A_15 = vector.broadcast %broadcast_in_dim3A_14 : i32 to vector<16xi32>
    %scan3A = arith.constant 0 : i32
    %scan3A_16 = arith.constant 0 : i32
    %scan3A_17 = arith.constant 8 : i32
    %scan3A_18 = arith.addi %scan3A_16, %scan3A_17 : i32
    %scan3A_19 = arith.constant 1 : i32
    %scan3A_20 = scf.for %scan3A_22 = %scan3A_16 to %scan3A_18 step %scan3A_19 iter_args(%scan3A_23 = %scan3A) -> (i32)  : i32 {
      %shift_right_arithmetic3A = arith.constant 1 : i32
      %shift_right_arithmetic3A_24 = arith.shrsi %scan3A_22, %shift_right_arithmetic3A : i32
      %and3A = arith.constant 1 : i32
      %and3A_25 = arith.andi %scan3A_22, %and3A : i32
      %mul3A_26 = arith.constant 5120 : i32
      %mul3A_27 = arith.muli %and3A_25, %mul3A_26 : i32
      %parallel_loop3A_28 = arith.constant 0 : i32
      %parallel_loop3A_29 = arith.constant 321 : i32
      %parallel_loop3A_30 = arith.constant 1 : i32
      scf.for %parallel_loop3A_227 = %parallel_loop3A_28 to %parallel_loop3A_29 step %parallel_loop3A_30  : i32 {
        %parallel_loop3A_228 = arith.constant 16 : i32
        %parallel_loop3A_229 = arith.muli %parallel_loop3A_227, %parallel_loop3A_228 : i32
        %parallel_loop3A_230 = arith.index_cast %parallel_loop3A_229 : i32 to index
        %parallel_loop3A_231 = tpu.vector_load %arg15[%parallel_loop3A_230] {strides = array<i32>} : memref<5136xf32, #tpu.memory_space<vmem>>, vector<16xf32>,
        tpu.vector_store %arg15[%parallel_loop3A_230], %broadcast_in_dim3A_3 {strides = array<i32>} : memref<5136xf32, #tpu.memory_space<vmem>>, vector<16xf32>,
      } {sc.loop_unroll_factor = 4 : i64, sc.parallel_access}
      %mul3A_31 = arith.constant 320 : i32
      %mul3A_32 = arith.muli %arg1, %mul3A_31 : i32
      %add3A_33 = arith.constant 0 : i32
      %add3A_34 = arith.addi %mul3A_32, %add3A_33 : i32
      "tpu.region"() ({
        %run_scoped3A = tpu.sem_alloc : memref<!tpu.dma_semaphore, #tpu.memory_space<semaphore_mem>>
        %dma_start3A = arith.constant 0 : i32
        %dma_start3A_227 = tpu.memref_slice %arg16[%add3A_34, %dma_start3A] : memref<5136x128xf32, #tpu.memory_space<vmem_shared>> -> memref<16x128xf32, #tpu.memory_space<vmem_shared>>
        %dma_start3A_228 = arith.constant 0 : i32
        %dma_start3A_229 = tpu.memref_slice %arg16[%add3A_34, %dma_start3A_228] : memref<5136x128xf32, #tpu.memory_space<vmem_shared>> -> memref<16x128xf32, #tpu.memory_space<vmem_shared>>
        tpu.enqueue_dma source(%arg14 : memref<16x128xf32, #tpu.memory_space<vmem>>) target(%dma_start3A_229 : memref<16x128xf32, #tpu.memory_space<vmem_shared>>) target_semaphore(%run_scoped3A : memref<!tpu.dma_semaphore, #tpu.memory_space<semaphore_mem>>)
        %dma_wait3A = arith.constant 0 : i32
        %dma_wait3A_230 = tpu.memref_slice %arg16[%add3A_34, %dma_wait3A] : memref<5136x128xf32, #tpu.memory_space<vmem_shared>> -> memref<16x128xf32, #tpu.memory_space<vmem_shared>>
        %dma_wait3A_231 = arith.constant 0 : i32
        %dma_wait3A_232 = tpu.memref_slice %arg16[%add3A_34, %dma_wait3A_231] : memref<5136x128xf32, #tpu.memory_space<vmem_shared>> -> memref<16x128xf32, #tpu.memory_space<vmem_shared>>
        tpu.wait_dma2 semaphore(%run_scoped3A : memref<!tpu.dma_semaphore, #tpu.memory_space<semaphore_mem>>) src(%arg14 : memref<16x128xf32, #tpu.memory_space<vmem>>) dst(%dma_wait3A_232 : memref<16x128xf32, #tpu.memory_space<vmem_shared>>)
        tpu.yield
      }) : () -> ()
      %mul3A_35 = arith.constant 320 : i32
      %mul3A_36 = arith.muli %arg1, %mul3A_35 : i32
      %add3A_37 = arith.constant 16 : i32
      %add3A_38 = arith.addi %mul3A_36, %add3A_37 : i32
      "tpu.region"() ({
        %run_scoped3A = tpu.sem_alloc : memref<!tpu.dma_semaphore, #tpu.memory_space<semaphore_mem>>
        %dma_start3A = arith.constant 0 : i32
        %dma_start3A_227 = tpu.memref_slice %arg16[%add3A_38, %dma_start3A] : memref<5136x128xf32, #tpu.memory_space<vmem_shared>> -> memref<16x128xf32, #tpu.memory_space<vmem_shared>>
        %dma_start3A_228 = arith.constant 0 : i32
        %dma_start3A_229 = tpu.memref_slice %arg16[%add3A_38, %dma_start3A_228] : memref<5136x128xf32, #tpu.memory_space<vmem_shared>> -> memref<16x128xf32, #tpu.memory_space<vmem_shared>>
        tpu.enqueue_dma source(%arg14 : memref<16x128xf32, #tpu.memory_space<vmem>>) target(%dma_start3A_229 : memref<16x128xf32, #tpu.memory_space<vmem_shared>>) target_semaphore(%run_scoped3A : memref<!tpu.dma_semaphore, #tpu.memory_space<semaphore_mem>>)
        %dma_wait3A = arith.constant 0 : i32
        %dma_wait3A_230 = tpu.memref_slice %arg16[%add3A_38, %dma_wait3A] : memref<5136x128xf32, #tpu.memory_space<vmem_shared>> -> memref<16x128xf32, #tpu.memory_space<vmem_shared>>
        %dma_wait3A_231 = arith.constant 0 : i32
        %dma_wait3A_232 = tpu.memref_slice %arg16[%add3A_38, %dma_wait3A_231] : memref<5136x128xf32, #tpu.memory_space<vmem_shared>> -> memref<16x128xf32, #tpu.memory_space<vmem_shared>>
        tpu.wait_dma2 semaphore(%run_scoped3A : memref<!tpu.dma_semaphore, #tpu.memory_space<semaphore_mem>>) src(%arg14 : memref<16x128xf32, #tpu.memory_space<vmem>>) dst(%dma_wait3A_232 : memref<16x128xf32, #tpu.memory_space<vmem_shared>>)
        tpu.yield
      }) : () -> ()
      %mul3A_39 = arith.constant 320 : i32
      %mul3A_40 = arith.muli %arg1, %mul3A_39 : i32
      %add3A_41 = arith.constant 32 : i32
      %add3A_42 = arith.addi %mul3A_40, %add3A_41 : i32
      "tpu.region"() ({
        %run_scoped3A = tpu.sem_alloc : memref<!tpu.dma_semaphore, #tpu.memory_space<semaphore_mem>>
        %dma_start3A = arith.constant 0 : i32
        %dma_start3A_227 = tpu.memref_slice %arg16[%add3A_42, %dma_start3A] : memref<5136x128xf32, #tpu.memory_space<vmem_shared>> -> memref<16x128xf32, #tpu.memory_space<vmem_shared>>
        %dma_start3A_228 = arith.constant 0 : i32
        %dma_start3A_229 = tpu.memref_slice %arg16[%add3A_42, %dma_start3A_228] : memref<5136x128xf32, #tpu.memory_space<vmem_shared>> -> memref<16x128xf32, #tpu.memory_space<vmem_shared>>
        tpu.enqueue_dma source(%arg14 : memref<16x128xf32, #tpu.memory_space<vmem>>) target(%dma_start3A_229 : memref<16x128xf32, #tpu.memory_space<vmem_shared>>) target_semaphore(%run_scoped3A : memref<!tpu.dma_semaphore, #tpu.memory_space<semaphore_mem>>)
        %dma_wait3A = arith.constant 0 : i32
        %dma_wait3A_230 = tpu.memref_slice %arg16[%add3A_42, %dma_wait3A] : memref<5136x128xf32, #tpu.memory_space<vmem_shared>> -> memref<16x128xf32, #tpu.memory_space<vmem_shared>>
        %dma_wait3A_231 = arith.constant 0 : i32
        %dma_wait3A_232 = tpu.memref_slice %arg16[%add3A_42, %dma_wait3A_231] : memref<5136x128xf32, #tpu.memory_space<vmem_shared>> -> memref<16x128xf32, #tpu.memory_space<vmem_shared>>
        tpu.wait_dma2 semaphore(%run_scoped3A : memref<!tpu.dma_semaphore, #tpu.memory_space<semaphore_mem>>) src(%arg14 : memref<16x128xf32, #tpu.memory_space<vmem>>) dst(%dma_wait3A_232 : memref<16x128xf32, #tpu.memory_space<vmem_shared>>)
        tpu.yield
      }) : () -> ()
      %mul3A_43 = arith.constant 320 : i32
      %mul3A_44 = arith.muli %arg1, %mul3A_43 : i32
      %add3A_45 = arith.constant 48 : i32
      %add3A_46 = arith.addi %mul3A_44, %add3A_45 : i32
      "tpu.region"() ({
        %run_scoped3A = tpu.sem_alloc : memref<!tpu.dma_semaphore, #tpu.memory_space<semaphore_mem>>
        %dma_start3A = arith.constant 0 : i32
        %dma_start3A_227 = tpu.memref_slice %arg16[%add3A_46, %dma_start3A] : memref<5136x128xf32, #tpu.memory_space<vmem_shared>> -> memref<16x128xf32, #tpu.memory_space<vmem_shared>>
        %dma_start3A_228 = arith.constant 0 : i32
        %dma_start3A_229 = tpu.memref_slice %arg16[%add3A_46, %dma_start3A_228] : memref<5136x128xf32, #tpu.memory_space<vmem_shared>> -> memref<16x128xf32, #tpu.memory_space<vmem_shared>>
        tpu.enqueue_dma source(%arg14 : memref<16x128xf32, #tpu.memory_space<vmem>>) target(%dma_start3A_229 : memref<16x128xf32, #tpu.memory_space<vmem_shared>>) target_semaphore(%run_scoped3A : memref<!tpu.dma_semaphore, #tpu.memory_space<semaphore_mem>>)
        %dma_wait3A = arith.constant 0 : i32
        %dma_wait3A_230 = tpu.memref_slice %arg16[%add3A_46, %dma_wait3A] : memref<5136x128xf32, #tpu.memory_space<vmem_shared>> -> memref<16x128xf32, #tpu.memory_space<vmem_shared>>
        %dma_wait3A_231 = arith.constant 0 : i32
        %dma_wait3A_232 = tpu.memref_slice %arg16[%add3A_46, %dma_wait3A_231] : memref<5136x128xf32, #tpu.memory_space<vmem_shared>> -> memref<16x128xf32, #tpu.memory_space<vmem_shared>>
        tpu.wait_dma2 semaphore(%run_scoped3A : memref<!tpu.dma_semaphore, #tpu.memory_space<semaphore_mem>>) src(%arg14 : memref<16x128xf32, #tpu.memory_space<vmem>>) dst(%dma_wait3A_232 : memref<16x128xf32, #tpu.memory_space<vmem_shared>>)
        tpu.yield
      }) : () -> ()
      %mul3A_47 = arith.constant 320 : i32
      %mul3A_48 = arith.muli %arg1, %mul3A_47 : i32
      %add3A_49 = arith.constant 64 : i32
      %add3A_50 = arith.addi %mul3A_48, %add3A_49 : i32
      "tpu.region"() ({
        %run_scoped3A = tpu.sem_alloc : memref<!tpu.dma_semaphore, #tpu.memory_space<semaphore_mem>>
        %dma_start3A = arith.constant 0 : i32
        %dma_start3A_227 = tpu.memref_slice %arg16[%add3A_50, %dma_start3A] : memref<5136x128xf32, #tpu.memory_space<vmem_shared>> -> memref<16x128xf32, #tpu.memory_space<vmem_shared>>
        %dma_start3A_228 = arith.constant 0 : i32
        %dma_start3A_229 = tpu.memref_slice %arg16[%add3A_50, %dma_start3A_228] : memref<5136x128xf32, #tpu.memory_space<vmem_shared>> -> memref<16x128xf32, #tpu.memory_space<vmem_shared>>
        tpu.enqueue_dma source(%arg14 : memref<16x128xf32, #tpu.memory_space<vmem>>) target(%dma_start3A_229 : memref<16x128xf32, #tpu.memory_space<vmem_shared>>) target_semaphore(%run_scoped3A : memref<!tpu.dma_semaphore, #tpu.memory_space<semaphore_mem>>)
        %dma_wait3A = arith.constant 0 : i32
        %dma_wait3A_230 = tpu.memref_slice %arg16[%add3A_50, %dma_wait3A] : memref<5136x128xf32, #tpu.memory_space<vmem_shared>> -> memref<16x128xf32, #tpu.memory_space<vmem_shared>>
        %dma_wait3A_231 = arith.constant 0 : i32
        %dma_wait3A_232 = tpu.memref_slice %arg16[%add3A_50, %dma_wait3A_231] : memref<5136x128xf32, #tpu.memory_space<vmem_shared>> -> memref<16x128xf32, #tpu.memory_space<vmem_shared>>
        tpu.wait_dma2 semaphore(%run_scoped3A : memref<!tpu.dma_semaphore, #tpu.memory_space<semaphore_mem>>) src(%arg14 : memref<16x128xf32, #tpu.memory_space<vmem>>) dst(%dma_wait3A_232 : memref<16x128xf32, #tpu.memory_space<vmem_shared>>)
        tpu.yield
      }) : () -> ()
      %mul3A_51 = arith.constant 320 : i32
      %mul3A_52 = arith.muli %arg1, %mul3A_51 : i32
      %add3A_53 = arith.constant 80 : i32
      %add3A_54 = arith.addi %mul3A_52, %add3A_53 : i32
      "tpu.region"() ({
        %run_scoped3A = tpu.sem_alloc : memref<!tpu.dma_semaphore, #tpu.memory_space<semaphore_mem>>
        %dma_start3A = arith.constant 0 : i32
        %dma_start3A_227 = tpu.memref_slice %arg16[%add3A_54, %dma_start3A] : memref<5136x128xf32, #tpu.memory_space<vmem_shared>> -> memref<16x128xf32, #tpu.memory_space<vmem_shared>>
        %dma_start3A_228 = arith.constant 0 : i32
        %dma_start3A_229 = tpu.memref_slice %arg16[%add3A_54, %dma_start3A_228] : memref<5136x128xf32, #tpu.memory_space<vmem_shared>> -> memref<16x128xf32, #tpu.memory_space<vmem_shared>>
        tpu.enqueue_dma source(%arg14 : memref<16x128xf32, #tpu.memory_space<vmem>>) target(%dma_start3A_229 : memref<16x128xf32, #tpu.memory_space<vmem_shared>>) target_semaphore(%run_scoped3A : memref<!tpu.dma_semaphore, #tpu.memory_space<semaphore_mem>>)
        %dma_wait3A = arith.constant 0 : i32
        %dma_wait3A_230 = tpu.memref_slice %arg16[%add3A_54, %dma_wait3A] : memref<5136x128xf32, #tpu.memory_space<vmem_shared>> -> memref<16x128xf32, #tpu.memory_space<vmem_shared>>
        %dma_wait3A_231 = arith.constant 0 : i32
        %dma_wait3A_232 = tpu.memref_slice %arg16[%add3A_54, %dma_wait3A_231] : memref<5136x128xf32, #tpu.memory_space<vmem_shared>> -> memref<16x128xf32, #tpu.memory_space<vmem_shared>>
        tpu.wait_dma2 semaphore(%run_scoped3A : memref<!tpu.dma_semaphore, #tpu.memory_space<semaphore_mem>>) src(%arg14 : memref<16x128xf32, #tpu.memory_space<vmem>>) dst(%dma_wait3A_232 : memref<16x128xf32, #tpu.memory_space<vmem_shared>>)
        tpu.yield
      }) : () -> ()
      %mul3A_55 = arith.constant 320 : i32
      %mul3A_56 = arith.muli %arg1, %mul3A_55 : i32
      %add3A_57 = arith.constant 96 : i32
      %add3A_58 = arith.addi %mul3A_56, %add3A_57 : i32
      "tpu.region"() ({
        %run_scoped3A = tpu.sem_alloc : memref<!tpu.dma_semaphore, #tpu.memory_space<semaphore_mem>>
        %dma_start3A = arith.constant 0 : i32
        %dma_start3A_227 = tpu.memref_slice %arg16[%add3A_58, %dma_start3A] : memref<5136x128xf32, #tpu.memory_space<vmem_shared>> -> memref<16x128xf32, #tpu.memory_space<vmem_shared>>
        %dma_start3A_228 = arith.constant 0 : i32
        %dma_start3A_229 = tpu.memref_slice %arg16[%add3A_58, %dma_start3A_228] : memref<5136x128xf32, #tpu.memory_space<vmem_shared>> -> memref<16x128xf32, #tpu.memory_space<vmem_shared>>
        tpu.enqueue_dma source(%arg14 : memref<16x128xf32, #tpu.memory_space<vmem>>) target(%dma_start3A_229 : memref<16x128xf32, #tpu.memory_space<vmem_shared>>) target_semaphore(%run_scoped3A : memref<!tpu.dma_semaphore, #tpu.memory_space<semaphore_mem>>)
        %dma_wait3A = arith.constant 0 : i32
        %dma_wait3A_230 = tpu.memref_slice %arg16[%add3A_58, %dma_wait3A] : memref<5136x128xf32, #tpu.memory_space<vmem_shared>> -> memref<16x128xf32, #tpu.memory_space<vmem_shared>>
        %dma_wait3A_231 = arith.constant 0 : i32
        %dma_wait3A_232 = tpu.memref_slice %arg16[%add3A_58, %dma_wait3A_231] : memref<5136x128xf32, #tpu.memory_space<vmem_shared>> -> memref<16x128xf32, #tpu.memory_space<vmem_shared>>
        tpu.wait_dma2 semaphore(%run_scoped3A : memref<!tpu.dma_semaphore, #tpu.memory_space<semaphore_mem>>) src(%arg14 : memref<16x128xf32, #tpu.memory_space<vmem>>) dst(%dma_wait3A_232 : memref<16x128xf32, #tpu.memory_space<vmem_shared>>)
        tpu.yield
      }) : () -> ()
      %mul3A_59 = arith.constant 320 : i32
      %mul3A_60 = arith.muli %arg1, %mul3A_59 : i32
      %add3A_61 = arith.constant 112 : i32
      %add3A_62 = arith.addi %mul3A_60, %add3A_61 : i32
      "tpu.region"() ({
        %run_scoped3A = tpu.sem_alloc : memref<!tpu.dma_semaphore, #tpu.memory_space<semaphore_mem>>
        %dma_start3A = arith.constant 0 : i32
        %dma_start3A_227 = tpu.memref_slice %arg16[%add3A_62, %dma_start3A] : memref<5136x128xf32, #tpu.memory_space<vmem_shared>> -> memref<16x128xf32, #tpu.memory_space<vmem_shared>>
        %dma_start3A_228 = arith.constant 0 : i32
        %dma_start3A_229 = tpu.memref_slice %arg16[%add3A_62, %dma_start3A_228] : memref<5136x128xf32, #tpu.memory_space<vmem_shared>> -> memref<16x128xf32, #tpu.memory_space<vmem_shared>>
        tpu.enqueue_dma source(%arg14 : memref<16x128xf32, #tpu.memory_space<vmem>>) target(%dma_start3A_229 : memref<16x128xf32, #tpu.memory_space<vmem_shared>>) target_semaphore(%run_scoped3A : memref<!tpu.dma_semaphore, #tpu.memory_space<semaphore_mem>>)
        %dma_wait3A = arith.constant 0 : i32
        %dma_wait3A_230 = tpu.memref_slice %arg16[%add3A_62, %dma_wait3A] : memref<5136x128xf32, #tpu.memory_space<vmem_shared>> -> memref<16x128xf32, #tpu.memory_space<vmem_shared>>
        %dma_wait3A_231 = arith.constant 0 : i32
        %dma_wait3A_232 = tpu.memref_slice %arg16[%add3A_62, %dma_wait3A_231] : memref<5136x128xf32, #tpu.memory_space<vmem_shared>> -> memref<16x128xf32, #tpu.memory_space<vmem_shared>>
        tpu.wait_dma2 semaphore(%run_scoped3A : memref<!tpu.dma_semaphore, #tpu.memory_space<semaphore_mem>>) src(%arg14 : memref<16x128xf32, #tpu.memory_space<vmem>>) dst(%dma_wait3A_232 : memref<16x128xf32, #tpu.memory_space<vmem_shared>>)
        tpu.yield
      }) : () -> ()
      %mul3A_63 = arith.constant 320 : i32
      %mul3A_64 = arith.muli %arg1, %mul3A_63 : i32
      %add3A_65 = arith.constant 128 : i32
      %add3A_66 = arith.addi %mul3A_64, %add3A_65 : i32
      "tpu.region"() ({
        %run_scoped3A = tpu.sem_alloc : memref<!tpu.dma_semaphore, #tpu.memory_space<semaphore_mem>>
        %dma_start3A = arith.constant 0 : i32
        %dma_start3A_227 = tpu.memref_slice %arg16[%add3A_66, %dma_start3A] : memref<5136x128xf32, #tpu.memory_space<vmem_shared>> -> memref<16x128xf32, #tpu.memory_space<vmem_shared>>
        %dma_start3A_228 = arith.constant 0 : i32
        %dma_start3A_229 = tpu.memref_slice %arg16[%add3A_66, %dma_start3A_228] : memref<5136x128xf32, #tpu.memory_space<vmem_shared>> -> memref<16x128xf32, #tpu.memory_space<vmem_shared>>
        tpu.enqueue_dma source(%arg14 : memref<16x128xf32, #tpu.memory_space<vmem>>) target(%dma_start3A_229 : memref<16x128xf32, #tpu.memory_space<vmem_shared>>) target_semaphore(%run_scoped3A : memref<!tpu.dma_semaphore, #tpu.memory_space<semaphore_mem>>)
        %dma_wait3A = arith.constant 0 : i32
        %dma_wait3A_230 = tpu.memref_slice %arg16[%add3A_66, %dma_wait3A] : memref<5136x128xf32, #tpu.memory_space<vmem_shared>> -> memref<16x128xf32, #tpu.memory_space<vmem_shared>>
        %dma_wait3A_231 = arith.constant 0 : i32
        %dma_wait3A_232 = tpu.memref_slice %arg16[%add3A_66, %dma_wait3A_231] : memref<5136x128xf32, #tpu.memory_space<vmem_shared>> -> memref<16x128xf32, #tpu.memory_space<vmem_shared>>
        tpu.wait_dma2 semaphore(%run_scoped3A : memref<!tpu.dma_semaphore, #tpu.memory_space<semaphore_mem>>) src(%arg14 : memref<16x128xf32, #tpu.memory_space<vmem>>) dst(%dma_wait3A_232 : memref<16x128xf32, #tpu.memory_space<vmem_shared>>)
        tpu.yield
      }) : () -> ()
      %mul3A_67 = arith.constant 320 : i32
      %mul3A_68 = arith.muli %arg1, %mul3A_67 : i32
      %add3A_69 = arith.constant 144 : i32
      %add3A_70 = arith.addi %mul3A_68, %add3A_69 : i32
      "tpu.region"() ({
        %run_scoped3A = tpu.sem_alloc : memref<!tpu.dma_semaphore, #tpu.memory_space<semaphore_mem>>
        %dma_start3A = arith.constant 0 : i32
        %dma_start3A_227 = tpu.memref_slice %arg16[%add3A_70, %dma_start3A] : memref<5136x128xf32, #tpu.memory_space<vmem_shared>> -> memref<16x128xf32, #tpu.memory_space<vmem_shared>>
        %dma_start3A_228 = arith.constant 0 : i32
        %dma_start3A_229 = tpu.memref_slice %arg16[%add3A_70, %dma_start3A_228] : memref<5136x128xf32, #tpu.memory_space<vmem_shared>> -> memref<16x128xf32, #tpu.memory_space<vmem_shared>>
        tpu.enqueue_dma source(%arg14 : memref<16x128xf32, #tpu.memory_space<vmem>>) target(%dma_start3A_229 : memref<16x128xf32, #tpu.memory_space<vmem_shared>>) target_semaphore(%run_scoped3A : memref<!tpu.dma_semaphore, #tpu.memory_space<semaphore_mem>>)
        %dma_wait3A = arith.constant 0 : i32
        %dma_wait3A_230 = tpu.memref_slice %arg16[%add3A_70, %dma_wait3A] : memref<5136x128xf32, #tpu.memory_space<vmem_shared>> -> memref<16x128xf32, #tpu.memory_space<vmem_shared>>
        %dma_wait3A_231 = arith.constant 0 : i32
        %dma_wait3A_232 = tpu.memref_slice %arg16[%add3A_70, %dma_wait3A_231] : memref<5136x128xf32, #tpu.memory_space<vmem_shared>> -> memref<16x128xf32, #tpu.memory_space<vmem_shared>>
        tpu.wait_dma2 semaphore(%run_scoped3A : memref<!tpu.dma_semaphore, #tpu.memory_space<semaphore_mem>>) src(%arg14 : memref<16x128xf32, #tpu.memory_space<vmem>>) dst(%dma_wait3A_232 : memref<16x128xf32, #tpu.memory_space<vmem_shared>>)
        tpu.yield
      }) : () -> ()
      %mul3A_71 = arith.constant 320 : i32
      %mul3A_72 = arith.muli %arg1, %mul3A_71 : i32
      %add3A_73 = arith.constant 160 : i32
      %add3A_74 = arith.addi %mul3A_72, %add3A_73 : i32
      "tpu.region"() ({
        %run_scoped3A = tpu.sem_alloc : memref<!tpu.dma_semaphore, #tpu.memory_space<semaphore_mem>>
        %dma_start3A = arith.constant 0 : i32
        %dma_start3A_227 = tpu.memref_slice %arg16[%add3A_74, %dma_start3A] : memref<5136x128xf32, #tpu.memory_space<vmem_shared>> -> memref<16x128xf32, #tpu.memory_space<vmem_shared>>
        %dma_start3A_228 = arith.constant 0 : i32
        %dma_start3A_229 = tpu.memref_slice %arg16[%add3A_74, %dma_start3A_228] : memref<5136x128xf32, #tpu.memory_space<vmem_shared>> -> memref<16x128xf32, #tpu.memory_space<vmem_shared>>
        tpu.enqueue_dma source(%arg14 : memref<16x128xf32, #tpu.memory_space<vmem>>) target(%dma_start3A_229 : memref<16x128xf32, #tpu.memory_space<vmem_shared>>) target_semaphore(%run_scoped3A : memref<!tpu.dma_semaphore, #tpu.memory_space<semaphore_mem>>)
        %dma_wait3A = arith.constant 0 : i32
        %dma_wait3A_230 = tpu.memref_slice %arg16[%add3A_74, %dma_wait3A] : memref<5136x128xf32, #tpu.memory_space<vmem_shared>> -> memref<16x128xf32, #tpu.memory_space<vmem_shared>>
        %dma_wait3A_231 = arith.constant 0 : i32
        %dma_wait3A_232 = tpu.memref_slice %arg16[%add3A_74, %dma_wait3A_231] : memref<5136x128xf32, #tpu.memory_space<vmem_shared>> -> memref<16x128xf32, #tpu.memory_space<vmem_shared>>
        tpu.wait_dma2 semaphore(%run_scoped3A : memref<!tpu.dma_semaphore, #tpu.memory_space<semaphore_mem>>) src(%arg14 : memref<16x128xf32, #tpu.memory_space<vmem>>) dst(%dma_wait3A_232 : memref<16x128xf32, #tpu.memory_space<vmem_shared>>)
        tpu.yield
      }) : () -> ()
      %mul3A_75 = arith.constant 320 : i32
      %mul3A_76 = arith.muli %arg1, %mul3A_75 : i32
      %add3A_77 = arith.constant 176 : i32
      %add3A_78 = arith.addi %mul3A_76, %add3A_77 : i32
      "tpu.region"() ({
        %run_scoped3A = tpu.sem_alloc : memref<!tpu.dma_semaphore, #tpu.memory_space<semaphore_mem>>
        %dma_start3A = arith.constant 0 : i32
        %dma_start3A_227 = tpu.memref_slice %arg16[%add3A_78, %dma_start3A] : memref<5136x128xf32, #tpu.memory_space<vmem_shared>> -> memref<16x128xf32, #tpu.memory_space<vmem_shared>>
        %dma_start3A_228 = arith.constant 0 : i32
        %dma_start3A_229 = tpu.memref_slice %arg16[%add3A_78, %dma_start3A_228] : memref<5136x128xf32, #tpu.memory_space<vmem_shared>> -> memref<16x128xf32, #tpu.memory_space<vmem_shared>>
        tpu.enqueue_dma source(%arg14 : memref<16x128xf32, #tpu.memory_space<vmem>>) target(%dma_start3A_229 : memref<16x128xf32, #tpu.memory_space<vmem_shared>>) target_semaphore(%run_scoped3A : memref<!tpu.dma_semaphore, #tpu.memory_space<semaphore_mem>>)
        %dma_wait3A = arith.constant 0 : i32
        %dma_wait3A_230 = tpu.memref_slice %arg16[%add3A_78, %dma_wait3A] : memref<5136x128xf32, #tpu.memory_space<vmem_shared>> -> memref<16x128xf32, #tpu.memory_space<vmem_shared>>
        %dma_wait3A_231 = arith.constant 0 : i32
        %dma_wait3A_232 = tpu.memref_slice %arg16[%add3A_78, %dma_wait3A_231] : memref<5136x128xf32, #tpu.memory_space<vmem_shared>> -> memref<16x128xf32, #tpu.memory_space<vmem_shared>>
        tpu.wait_dma2 semaphore(%run_scoped3A : memref<!tpu.dma_semaphore, #tpu.memory_space<semaphore_mem>>) src(%arg14 : memref<16x128xf32, #tpu.memory_space<vmem>>) dst(%dma_wait3A_232 : memref<16x128xf32, #tpu.memory_space<vmem_shared>>)
        tpu.yield
      }) : () -> ()
      %mul3A_79 = arith.constant 320 : i32
      %mul3A_80 = arith.muli %arg1, %mul3A_79 : i32
      %add3A_81 = arith.constant 192 : i32
      %add3A_82 = arith.addi %mul3A_80, %add3A_81 : i32
      "tpu.region"() ({
        %run_scoped3A = tpu.sem_alloc : memref<!tpu.dma_semaphore, #tpu.memory_space<semaphore_mem>>
        %dma_start3A = arith.constant 0 : i32
        %dma_start3A_227 = tpu.memref_slice %arg16[%add3A_82, %dma_start3A] : memref<5136x128xf32, #tpu.memory_space<vmem_shared>> -> memref<16x128xf32, #tpu.memory_space<vmem_shared>>
        %dma_start3A_228 = arith.constant 0 : i32
        %dma_start3A_229 = tpu.memref_slice %arg16[%add3A_82, %dma_start3A_228] : memref<5136x128xf32, #tpu.memory_space<vmem_shared>> -> memref<16x128xf32, #tpu.memory_space<vmem_shared>>
        tpu.enqueue_dma source(%arg14 : memref<16x128xf32, #tpu.memory_space<vmem>>) target(%dma_start3A_229 : memref<16x128xf32, #tpu.memory_space<vmem_shared>>) target_semaphore(%run_scoped3A : memref<!tpu.dma_semaphore, #tpu.memory_space<semaphore_mem>>)
        %dma_wait3A = arith.constant 0 : i32
        %dma_wait3A_230 = tpu.memref_slice %arg16[%add3A_82, %dma_wait3A] : memref<5136x128xf32, #tpu.memory_space<vmem_shared>> -> memref<16x128xf32, #tpu.memory_space<vmem_shared>>
        %dma_wait3A_231 = arith.constant 0 : i32
        %dma_wait3A_232 = tpu.memref_slice %arg16[%add3A_82, %dma_wait3A_231] : memref<5136x128xf32, #tpu.memory_space<vmem_shared>> -> memref<16x128xf32, #tpu.memory_space<vmem_shared>>
        tpu.wait_dma2 semaphore(%run_scoped3A : memref<!tpu.dma_semaphore, #tpu.memory_space<semaphore_mem>>) src(%arg14 : memref<16x128xf32, #tpu.memory_space<vmem>>) dst(%dma_wait3A_232 : memref<16x128xf32, #tpu.memory_space<vmem_shared>>)
        tpu.yield
      }) : () -> ()
      %mul3A_83 = arith.constant 320 : i32
      %mul3A_84 = arith.muli %arg1, %mul3A_83 : i32
      %add3A_85 = arith.constant 208 : i32
      %add3A_86 = arith.addi %mul3A_84, %add3A_85 : i32
      "tpu.region"() ({
        %run_scoped3A = tpu.sem_alloc : memref<!tpu.dma_semaphore, #tpu.memory_space<semaphore_mem>>
        %dma_start3A = arith.constant 0 : i32
        %dma_start3A_227 = tpu.memref_slice %arg16[%add3A_86, %dma_start3A] : memref<5136x128xf32, #tpu.memory_space<vmem_shared>> -> memref<16x128xf32, #tpu.memory_space<vmem_shared>>
        %dma_start3A_228 = arith.constant 0 : i32
        %dma_start3A_229 = tpu.memref_slice %arg16[%add3A_86, %dma_start3A_228] : memref<5136x128xf32, #tpu.memory_space<vmem_shared>> -> memref<16x128xf32, #tpu.memory_space<vmem_shared>>
        tpu.enqueue_dma source(%arg14 : memref<16x128xf32, #tpu.memory_space<vmem>>) target(%dma_start3A_229 : memref<16x128xf32, #tpu.memory_space<vmem_shared>>) target_semaphore(%run_scoped3A : memref<!tpu.dma_semaphore, #tpu.memory_space<semaphore_mem>>)
        %dma_wait3A = arith.constant 0 : i32
        %dma_wait3A_230 = tpu.memref_slice %arg16[%add3A_86, %dma_wait3A] : memref<5136x128xf32, #tpu.memory_space<vmem_shared>> -> memref<16x128xf32, #tpu.memory_space<vmem_shared>>
        %dma_wait3A_231 = arith.constant 0 : i32
        %dma_wait3A_232 = tpu.memref_slice %arg16[%add3A_86, %dma_wait3A_231] : memref<5136x128xf32, #tpu.memory_space<vmem_shared>> -> memref<16x128xf32, #tpu.memory_space<vmem_shared>>
        tpu.wait_dma2 semaphore(%run_scoped3A : memref<!tpu.dma_semaphore, #tpu.memory_space<semaphore_mem>>) src(%arg14 : memref<16x128xf32, #tpu.memory_space<vmem>>) dst(%dma_wait3A_232 : memref<16x128xf32, #tpu.memory_space<vmem_shared>>)
        tpu.yield
      }) : () -> ()
      %mul3A_87 = arith.constant 320 : i32
      %mul3A_88 = arith.muli %arg1, %mul3A_87 : i32
      %add3A_89 = arith.constant 224 : i32
      %add3A_90 = arith.addi %mul3A_88, %add3A_89 : i32
      "tpu.region"() ({
        %run_scoped3A = tpu.sem_alloc : memref<!tpu.dma_semaphore, #tpu.memory_space<semaphore_mem>>
        %dma_start3A = arith.constant 0 : i32
        %dma_start3A_227 = tpu.memref_slice %arg16[%add3A_90, %dma_start3A] : memref<5136x128xf32, #tpu.memory_space<vmem_shared>> -> memref<16x128xf32, #tpu.memory_space<vmem_shared>>
        %dma_start3A_228 = arith.constant 0 : i32
        %dma_start3A_229 = tpu.memref_slice %arg16[%add3A_90, %dma_start3A_228] : memref<5136x128xf32, #tpu.memory_space<vmem_shared>> -> memref<16x128xf32, #tpu.memory_space<vmem_shared>>
        tpu.enqueue_dma source(%arg14 : memref<16x128xf32, #tpu.memory_space<vmem>>) target(%dma_start3A_229 : memref<16x128xf32, #tpu.memory_space<vmem_shared>>) target_semaphore(%run_scoped3A : memref<!tpu.dma_semaphore, #tpu.memory_space<semaphore_mem>>)
        %dma_wait3A = arith.constant 0 : i32
        %dma_wait3A_230 = tpu.memref_slice %arg16[%add3A_90, %dma_wait3A] : memref<5136x128xf32, #tpu.memory_space<vmem_shared>> -> memref<16x128xf32, #tpu.memory_space<vmem_shared>>
        %dma_wait3A_231 = arith.constant 0 : i32
        %dma_wait3A_232 = tpu.memref_slice %arg16[%add3A_90, %dma_wait3A_231] : memref<5136x128xf32, #tpu.memory_space<vmem_shared>> -> memref<16x128xf32, #tpu.memory_space<vmem_shared>>
        tpu.wait_dma2 semaphore(%run_scoped3A : memref<!tpu.dma_semaphore, #tpu.memory_space<semaphore_mem>>) src(%arg14 : memref<16x128xf32, #tpu.memory_space<vmem>>) dst(%dma_wait3A_232 : memref<16x128xf32, #tpu.memory_space<vmem_shared>>)
        tpu.yield
      }) : () -> ()
      %mul3A_91 = arith.constant 320 : i32
      %mul3A_92 = arith.muli %arg1, %mul3A_91 : i32
      %add3A_93 = arith.constant 240 : i32
      %add3A_94 = arith.addi %mul3A_92, %add3A_93 : i32
      "tpu.region"() ({
        %run_scoped3A = tpu.sem_alloc : memref<!tpu.dma_semaphore, #tpu.memory_space<semaphore_mem>>
        %dma_start3A = arith.constant 0 : i32
        %dma_start3A_227 = tpu.memref_slice %arg16[%add3A_94, %dma_start3A] : memref<5136x128xf32, #tpu.memory_space<vmem_shared>> -> memref<16x128xf32, #tpu.memory_space<vmem_shared>>
        %dma_start3A_228 = arith.constant 0 : i32
        %dma_start3A_229 = tpu.memref_slice %arg16[%add3A_94, %dma_start3A_228] : memref<5136x128xf32, #tpu.memory_space<vmem_shared>> -> memref<16x128xf32, #tpu.memory_space<vmem_shared>>
        tpu.enqueue_dma source(%arg14 : memref<16x128xf32, #tpu.memory_space<vmem>>) target(%dma_start3A_229 : memref<16x128xf32, #tpu.memory_space<vmem_shared>>) target_semaphore(%run_scoped3A : memref<!tpu.dma_semaphore, #tpu.memory_space<semaphore_mem>>)
        %dma_wait3A = arith.constant 0 : i32
        %dma_wait3A_230 = tpu.memref_slice %arg16[%add3A_94, %dma_wait3A] : memref<5136x128xf32, #tpu.memory_space<vmem_shared>> -> memref<16x128xf32, #tpu.memory_space<vmem_shared>>
        %dma_wait3A_231 = arith.constant 0 : i32
        %dma_wait3A_232 = tpu.memref_slice %arg16[%add3A_94, %dma_wait3A_231] : memref<5136x128xf32, #tpu.memory_space<vmem_shared>> -> memref<16x128xf32, #tpu.memory_space<vmem_shared>>
        tpu.wait_dma2 semaphore(%run_scoped3A : memref<!tpu.dma_semaphore, #tpu.memory_space<semaphore_mem>>) src(%arg14 : memref<16x128xf32, #tpu.memory_space<vmem>>) dst(%dma_wait3A_232 : memref<16x128xf32, #tpu.memory_space<vmem_shared>>)
        tpu.yield
      }) : () -> ()
      %mul3A_95 = arith.constant 320 : i32
      %mul3A_96 = arith.muli %arg1, %mul3A_95 : i32
      %add3A_97 = arith.constant 256 : i32
      %add3A_98 = arith.addi %mul3A_96, %add3A_97 : i32
      "tpu.region"() ({
        %run_scoped3A = tpu.sem_alloc : memref<!tpu.dma_semaphore, #tpu.memory_space<semaphore_mem>>
        %dma_start3A = arith.constant 0 : i32
        %dma_start3A_227 = tpu.memref_slice %arg16[%add3A_98, %dma_start3A] : memref<5136x128xf32, #tpu.memory_space<vmem_shared>> -> memref<16x128xf32, #tpu.memory_space<vmem_shared>>
        %dma_start3A_228 = arith.constant 0 : i32
        %dma_start3A_229 = tpu.memref_slice %arg16[%add3A_98, %dma_start3A_228] : memref<5136x128xf32, #tpu.memory_space<vmem_shared>> -> memref<16x128xf32, #tpu.memory_space<vmem_shared>>
        tpu.enqueue_dma source(%arg14 : memref<16x128xf32, #tpu.memory_space<vmem>>) target(%dma_start3A_229 : memref<16x128xf32, #tpu.memory_space<vmem_shared>>) target_semaphore(%run_scoped3A : memref<!tpu.dma_semaphore, #tpu.memory_space<semaphore_mem>>)
        %dma_wait3A = arith.constant 0 : i32
        %dma_wait3A_230 = tpu.memref_slice %arg16[%add3A_98, %dma_wait3A] : memref<5136x128xf32, #tpu.memory_space<vmem_shared>> -> memref<16x128xf32, #tpu.memory_space<vmem_shared>>
        %dma_wait3A_231 = arith.constant 0 : i32
        %dma_wait3A_232 = tpu.memref_slice %arg16[%add3A_98, %dma_wait3A_231] : memref<5136x128xf32, #tpu.memory_space<vmem_shared>> -> memref<16x128xf32, #tpu.memory_space<vmem_shared>>
        tpu.wait_dma2 semaphore(%run_scoped3A : memref<!tpu.dma_semaphore, #tpu.memory_space<semaphore_mem>>) src(%arg14 : memref<16x128xf32, #tpu.memory_space<vmem>>) dst(%dma_wait3A_232 : memref<16x128xf32, #tpu.memory_space<vmem_shared>>)
        tpu.yield
      }) : () -> ()
      %mul3A_99 = arith.constant 320 : i32
      %mul3A_100 = arith.muli %arg1, %mul3A_99 : i32
      %add3A_101 = arith.constant 272 : i32
      %add3A_102 = arith.addi %mul3A_100, %add3A_101 : i32
      "tpu.region"() ({
        %run_scoped3A = tpu.sem_alloc : memref<!tpu.dma_semaphore, #tpu.memory_space<semaphore_mem>>
        %dma_start3A = arith.constant 0 : i32
        %dma_start3A_227 = tpu.memref_slice %arg16[%add3A_102, %dma_start3A] : memref<5136x128xf32, #tpu.memory_space<vmem_shared>> -> memref<16x128xf32, #tpu.memory_space<vmem_shared>>
        %dma_start3A_228 = arith.constant 0 : i32
        %dma_start3A_229 = tpu.memref_slice %arg16[%add3A_102, %dma_start3A_228] : memref<5136x128xf32, #tpu.memory_space<vmem_shared>> -> memref<16x128xf32, #tpu.memory_space<vmem_shared>>
        tpu.enqueue_dma source(%arg14 : memref<16x128xf32, #tpu.memory_space<vmem>>) target(%dma_start3A_229 : memref<16x128xf32, #tpu.memory_space<vmem_shared>>) target_semaphore(%run_scoped3A : memref<!tpu.dma_semaphore, #tpu.memory_space<semaphore_mem>>)
        %dma_wait3A = arith.constant 0 : i32
        %dma_wait3A_230 = tpu.memref_slice %arg16[%add3A_102, %dma_wait3A] : memref<5136x128xf32, #tpu.memory_space<vmem_shared>> -> memref<16x128xf32, #tpu.memory_space<vmem_shared>>
        %dma_wait3A_231 = arith.constant 0 : i32
        %dma_wait3A_232 = tpu.memref_slice %arg16[%add3A_102, %dma_wait3A_231] : memref<5136x128xf32, #tpu.memory_space<vmem_shared>> -> memref<16x128xf32, #tpu.memory_space<vmem_shared>>
        tpu.wait_dma2 semaphore(%run_scoped3A : memref<!tpu.dma_semaphore, #tpu.memory_space<semaphore_mem>>) src(%arg14 : memref<16x128xf32, #tpu.memory_space<vmem>>) dst(%dma_wait3A_232 : memref<16x128xf32, #tpu.memory_space<vmem_shared>>)
        tpu.yield
      }) : () -> ()
      %mul3A_103 = arith.constant 320 : i32
      %mul3A_104 = arith.muli %arg1, %mul3A_103 : i32
      %add3A_105 = arith.constant 288 : i32
      %add3A_106 = arith.addi %mul3A_104, %add3A_105 : i32
      "tpu.region"() ({
        %run_scoped3A = tpu.sem_alloc : memref<!tpu.dma_semaphore, #tpu.memory_space<semaphore_mem>>
        %dma_start3A = arith.constant 0 : i32
        %dma_start3A_227 = tpu.memref_slice %arg16[%add3A_106, %dma_start3A] : memref<5136x128xf32, #tpu.memory_space<vmem_shared>> -> memref<16x128xf32, #tpu.memory_space<vmem_shared>>
        %dma_start3A_228 = arith.constant 0 : i32
        %dma_start3A_229 = tpu.memref_slice %arg16[%add3A_106, %dma_start3A_228] : memref<5136x128xf32, #tpu.memory_space<vmem_shared>> -> memref<16x128xf32, #tpu.memory_space<vmem_shared>>
        tpu.enqueue_dma source(%arg14 : memref<16x128xf32, #tpu.memory_space<vmem>>) target(%dma_start3A_229 : memref<16x128xf32, #tpu.memory_space<vmem_shared>>) target_semaphore(%run_scoped3A : memref<!tpu.dma_semaphore, #tpu.memory_space<semaphore_mem>>)
        %dma_wait3A = arith.constant 0 : i32
        %dma_wait3A_230 = tpu.memref_slice %arg16[%add3A_106, %dma_wait3A] : memref<5136x128xf32, #tpu.memory_space<vmem_shared>> -> memref<16x128xf32, #tpu.memory_space<vmem_shared>>
        %dma_wait3A_231 = arith.constant 0 : i32
        %dma_wait3A_232 = tpu.memref_slice %arg16[%add3A_106, %dma_wait3A_231] : memref<5136x128xf32, #tpu.memory_space<vmem_shared>> -> memref<16x128xf32, #tpu.memory_space<vmem_shared>>
        tpu.wait_dma2 semaphore(%run_scoped3A : memref<!tpu.dma_semaphore, #tpu.memory_space<semaphore_mem>>) src(%arg14 : memref<16x128xf32, #tpu.memory_space<vmem>>) dst(%dma_wait3A_232 : memref<16x128xf32, #tpu.memory_space<vmem_shared>>)
        tpu.yield
      }) : () -> ()
      %mul3A_107 = arith.constant 320 : i32
      %mul3A_108 = arith.muli %arg1, %mul3A_107 : i32
      %add3A_109 = arith.constant 304 : i32
      %add3A_110 = arith.addi %mul3A_108, %add3A_109 : i32
      "tpu.region"() ({
        %run_scoped3A = tpu.sem_alloc : memref<!tpu.dma_semaphore, #tpu.memory_space<semaphore_mem>>
        %dma_start3A = arith.constant 0 : i32
        %dma_start3A_227 = tpu.memref_slice %arg16[%add3A_110, %dma_start3A] : memref<5136x128xf32, #tpu.memory_space<vmem_shared>> -> memref<16x128xf32, #tpu.memory_space<vmem_shared>>
        %dma_start3A_228 = arith.constant 0 : i32
        %dma_start3A_229 = tpu.memref_slice %arg16[%add3A_110, %dma_start3A_228] : memref<5136x128xf32, #tpu.memory_space<vmem_shared>> -> memref<16x128xf32, #tpu.memory_space<vmem_shared>>
        tpu.enqueue_dma source(%arg14 : memref<16x128xf32, #tpu.memory_space<vmem>>) target(%dma_start3A_229 : memref<16x128xf32, #tpu.memory_space<vmem_shared>>) target_semaphore(%run_scoped3A : memref<!tpu.dma_semaphore, #tpu.memory_space<semaphore_mem>>)
        %dma_wait3A = arith.constant 0 : i32
        %dma_wait3A_230 = tpu.memref_slice %arg16[%add3A_110, %dma_wait3A] : memref<5136x128xf32, #tpu.memory_space<vmem_shared>> -> memref<16x128xf32, #tpu.memory_space<vmem_shared>>
        %dma_wait3A_231 = arith.constant 0 : i32
        %dma_wait3A_232 = tpu.memref_slice %arg16[%add3A_110, %dma_wait3A_231] : memref<5136x128xf32, #tpu.memory_space<vmem_shared>> -> memref<16x128xf32, #tpu.memory_space<vmem_shared>>
        tpu.wait_dma2 semaphore(%run_scoped3A : memref<!tpu.dma_semaphore, #tpu.memory_space<semaphore_mem>>) src(%arg14 : memref<16x128xf32, #tpu.memory_space<vmem>>) dst(%dma_wait3A_232 : memref<16x128xf32, #tpu.memory_space<vmem_shared>>)
        tpu.yield
      }) : () -> ()
      %barrier3A = arith.constant 0 : index
      tpu.barrier barrier_id(%barrier3A)
      %broadcast_in_dim3A_111 = vector.broadcast %shift_right_arithmetic3A_24 : i32 to vector<16xi32>
      %broadcast_in_dim3A_112 = vector.broadcast %mul3A_27 : i32 to vector<16xi32>
      %parallel_loop3A_113 = arith.constant 0 : i32
      %parallel_loop3A_114 = arith.constant 625 : i32
      %parallel_loop3A_115 = arith.constant 1 : i32
      %parallel_loop3A_116 = scf.for %parallel_loop3A_227 = %parallel_loop3A_113 to %parallel_loop3A_114 step %parallel_loop3A_115 iter_args(%parallel_loop3A_228 = %broadcast_in_dim3A_7) -> (vector<16xi32>)  : i32 {
        %parallel_loop3A_229 = arith.constant 16 : i32
        %parallel_loop3A_230 = arith.muli %parallel_loop3A_227, %parallel_loop3A_229 : i32
        %parallel_loop3A_231 = arith.index_cast %parallel_loop3A_230 : i32 to index
        %parallel_loop3A_232 = tpu.vector_load %arg7[%parallel_loop3A_231] {strides = array<i32>} : memref<10000xi32, #tpu.memory_space<vmem>>, vector<16xi32>,
        %parallel_loop3A_233 = arith.andi %parallel_loop3A_232, %broadcast_in_dim3A_13 : vector<16xi32>
        %parallel_loop3A_234 = arith.constant 14 : i32
        %parallel_loop3A_235 = vector.broadcast %parallel_loop3A_234 : i32 to vector<16xi32>
        %parallel_loop3A_236 = arith.shrsi %parallel_loop3A_232, %parallel_loop3A_235 : vector<16xi32>
        %parallel_loop3A_237 = arith.andi %parallel_loop3A_236, %broadcast_in_dim3A_13 : vector<16xi32>
        %parallel_loop3A_238 = arith.constant 28 : i32
        %parallel_loop3A_239 = vector.broadcast %parallel_loop3A_238 : i32 to vector<16xi32>
        %parallel_loop3A_240 = arith.shrsi %parallel_loop3A_232, %parallel_loop3A_239 : vector<16xi32>
        %parallel_loop3A_241 = arith.subi %parallel_loop3A_237, %broadcast_in_dim3A_112 : vector<16xi32>
        %parallel_loop3A_242 = arith.cmpi eq, %parallel_loop3A_240, %broadcast_in_dim3A_111 : vector<16xi32>
        %parallel_loop3A_243 = arith.cmpi sge, %parallel_loop3A_241, %broadcast_in_dim3A_7 : vector<16xi32>
        %parallel_loop3A_244 = arith.andi %parallel_loop3A_242, %parallel_loop3A_243 : vector<16xi1>
        %parallel_loop3A_245 = arith.constant 5120 : i32
        %parallel_loop3A_246 = vector.broadcast %parallel_loop3A_245 : i32 to vector<16xi32>
        %parallel_loop3A_247 = arith.cmpi slt, %parallel_loop3A_241, %parallel_loop3A_246 : vector<16xi32>
        %parallel_loop3A_248 = arith.andi %parallel_loop3A_244, %parallel_loop3A_247 : vector<16xi1>
        %parallel_loop3A_249 = arith.constant 1 : i32
        %parallel_loop3A_250 = arith.constant 0 : i32
        %parallel_loop3A_251 = vector.broadcast %parallel_loop3A_249 : i32 to vector<16xi32>
        %parallel_loop3A_252 = vector.broadcast %parallel_loop3A_250 : i32 to vector<16xi32>
        %parallel_loop3A_253 = arith.select %parallel_loop3A_248, %parallel_loop3A_251, %parallel_loop3A_252 : vector<16xi1>, vector<16xi32>
        %parallel_loop3A_254 = arith.constant 1 : i32
        %parallel_loop3A_255 = vector.broadcast %parallel_loop3A_254 : i32 to vector<16xi32>
        %parallel_loop3A_256 = arith.subi %iota3A, %parallel_loop3A_255 : vector<16xi32>
        %parallel_loop3A_257 = arith.constant 0 : i32
        %parallel_loop3A_258 = vector.broadcast %parallel_loop3A_257 : i32 to vector<16xi32>
        %parallel_loop3A_259 = arith.maxsi %parallel_loop3A_256, %parallel_loop3A_258 : vector<16xi32>
        %parallel_loop3A_260 = vector.shape_cast %parallel_loop3A_259 : vector<16xi32> to vector<16x1xi32>
        %parallel_loop3A_261 = vector.shape_cast %parallel_loop3A_260 : vector<16x1xi32> to vector<16xi32>
        %parallel_loop3A_262 = tpu.dynamic_gather %parallel_loop3A_253[%parallel_loop3A_261] in [0] : vector<16xi32>, vector<16xi32> -> vector<16xi32>
        %parallel_loop3A_263 = arith.constant 1 : i32
        %parallel_loop3A_264 = vector.broadcast %parallel_loop3A_263 : i32 to vector<16xi32>
        %parallel_loop3A_265 = arith.cmpi sge, %iota3A, %parallel_loop3A_264 : vector<16xi32>
        %parallel_loop3A_266 = arith.constant 0 : i32
        %parallel_loop3A_267 = vector.broadcast %parallel_loop3A_266 : i32 to vector<16xi32>
        %parallel_loop3A_268 = arith.select %parallel_loop3A_265, %parallel_loop3A_262, %parallel_loop3A_267 : vector<16xi1>, vector<16xi32>
        %parallel_loop3A_269 = arith.addi %parallel_loop3A_253, %parallel_loop3A_268 : vector<16xi32>
        %parallel_loop3A_270 = arith.constant 2 : i32
        %parallel_loop3A_271 = vector.broadcast %parallel_loop3A_270 : i32 to vector<16xi32>
        %parallel_loop3A_272 = arith.subi %iota3A, %parallel_loop3A_271 : vector<16xi32>
        %parallel_loop3A_273 = arith.constant 0 : i32
        %parallel_loop3A_274 = vector.broadcast %parallel_loop3A_273 : i32 to vector<16xi32>
        %parallel_loop3A_275 = arith.maxsi %parallel_loop3A_272, %parallel_loop3A_274 : vector<16xi32>
        %parallel_loop3A_276 = vector.shape_cast %parallel_loop3A_275 : vector<16xi32> to vector<16x1xi32>
        %parallel_loop3A_277 = vector.shape_cast %parallel_loop3A_276 : vector<16x1xi32> to vector<16xi32>
        %parallel_loop3A_278 = tpu.dynamic_gather %parallel_loop3A_269[%parallel_loop3A_277] in [0] : vector<16xi32>, vector<16xi32> -> vector<16xi32>
        %parallel_loop3A_279 = arith.constant 2 : i32
        %parallel_loop3A_280 = vector.broadcast %parallel_loop3A_279 : i32 to vector<16xi32>
        %parallel_loop3A_281 = arith.cmpi sge, %iota3A, %parallel_loop3A_280 : vector<16xi32>
        %parallel_loop3A_282 = arith.constant 0 : i32
        %parallel_loop3A_283 = vector.broadcast %parallel_loop3A_282 : i32 to vector<16xi32>
        %parallel_loop3A_284 = arith.select %parallel_loop3A_281, %parallel_loop3A_278, %parallel_loop3A_283 : vector<16xi1>, vector<16xi32>
        %parallel_loop3A_285 = arith.addi %parallel_loop3A_269, %parallel_loop3A_284 : vector<16xi32>
        %parallel_loop3A_286 = arith.constant 4 : i32
        %parallel_loop3A_287 = vector.broadcast %parallel_loop3A_286 : i32 to vector<16xi32>
        %parallel_loop3A_288 = arith.subi %iota3A, %parallel_loop3A_287 : vector<16xi32>
        %parallel_loop3A_289 = arith.constant 0 : i32
        %parallel_loop3A_290 = vector.broadcast %parallel_loop3A_289 : i32 to vector<16xi32>
        %parallel_loop3A_291 = arith.maxsi %parallel_loop3A_288, %parallel_loop3A_290 : vector<16xi32>
        %parallel_loop3A_292 = vector.shape_cast %parallel_loop3A_291 : vector<16xi32> to vector<16x1xi32>
        %parallel_loop3A_293 = vector.shape_cast %parallel_loop3A_292 : vector<16x1xi32> to vector<16xi32>
        %parallel_loop3A_294 = tpu.dynamic_gather %parallel_loop3A_285[%parallel_loop3A_293] in [0] : vector<16xi32>, vector<16xi32> -> vector<16xi32>
        %parallel_loop3A_295 = arith.constant 4 : i32
        %parallel_loop3A_296 = vector.broadcast %parallel_loop3A_295 : i32 to vector<16xi32>
        %parallel_loop3A_297 = arith.cmpi sge, %iota3A, %parallel_loop3A_296 : vector<16xi32>
        %parallel_loop3A_298 = arith.constant 0 : i32
        %parallel_loop3A_299 = vector.broadcast %parallel_loop3A_298 : i32 to vector<16xi32>
        %parallel_loop3A_300 = arith.select %parallel_loop3A_297, %parallel_loop3A_294, %parallel_loop3A_299 : vector<16xi1>, vector<16xi32>
        %parallel_loop3A_301 = arith.addi %parallel_loop3A_285, %parallel_loop3A_300 : vector<16xi32>
        %parallel_loop3A_302 = arith.constant 8 : i32
        %parallel_loop3A_303 = vector.broadcast %parallel_loop3A_302 : i32 to vector<16xi32>
        %parallel_loop3A_304 = arith.subi %iota3A, %parallel_loop3A_303 : vector<16xi32>
        %parallel_loop3A_305 = arith.constant 0 : i32
        %parallel_loop3A_306 = vector.broadcast %parallel_loop3A_305 : i32 to vector<16xi32>
        %parallel_loop3A_307 = arith.maxsi %parallel_loop3A_304, %parallel_loop3A_306 : vector<16xi32>
        %parallel_loop3A_308 = vector.shape_cast %parallel_loop3A_307 : vector<16xi32> to vector<16x1xi32>
        %parallel_loop3A_309 = vector.shape_cast %parallel_loop3A_308 : vector<16x1xi32> to vector<16xi32>
        %parallel_loop3A_310 = tpu.dynamic_gather %parallel_loop3A_301[%parallel_loop3A_309] in [0] : vector<16xi32>, vector<16xi32> -> vector<16xi32>
        %parallel_loop3A_311 = arith.constant 8 : i32
        %parallel_loop3A_312 = vector.broadcast %parallel_loop3A_311 : i32 to vector<16xi32>
        %parallel_loop3A_313 = arith.cmpi sge, %iota3A, %parallel_loop3A_312 : vector<16xi32>
        %parallel_loop3A_314 = arith.constant 0 : i32
        %parallel_loop3A_315 = vector.broadcast %parallel_loop3A_314 : i32 to vector<16xi32>
        %parallel_loop3A_316 = arith.select %parallel_loop3A_313, %parallel_loop3A_310, %parallel_loop3A_315 : vector<16xi1>, vector<16xi32>
        %parallel_loop3A_317 = arith.addi %parallel_loop3A_301, %parallel_loop3A_316 : vector<16xi32>
        %parallel_loop3A_318 = arith.addi %parallel_loop3A_228, %parallel_loop3A_317 : vector<16xi32>
        %parallel_loop3A_319 = arith.constant 1 : i32
        %parallel_loop3A_320 = vector.broadcast %parallel_loop3A_319 : i32 to vector<16xi32>
        %parallel_loop3A_321 = arith.subi %parallel_loop3A_318, %parallel_loop3A_320 : vector<16xi32>
        %parallel_loop3A_322 = arith.constant 10048 : i32
        %parallel_loop3A_323 = vector.broadcast %parallel_loop3A_322 : i32 to vector<16xi32>
        %parallel_loop3A_324 = arith.select %parallel_loop3A_248, %parallel_loop3A_321, %parallel_loop3A_323 : vector<16xi1>, vector<16xi32>
        %parallel_loop3A_325 = arith.constant 4 : i32
        %parallel_loop3A_326 = vector.broadcast %parallel_loop3A_325 : i32 to vector<16xi32>
        %parallel_loop3A_327 = arith.muli %parallel_loop3A_233, %parallel_loop3A_326 : vector<16xi32>
        %parallel_loop3A_328 = arith.addi %parallel_loop3A_327, %parallel_loop3A_240 : vector<16xi32>
        %parallel_loop3A_329 = arith.constant 16 : i32
        %parallel_loop3A_330 = vector.broadcast %parallel_loop3A_329 : i32 to vector<16xi32>
        %parallel_loop3A_331 = arith.shli %parallel_loop3A_241, %parallel_loop3A_330 : vector<16xi32>
        %parallel_loop3A_332 = arith.ori %parallel_loop3A_328, %parallel_loop3A_331 : vector<16xi32>
        tpu.vector_store_idx %arg8[%parallel_loop3A_324], %parallel_loop3A_332 : memref<10032xi32, #tpu.memory_space<vmem>>[vector<16xi32>], vector<16xi32>,
        %parallel_loop3A_333 = arith.constant 5120 : i32
        %parallel_loop3A_334 = vector.broadcast %parallel_loop3A_333 : i32 to vector<16xi32>
        %parallel_loop3A_335 = arith.select %parallel_loop3A_248, %parallel_loop3A_241, %parallel_loop3A_334 : vector<16xi1>, vector<16xi32>
        %parallel_loop3A_336 = arith.constant 1.000000e+00 : f32
        %parallel_loop3A_337 = arith.constant 0.000000e+00 : f32
        %parallel_loop3A_338 = vector.broadcast %parallel_loop3A_336 : f32 to vector<16xf32>
        %parallel_loop3A_339 = vector.broadcast %parallel_loop3A_337 : f32 to vector<16xf32>
        %parallel_loop3A_340 = arith.select %parallel_loop3A_248, %parallel_loop3A_338, %parallel_loop3A_339 : vector<16xi1>, vector<16xf32>
        tpu.vector_store_idx %arg15[%parallel_loop3A_335], %parallel_loop3A_340 {add = true} : memref<5136xf32, #tpu.memory_space<vmem>>[vector<16xi32>], vector<16xf32>,
        %parallel_loop3A_341 = vector.shape_cast %broadcast_in_dim3A_11 : vector<16xi32> to vector<16x1xi32>
        %parallel_loop3A_342 = vector.shape_cast %parallel_loop3A_341 : vector<16x1xi32> to vector<16xi32>
        %parallel_loop3A_343 = tpu.dynamic_gather %parallel_loop3A_317[%parallel_loop3A_342] in [0] : vector<16xi32>, vector<16xi32> -> vector<16xi32>
        %parallel_loop3A_344 = arith.addi %parallel_loop3A_228, %parallel_loop3A_343 : vector<16xi32>
        scf.yield %parallel_loop3A_344 : vector<16xi32>
      } {sc.loop_unroll_factor = 4 : i64, sc.parallel_access}
      %slice3A = vector.extract_strided_slice %parallel_loop3A_116 {offsets = [0], sizes = [1], strides = [1]} : vector<16xi32> to vector<1xi32>
      %squeeze3A = vector.extract %slice3A[0] : i32 from vector<1xi32>
      %add3A_117 = arith.constant 0 : i32
      %add3A_118 = vector.broadcast %add3A_117 : i32 to vector<16xi32>
      %add3A_119 = arith.addi %parallel_loop3A_116, %add3A_118 : vector<16xi32>
      %add3A_120 = arith.addi %add3A_119, %iota3A : vector<16xi32>
      tpu.vector_store_idx %arg8[%add3A_120], %broadcast_in_dim3A_9 : memref<10032xi32, #tpu.memory_space<vmem>>[vector<16xi32>], vector<16xi32>,
      %add3A_121 = arith.constant 15 : i32
      %add3A_122 = arith.addi %squeeze3A, %add3A_121 : i32
      %shift_right_arithmetic3A_123 = arith.constant 4 : i32
      %shift_right_arithmetic3A_124 = arith.shrsi %add3A_122, %shift_right_arithmetic3A_123 : i32
      %gt3A = arith.constant 0 : i32
      %gt3A_125 = arith.cmpi sgt, %shift_right_arithmetic3A_124, %gt3A : i32
      %convert_element_type3A = arith.extui %gt3A_125 : i1 to i32
      %cond3A = arith.constant 0 : i32
      %cond3A_126 = arith.cmpi ne, %convert_element_type3A, %cond3A : i32
      scf.if %cond3A_126 {
        %mul3A_227 = arith.constant 0 : i32
        %mul3A_228 = arith.constant 16 : i32
        %mul3A_229 = arith.muli %mul3A_227, %mul3A_228 : i32
        %add3A_230 = arith.constant 0 : i32
        %add3A_231 = arith.addi %mul3A_229, %add3A_230 : i32
        %get3A = arith.index_cast %add3A_231 : i32 to index
        %get3A_232 = tpu.vector_load %arg8[%get3A] {strides = array<i32>} : memref<10032xi32, #tpu.memory_space<vmem>>, vector<16xi32>,
        %shift_right_arithmetic3A_233 = arith.constant 16 : i32
        %shift_right_arithmetic3A_234 = vector.broadcast %shift_right_arithmetic3A_233 : i32 to vector<16xi32>
        %shift_right_arithmetic3A_235 = arith.shrsi %get3A_232, %shift_right_arithmetic3A_234 : vector<16xi32>
        %and3A_236 = arith.andi %get3A_232, %broadcast_in_dim3A_15 : vector<16xi32>
        %swap3A = arith.constant 0 : i32
        %swap3A_237 = arith.index_cast %swap3A : i32 to index
        %swap3A_238 = arith.constant 0 : index
        %swap3A_239 = tpu.vector_load %arg9[%swap3A_237, %swap3A_238] {strides = array<i32>} : memref<8x16xi32, #tpu.memory_space<vmem>>, vector<16xi32>,
        tpu.vector_store %arg9[%swap3A_237, %swap3A_238], %and3A_236 {strides = array<i32>} : memref<8x16xi32, #tpu.memory_space<vmem>>, vector<16xi32>,
        %swap3A_240 = arith.constant 0 : i32
        %swap3A_241 = arith.index_cast %swap3A_240 : i32 to index
        %swap3A_242 = arith.constant 0 : index
        %swap3A_243 = tpu.vector_load %arg11[%swap3A_241, %swap3A_242] {strides = array<i32>} : memref<8x16xi32, #tpu.memory_space<vmem>>, vector<16xi32>,
        tpu.vector_store %arg11[%swap3A_241, %swap3A_242], %shift_right_arithmetic3A_235 {strides = array<i32>} : memref<8x16xi32, #tpu.memory_space<vmem>>, vector<16xi32>,
        %add3A_244 = arith.addi %shift_right_arithmetic3A_235, %broadcast_in_dim3A_112 : vector<16xi32>
        %mul3A_245 = arith.constant 4 : i32
        %mul3A_246 = vector.broadcast %mul3A_245 : i32 to vector<16xi32>
        %mul3A_247 = arith.muli %add3A_244, %mul3A_246 : vector<16xi32>
        %add3A_248 = arith.addi %mul3A_247, %broadcast_in_dim3A_111 : vector<16xi32>
        %swap3A_249 = arith.constant 0 : i32
        %swap3A_250 = arith.index_cast %swap3A_249 : i32 to index
        %swap3A_251 = arith.constant 0 : index
        %swap3A_252 = tpu.vector_load %arg10[%swap3A_250, %swap3A_251] {strides = array<i32>} : memref<8x16xi32, #tpu.memory_space<vmem>>, vector<16xi32>,
        tpu.vector_store %arg10[%swap3A_250, %swap3A_251], %add3A_248 {strides = array<i32>} : memref<8x16xi32, #tpu.memory_space<vmem>>, vector<16xi32>,
        %dma_start3A = arith.constant 0 : i32
        %dma_start3A_253 = arith.constant 0 : i32
        %dma_start3A_254 = arith.constant 0 : i32
        %dma_start3A_255 = arith.constant 0 : i32
        %dma_start3A_256 = arith.constant 0 : i32
        %dma_start3A_257 = tpu.memref_slice %arg12[%dma_start3A_253, %dma_start3A_255, %dma_start3A_256] : memref<8x16x128xf32, #tpu.memory_space<vmem>> -> memref<1x16x128xf32, #tpu.memory_space<vmem>>
        %dma_start3A_258 = tpu.memref_squeeze %dma_start3A_257 : memref<1x16x128xf32, #tpu.memory_space<vmem>> -> memref<16x128xf32, #tpu.memory_space<vmem>>
        %dma_start3A_259 = arith.constant 0 : i32
        %dma_start3A_260 = tpu.memref_slice %arg9[%dma_start3A, %dma_start3A_259] : memref<8x16xi32, #tpu.memory_space<vmem>> -> memref<1x16xi32, #tpu.memory_space<vmem>>
        %dma_start3A_261 = tpu.memref_squeeze %dma_start3A_260 : memref<1x16xi32, #tpu.memory_space<vmem>> -> memref<16xi32, #tpu.memory_space<vmem>>
        %dma_start3A_262 = arith.constant 0 : i32
        %dma_start3A_263 = arith.constant 0 : i32
        %dma_start3A_264 = tpu.memref_slice %arg2[%dma_start3A_262, %dma_start3A_263] : memref<40000x128xf32, #tpu.memory_space<hbm>> -> memref<40000x128xf32, #tpu.memory_space<hbm>>
        %dma_start3A_265 = tpu.memref_slice %arg17[%dma_start3A_254] : memref<8x!tpu.dma_semaphore, #tpu.memory_space<semaphore_mem>> -> memref<1x!tpu.dma_semaphore, #tpu.memory_space<semaphore_mem>>
        %dma_start3A_266 = tpu.memref_squeeze %dma_start3A_265 : memref<1x!tpu.dma_semaphore, #tpu.memory_space<semaphore_mem>> -> memref<!tpu.dma_semaphore, #tpu.memory_space<semaphore_mem>>
        tpu.enqueue_indirect_dma source(%dma_start3A_264 : memref<40000x128xf32, #tpu.memory_space<hbm>>) target(%dma_start3A_258 : memref<16x128xf32, #tpu.memory_space<vmem>>) offsets(%dma_start3A_261 : memref<16xi32, #tpu.memory_space<vmem>>) semaphore(%dma_start3A_266 : memref<!tpu.dma_semaphore, #tpu.memory_space<semaphore_mem>>)
        %dma_start3A_267 = arith.constant 0 : i32
        %dma_start3A_268 = arith.constant 0 : i32
        %dma_start3A_269 = arith.constant 0 : i32
        %dma_start3A_270 = arith.constant 0 : i32
        %dma_start3A_271 = arith.constant 0 : i32
        %dma_start3A_272 = tpu.memref_slice %arg13[%dma_start3A_268, %dma_start3A_270, %dma_start3A_271] : memref<8x16x128xf32, #tpu.memory_space<vmem>> -> memref<1x16x128xf32, #tpu.memory_space<vmem>>
        %dma_start3A_273 = tpu.memref_squeeze %dma_start3A_272 : memref<1x16x128xf32, #tpu.memory_space<vmem>> -> memref<16x128xf32, #tpu.memory_space<vmem>>
        %dma_start3A_274 = arith.constant 0 : i32
        %dma_start3A_275 = tpu.memref_slice %arg10[%dma_start3A_267, %dma_start3A_274] : memref<8x16xi32, #tpu.memory_space<vmem>> -> memref<1x16xi32, #tpu.memory_space<vmem>>
        %dma_start3A_276 = tpu.memref_squeeze %dma_start3A_275 : memref<1x16xi32, #tpu.memory_space<vmem>> -> memref<16xi32, #tpu.memory_space<vmem>>
        %dma_start3A_277 = arith.constant 0 : i32
        %dma_start3A_278 = arith.constant 0 : i32
        %dma_start3A_279 = tpu.memref_slice %arg3[%dma_start3A_277, %dma_start3A_278] : memref<40000x128xf32, #tpu.memory_space<hbm>> -> memref<40000x128xf32, #tpu.memory_space<hbm>>
        %dma_start3A_280 = tpu.memref_slice %arg18[%dma_start3A_269] : memref<8x!tpu.dma_semaphore, #tpu.memory_space<semaphore_mem>> -> memref<1x!tpu.dma_semaphore, #tpu.memory_space<semaphore_mem>>
        %dma_start3A_281 = tpu.memref_squeeze %dma_start3A_280 : memref<1x!tpu.dma_semaphore, #tpu.memory_space<semaphore_mem>> -> memref<!tpu.dma_semaphore, #tpu.memory_space<semaphore_mem>>
        tpu.enqueue_indirect_dma source(%dma_start3A_279 : memref<40000x128xf32, #tpu.memory_space<hbm>>) target(%dma_start3A_273 : memref<16x128xf32, #tpu.memory_space<vmem>>) offsets(%dma_start3A_276 : memref<16xi32, #tpu.memory_space<vmem>>) semaphore(%dma_start3A_281 : memref<!tpu.dma_semaphore, #tpu.memory_space<semaphore_mem>>)
      } else {
      }
      %gt3A_127 = arith.constant 1 : i32
      %gt3A_128 = arith.cmpi sgt, %shift_right_arithmetic3A_124, %gt3A_127 : i32
      %convert_element_type3A_129 = arith.extui %gt3A_128 : i1 to i32
      %cond3A_130 = arith.constant 0 : i32
      %cond3A_131 = arith.cmpi ne, %convert_element_type3A_129, %cond3A_130 : i32
      scf.if %cond3A_131 {
        %mul3A_227 = arith.constant 1 : i32
        %mul3A_228 = arith.constant 16 : i32
        %mul3A_229 = arith.muli %mul3A_227, %mul3A_228 : i32
        %add3A_230 = arith.constant 0 : i32
        %add3A_231 = arith.addi %mul3A_229, %add3A_230 : i32
        %get3A = arith.index_cast %add3A_231 : i32 to index
        %get3A_232 = tpu.vector_load %arg8[%get3A] {strides = array<i32>} : memref<10032xi32, #tpu.memory_space<vmem>>, vector<16xi32>,
        %shift_right_arithmetic3A_233 = arith.constant 16 : i32
        %shift_right_arithmetic3A_234 = vector.broadcast %shift_right_arithmetic3A_233 : i32 to vector<16xi32>
        %shift_right_arithmetic3A_235 = arith.shrsi %get3A_232, %shift_right_arithmetic3A_234 : vector<16xi32>
        %and3A_236 = arith.andi %get3A_232, %broadcast_in_dim3A_15 : vector<16xi32>
        %swap3A = arith.constant 1 : i32
        %swap3A_237 = arith.index_cast %swap3A : i32 to index
        %swap3A_238 = arith.constant 0 : index
        %swap3A_239 = tpu.vector_load %arg9[%swap3A_237, %swap3A_238] {strides = array<i32>} : memref<8x16xi32, #tpu.memory_space<vmem>>, vector<16xi32>,
        tpu.vector_store %arg9[%swap3A_237, %swap3A_238], %and3A_236 {strides = array<i32>} : memref<8x16xi32, #tpu.memory_space<vmem>>, vector<16xi32>,
        %swap3A_240 = arith.constant 1 : i32
        %swap3A_241 = arith.index_cast %swap3A_240 : i32 to index
        %swap3A_242 = arith.constant 0 : index
        %swap3A_243 = tpu.vector_load %arg11[%swap3A_241, %swap3A_242] {strides = array<i32>} : memref<8x16xi32, #tpu.memory_space<vmem>>, vector<16xi32>,
        tpu.vector_store %arg11[%swap3A_241, %swap3A_242], %shift_right_arithmetic3A_235 {strides = array<i32>} : memref<8x16xi32, #tpu.memory_space<vmem>>, vector<16xi32>,
        %add3A_244 = arith.addi %shift_right_arithmetic3A_235, %broadcast_in_dim3A_112 : vector<16xi32>
        %mul3A_245 = arith.constant 4 : i32
        %mul3A_246 = vector.broadcast %mul3A_245 : i32 to vector<16xi32>
        %mul3A_247 = arith.muli %add3A_244, %mul3A_246 : vector<16xi32>
        %add3A_248 = arith.addi %mul3A_247, %broadcast_in_dim3A_111 : vector<16xi32>
        %swap3A_249 = arith.constant 1 : i32
        %swap3A_250 = arith.index_cast %swap3A_249 : i32 to index
        %swap3A_251 = arith.constant 0 : index
        %swap3A_252 = tpu.vector_load %arg10[%swap3A_250, %swap3A_251] {strides = array<i32>} : memref<8x16xi32, #tpu.memory_space<vmem>>, vector<16xi32>,
        tpu.vector_store %arg10[%swap3A_250, %swap3A_251], %add3A_248 {strides = array<i32>} : memref<8x16xi32, #tpu.memory_space<vmem>>, vector<16xi32>,
        %dma_start3A = arith.constant 1 : i32
        %dma_start3A_253 = arith.constant 1 : i32
        %dma_start3A_254 = arith.constant 1 : i32
        %dma_start3A_255 = arith.constant 0 : i32
        %dma_start3A_256 = arith.constant 0 : i32
        %dma_start3A_257 = tpu.memref_slice %arg12[%dma_start3A_253, %dma_start3A_255, %dma_start3A_256] : memref<8x16x128xf32, #tpu.memory_space<vmem>> -> memref<1x16x128xf32, #tpu.memory_space<vmem>>
        %dma_start3A_258 = tpu.memref_squeeze %dma_start3A_257 : memref<1x16x128xf32, #tpu.memory_space<vmem>> -> memref<16x128xf32, #tpu.memory_space<vmem>>
        %dma_start3A_259 = arith.constant 0 : i32
        %dma_start3A_260 = tpu.memref_slice %arg9[%dma_start3A, %dma_start3A_259] : memref<8x16xi32, #tpu.memory_space<vmem>> -> memref<1x16xi32, #tpu.memory_space<vmem>>
        %dma_start3A_261 = tpu.memref_squeeze %dma_start3A_260 : memref<1x16xi32, #tpu.memory_space<vmem>> -> memref<16xi32, #tpu.memory_space<vmem>>
        %dma_start3A_262 = arith.constant 0 : i32
        %dma_start3A_263 = arith.constant 0 : i32
        %dma_start3A_264 = tpu.memref_slice %arg2[%dma_start3A_262, %dma_start3A_263] : memref<40000x128xf32, #tpu.memory_space<hbm>> -> memref<40000x128xf32, #tpu.memory_space<hbm>>
        %dma_start3A_265 = tpu.memref_slice %arg17[%dma_start3A_254] : memref<8x!tpu.dma_semaphore, #tpu.memory_space<semaphore_mem>> -> memref<1x!tpu.dma_semaphore, #tpu.memory_space<semaphore_mem>>
        %dma_start3A_266 = tpu.memref_squeeze %dma_start3A_265 : memref<1x!tpu.dma_semaphore, #tpu.memory_space<semaphore_mem>> -> memref<!tpu.dma_semaphore, #tpu.memory_space<semaphore_mem>>
        tpu.enqueue_indirect_dma source(%dma_start3A_264 : memref<40000x128xf32, #tpu.memory_space<hbm>>) target(%dma_start3A_258 : memref<16x128xf32, #tpu.memory_space<vmem>>) offsets(%dma_start3A_261 : memref<16xi32, #tpu.memory_space<vmem>>) semaphore(%dma_start3A_266 : memref<!tpu.dma_semaphore, #tpu.memory_space<semaphore_mem>>)
        %dma_start3A_267 = arith.constant 1 : i32
        %dma_start3A_268 = arith.constant 1 : i32
        %dma_start3A_269 = arith.constant 1 : i32
        %dma_start3A_270 = arith.constant 0 : i32
        %dma_start3A_271 = arith.constant 0 : i32
        %dma_start3A_272 = tpu.memref_slice %arg13[%dma_start3A_268, %dma_start3A_270, %dma_start3A_271] : memref<8x16x128xf32, #tpu.memory_space<vmem>> -> memref<1x16x128xf32, #tpu.memory_space<vmem>>
        %dma_start3A_273 = tpu.memref_squeeze %dma_start3A_272 : memref<1x16x128xf32, #tpu.memory_space<vmem>> -> memref<16x128xf32, #tpu.memory_space<vmem>>
        %dma_start3A_274 = arith.constant 0 : i32
        %dma_start3A_275 = tpu.memref_slice %arg10[%dma_start3A_267, %dma_start3A_274] : memref<8x16xi32, #tpu.memory_space<vmem>> -> memref<1x16xi32, #tpu.memory_space<vmem>>
        %dma_start3A_276 = tpu.memref_squeeze %dma_start3A_275 : memref<1x16xi32, #tpu.memory_space<vmem>> -> memref<16xi32, #tpu.memory_space<vmem>>
        %dma_start3A_277 = arith.constant 0 : i32
        %dma_start3A_278 = arith.constant 0 : i32
        %dma_start3A_279 = tpu.memref_slice %arg3[%dma_start3A_277, %dma_start3A_278] : memref<40000x128xf32, #tpu.memory_space<hbm>> -> memref<40000x128xf32, #tpu.memory_space<hbm>>
        %dma_start3A_280 = tpu.memref_slice %arg18[%dma_start3A_269] : memref<8x!tpu.dma_semaphore, #tpu.memory_space<semaphore_mem>> -> memref<1x!tpu.dma_semaphore, #tpu.memory_space<semaphore_mem>>
        %dma_start3A_281 = tpu.memref_squeeze %dma_start3A_280 : memref<1x!tpu.dma_semaphore, #tpu.memory_space<semaphore_mem>> -> memref<!tpu.dma_semaphore, #tpu.memory_space<semaphore_mem>>
        tpu.enqueue_indirect_dma source(%dma_start3A_279 : memref<40000x128xf32, #tpu.memory_space<hbm>>) target(%dma_start3A_273 : memref<16x128xf32, #tpu.memory_space<vmem>>) offsets(%dma_start3A_276 : memref<16xi32, #tpu.memory_space<vmem>>) semaphore(%dma_start3A_281 : memref<!tpu.dma_semaphore, #tpu.memory_space<semaphore_mem>>)
      } else {
      }
      %gt3A_132 = arith.constant 2 : i32
      %gt3A_133 = arith.cmpi sgt, %shift_right_arithmetic3A_124, %gt3A_132 : i32
      %convert_element_type3A_134 = arith.extui %gt3A_133 : i1 to i32
      %cond3A_135 = arith.constant 0 : i32
      %cond3A_136 = arith.cmpi ne, %convert_element_type3A_134, %cond3A_135 : i32
      scf.if %cond3A_136 {
        %mul3A_227 = arith.constant 2 : i32
        %mul3A_228 = arith.constant 16 : i32
        %mul3A_229 = arith.muli %mul3A_227, %mul3A_228 : i32
        %add3A_230 = arith.constant 0 : i32
        %add3A_231 = arith.addi %mul3A_229, %add3A_230 : i32
        %get3A = arith.index_cast %add3A_231 : i32 to index
        %get3A_232 = tpu.vector_load %arg8[%get3A] {strides = array<i32>} : memref<10032xi32, #tpu.memory_space<vmem>>, vector<16xi32>,
        %shift_right_arithmetic3A_233 = arith.constant 16 : i32
        %shift_right_arithmetic3A_234 = vector.broadcast %shift_right_arithmetic3A_233 : i32 to vector<16xi32>
        %shift_right_arithmetic3A_235 = arith.shrsi %get3A_232, %shift_right_arithmetic3A_234 : vector<16xi32>
        %and3A_236 = arith.andi %get3A_232, %broadcast_in_dim3A_15 : vector<16xi32>
        %swap3A = arith.constant 2 : i32
        %swap3A_237 = arith.index_cast %swap3A : i32 to index
        %swap3A_238 = arith.constant 0 : index
        %swap3A_239 = tpu.vector_load %arg9[%swap3A_237, %swap3A_238] {strides = array<i32>} : memref<8x16xi32, #tpu.memory_space<vmem>>, vector<16xi32>,
        tpu.vector_store %arg9[%swap3A_237, %swap3A_238], %and3A_236 {strides = array<i32>} : memref<8x16xi32, #tpu.memory_space<vmem>>, vector<16xi32>,
        %swap3A_240 = arith.constant 2 : i32
        %swap3A_241 = arith.index_cast %swap3A_240 : i32 to index
        %swap3A_242 = arith.constant 0 : index
        %swap3A_243 = tpu.vector_load %arg11[%swap3A_241, %swap3A_242] {strides = array<i32>} : memref<8x16xi32, #tpu.memory_space<vmem>>, vector<16xi32>,
        tpu.vector_store %arg11[%swap3A_241, %swap3A_242], %shift_right_arithmetic3A_235 {strides = array<i32>} : memref<8x16xi32, #tpu.memory_space<vmem>>, vector<16xi32>,
        %add3A_244 = arith.addi %shift_right_arithmetic3A_235, %broadcast_in_dim3A_112 : vector<16xi32>
        %mul3A_245 = arith.constant 4 : i32
        %mul3A_246 = vector.broadcast %mul3A_245 : i32 to vector<16xi32>
        %mul3A_247 = arith.muli %add3A_244, %mul3A_246 : vector<16xi32>
        %add3A_248 = arith.addi %mul3A_247, %broadcast_in_dim3A_111 : vector<16xi32>
        %swap3A_249 = arith.constant 2 : i32
        %swap3A_250 = arith.index_cast %swap3A_249 : i32 to index
        %swap3A_251 = arith.constant 0 : index
        %swap3A_252 = tpu.vector_load %arg10[%swap3A_250, %swap3A_251] {strides = array<i32>} : memref<8x16xi32, #tpu.memory_space<vmem>>, vector<16xi32>,
        tpu.vector_store %arg10[%swap3A_250, %swap3A_251], %add3A_248 {strides = array<i32>} : memref<8x16xi32, #tpu.memory_space<vmem>>, vector<16xi32>,
        %dma_start3A = arith.constant 2 : i32
        %dma_start3A_253 = arith.constant 2 : i32
        %dma_start3A_254 = arith.constant 2 : i32
        %dma_start3A_255 = arith.constant 0 : i32
        %dma_start3A_256 = arith.constant 0 : i32
        %dma_start3A_257 = tpu.memref_slice %arg12[%dma_start3A_253, %dma_start3A_255, %dma_start3A_256] : memref<8x16x128xf32, #tpu.memory_space<vmem>> -> memref<1x16x128xf32, #tpu.memory_space<vmem>>
        %dma_start3A_258 = tpu.memref_squeeze %dma_start3A_257 : memref<1x16x128xf32, #tpu.memory_space<vmem>> -> memref<16x128xf32, #tpu.memory_space<vmem>>
        %dma_start3A_259 = arith.constant 0 : i32
        %dma_start3A_260 = tpu.memref_slice %arg9[%dma_start3A, %dma_start3A_259] : memref<8x16xi32, #tpu.memory_space<vmem>> -> memref<1x16xi32, #tpu.memory_space<vmem>>
        %dma_start3A_261 = tpu.memref_squeeze %dma_start3A_260 : memref<1x16xi32, #tpu.memory_space<vmem>> -> memref<16xi32, #tpu.memory_space<vmem>>
        %dma_start3A_262 = arith.constant 0 : i32
        %dma_start3A_263 = arith.constant 0 : i32
        %dma_start3A_264 = tpu.memref_slice %arg2[%dma_start3A_262, %dma_start3A_263] : memref<40000x128xf32, #tpu.memory_space<hbm>> -> memref<40000x128xf32, #tpu.memory_space<hbm>>
        %dma_start3A_265 = tpu.memref_slice %arg17[%dma_start3A_254] : memref<8x!tpu.dma_semaphore, #tpu.memory_space<semaphore_mem>> -> memref<1x!tpu.dma_semaphore, #tpu.memory_space<semaphore_mem>>
        %dma_start3A_266 = tpu.memref_squeeze %dma_start3A_265 : memref<1x!tpu.dma_semaphore, #tpu.memory_space<semaphore_mem>> -> memref<!tpu.dma_semaphore, #tpu.memory_space<semaphore_mem>>
        tpu.enqueue_indirect_dma source(%dma_start3A_264 : memref<40000x128xf32, #tpu.memory_space<hbm>>) target(%dma_start3A_258 : memref<16x128xf32, #tpu.memory_space<vmem>>) offsets(%dma_start3A_261 : memref<16xi32, #tpu.memory_space<vmem>>) semaphore(%dma_start3A_266 : memref<!tpu.dma_semaphore, #tpu.memory_space<semaphore_mem>>)
        %dma_start3A_267 = arith.constant 2 : i32
        %dma_start3A_268 = arith.constant 2 : i32
        %dma_start3A_269 = arith.constant 2 : i32
        %dma_start3A_270 = arith.constant 0 : i32
        %dma_start3A_271 = arith.constant 0 : i32
        %dma_start3A_272 = tpu.memref_slice %arg13[%dma_start3A_268, %dma_start3A_270, %dma_start3A_271] : memref<8x16x128xf32, #tpu.memory_space<vmem>> -> memref<1x16x128xf32, #tpu.memory_space<vmem>>
        %dma_start3A_273 = tpu.memref_squeeze %dma_start3A_272 : memref<1x16x128xf32, #tpu.memory_space<vmem>> -> memref<16x128xf32, #tpu.memory_space<vmem>>
        %dma_start3A_274 = arith.constant 0 : i32
        %dma_start3A_275 = tpu.memref_slice %arg10[%dma_start3A_267, %dma_start3A_274] : memref<8x16xi32, #tpu.memory_space<vmem>> -> memref<1x16xi32, #tpu.memory_space<vmem>>
        %dma_start3A_276 = tpu.memref_squeeze %dma_start3A_275 : memref<1x16xi32, #tpu.memory_space<vmem>> -> memref<16xi32, #tpu.memory_space<vmem>>
        %dma_start3A_277 = arith.constant 0 : i32
        %dma_start3A_278 = arith.constant 0 : i32
        %dma_start3A_279 = tpu.memref_slice %arg3[%dma_start3A_277, %dma_start3A_278] : memref<40000x128xf32, #tpu.memory_space<hbm>> -> memref<40000x128xf32, #tpu.memory_space<hbm>>
        %dma_start3A_280 = tpu.memref_slice %arg18[%dma_start3A_269] : memref<8x!tpu.dma_semaphore, #tpu.memory_space<semaphore_mem>> -> memref<1x!tpu.dma_semaphore, #tpu.memory_space<semaphore_mem>>
        %dma_start3A_281 = tpu.memref_squeeze %dma_start3A_280 : memref<1x!tpu.dma_semaphore, #tpu.memory_space<semaphore_mem>> -> memref<!tpu.dma_semaphore, #tpu.memory_space<semaphore_mem>>
        tpu.enqueue_indirect_dma source(%dma_start3A_279 : memref<40000x128xf32, #tpu.memory_space<hbm>>) target(%dma_start3A_273 : memref<16x128xf32, #tpu.memory_space<vmem>>) offsets(%dma_start3A_276 : memref<16xi32, #tpu.memory_space<vmem>>) semaphore(%dma_start3A_281 : memref<!tpu.dma_semaphore, #tpu.memory_space<semaphore_mem>>)
      } else {
      }
      %gt3A_137 = arith.constant 3 : i32
      %gt3A_138 = arith.cmpi sgt, %shift_right_arithmetic3A_124, %gt3A_137 : i32
      %convert_element_type3A_139 = arith.extui %gt3A_138 : i1 to i32
      %cond3A_140 = arith.constant 0 : i32
      %cond3A_141 = arith.cmpi ne, %convert_element_type3A_139, %cond3A_140 : i32
      scf.if %cond3A_141 {
        %mul3A_227 = arith.constant 3 : i32
        %mul3A_228 = arith.constant 16 : i32
        %mul3A_229 = arith.muli %mul3A_227, %mul3A_228 : i32
        %add3A_230 = arith.constant 0 : i32
        %add3A_231 = arith.addi %mul3A_229, %add3A_230 : i32
        %get3A = arith.index_cast %add3A_231 : i32 to index
        %get3A_232 = tpu.vector_load %arg8[%get3A] {strides = array<i32>} : memref<10032xi32, #tpu.memory_space<vmem>>, vector<16xi32>,
        %shift_right_arithmetic3A_233 = arith.constant 16 : i32
        %shift_right_arithmetic3A_234 = vector.broadcast %shift_right_arithmetic3A_233 : i32 to vector<16xi32>
        %shift_right_arithmetic3A_235 = arith.shrsi %get3A_232, %shift_right_arithmetic3A_234 : vector<16xi32>
        %and3A_236 = arith.andi %get3A_232, %broadcast_in_dim3A_15 : vector<16xi32>
        %swap3A = arith.constant 3 : i32
        %swap3A_237 = arith.index_cast %swap3A : i32 to index
        %swap3A_238 = arith.constant 0 : index
        %swap3A_239 = tpu.vector_load %arg9[%swap3A_237, %swap3A_238] {strides = array<i32>} : memref<8x16xi32, #tpu.memory_space<vmem>>, vector<16xi32>,
        tpu.vector_store %arg9[%swap3A_237, %swap3A_238], %and3A_236 {strides = array<i32>} : memref<8x16xi32, #tpu.memory_space<vmem>>, vector<16xi32>,
        %swap3A_240 = arith.constant 3 : i32
        %swap3A_241 = arith.index_cast %swap3A_240 : i32 to index
        %swap3A_242 = arith.constant 0 : index
        %swap3A_243 = tpu.vector_load %arg11[%swap3A_241, %swap3A_242] {strides = array<i32>} : memref<8x16xi32, #tpu.memory_space<vmem>>, vector<16xi32>,
        tpu.vector_store %arg11[%swap3A_241, %swap3A_242], %shift_right_arithmetic3A_235 {strides = array<i32>} : memref<8x16xi32, #tpu.memory_space<vmem>>, vector<16xi32>,
        %add3A_244 = arith.addi %shift_right_arithmetic3A_235, %broadcast_in_dim3A_112 : vector<16xi32>
        %mul3A_245 = arith.constant 4 : i32
        %mul3A_246 = vector.broadcast %mul3A_245 : i32 to vector<16xi32>
        %mul3A_247 = arith.muli %add3A_244, %mul3A_246 : vector<16xi32>
        %add3A_248 = arith.addi %mul3A_247, %broadcast_in_dim3A_111 : vector<16xi32>
        %swap3A_249 = arith.constant 3 : i32
        %swap3A_250 = arith.index_cast %swap3A_249 : i32 to index
        %swap3A_251 = arith.constant 0 : index
        %swap3A_252 = tpu.vector_load %arg10[%swap3A_250, %swap3A_251] {strides = array<i32>} : memref<8x16xi32, #tpu.memory_space<vmem>>, vector<16xi32>,
        tpu.vector_store %arg10[%swap3A_250, %swap3A_251], %add3A_248 {strides = array<i32>} : memref<8x16xi32, #tpu.memory_space<vmem>>, vector<16xi32>,
        %dma_start3A = arith.constant 3 : i32
        %dma_start3A_253 = arith.constant 3 : i32
        %dma_start3A_254 = arith.constant 3 : i32
        %dma_start3A_255 = arith.constant 0 : i32
        %dma_start3A_256 = arith.constant 0 : i32
        %dma_start3A_257 = tpu.memref_slice %arg12[%dma_start3A_253, %dma_start3A_255, %dma_start3A_256] : memref<8x16x128xf32, #tpu.memory_space<vmem>> -> memref<1x16x128xf32, #tpu.memory_space<vmem>>
        %dma_start3A_258 = tpu.memref_squeeze %dma_start3A_257 : memref<1x16x128xf32, #tpu.memory_space<vmem>> -> memref<16x128xf32, #tpu.memory_space<vmem>>
        %dma_start3A_259 = arith.constant 0 : i32
        %dma_start3A_260 = tpu.memref_slice %arg9[%dma_start3A, %dma_start3A_259] : memref<8x16xi32, #tpu.memory_space<vmem>> -> memref<1x16xi32, #tpu.memory_space<vmem>>
        %dma_start3A_261 = tpu.memref_squeeze %dma_start3A_260 : memref<1x16xi32, #tpu.memory_space<vmem>> -> memref<16xi32, #tpu.memory_space<vmem>>
        %dma_start3A_262 = arith.constant 0 : i32
        %dma_start3A_263 = arith.constant 0 : i32
        %dma_start3A_264 = tpu.memref_slice %arg2[%dma_start3A_262, %dma_start3A_263] : memref<40000x128xf32, #tpu.memory_space<hbm>> -> memref<40000x128xf32, #tpu.memory_space<hbm>>
        %dma_start3A_265 = tpu.memref_slice %arg17[%dma_start3A_254] : memref<8x!tpu.dma_semaphore, #tpu.memory_space<semaphore_mem>> -> memref<1x!tpu.dma_semaphore, #tpu.memory_space<semaphore_mem>>
        %dma_start3A_266 = tpu.memref_squeeze %dma_start3A_265 : memref<1x!tpu.dma_semaphore, #tpu.memory_space<semaphore_mem>> -> memref<!tpu.dma_semaphore, #tpu.memory_space<semaphore_mem>>
        tpu.enqueue_indirect_dma source(%dma_start3A_264 : memref<40000x128xf32, #tpu.memory_space<hbm>>) target(%dma_start3A_258 : memref<16x128xf32, #tpu.memory_space<vmem>>) offsets(%dma_start3A_261 : memref<16xi32, #tpu.memory_space<vmem>>) semaphore(%dma_start3A_266 : memref<!tpu.dma_semaphore, #tpu.memory_space<semaphore_mem>>)
        %dma_start3A_267 = arith.constant 3 : i32
        %dma_start3A_268 = arith.constant 3 : i32
        %dma_start3A_269 = arith.constant 3 : i32
        %dma_start3A_270 = arith.constant 0 : i32
        %dma_start3A_271 = arith.constant 0 : i32
        %dma_start3A_272 = tpu.memref_slice %arg13[%dma_start3A_268, %dma_start3A_270, %dma_start3A_271] : memref<8x16x128xf32, #tpu.memory_space<vmem>> -> memref<1x16x128xf32, #tpu.memory_space<vmem>>
        %dma_start3A_273 = tpu.memref_squeeze %dma_start3A_272 : memref<1x16x128xf32, #tpu.memory_space<vmem>> -> memref<16x128xf32, #tpu.memory_space<vmem>>
        %dma_start3A_274 = arith.constant 0 : i32
        %dma_start3A_275 = tpu.memref_slice %arg10[%dma_start3A_267, %dma_start3A_274] : memref<8x16xi32, #tpu.memory_space<vmem>> -> memref<1x16xi32, #tpu.memory_space<vmem>>
        %dma_start3A_276 = tpu.memref_squeeze %dma_start3A_275 : memref<1x16xi32, #tpu.memory_space<vmem>> -> memref<16xi32, #tpu.memory_space<vmem>>
        %dma_start3A_277 = arith.constant 0 : i32
        %dma_start3A_278 = arith.constant 0 : i32
        %dma_start3A_279 = tpu.memref_slice %arg3[%dma_start3A_277, %dma_start3A_278] : memref<40000x128xf32, #tpu.memory_space<hbm>> -> memref<40000x128xf32, #tpu.memory_space<hbm>>
        %dma_start3A_280 = tpu.memref_slice %arg18[%dma_start3A_269] : memref<8x!tpu.dma_semaphore, #tpu.memory_space<semaphore_mem>> -> memref<1x!tpu.dma_semaphore, #tpu.memory_space<semaphore_mem>>
        %dma_start3A_281 = tpu.memref_squeeze %dma_start3A_280 : memref<1x!tpu.dma_semaphore, #tpu.memory_space<semaphore_mem>> -> memref<!tpu.dma_semaphore, #tpu.memory_space<semaphore_mem>>
        tpu.enqueue_indirect_dma source(%dma_start3A_279 : memref<40000x128xf32, #tpu.memory_space<hbm>>) target(%dma_start3A_273 : memref<16x128xf32, #tpu.memory_space<vmem>>) offsets(%dma_start3A_276 : memref<16xi32, #tpu.memory_space<vmem>>) semaphore(%dma_start3A_281 : memref<!tpu.dma_semaphore, #tpu.memory_space<semaphore_mem>>)
      } else {
      }
      %gt3A_142 = arith.constant 4 : i32
      %gt3A_143 = arith.cmpi sgt, %shift_right_arithmetic3A_124, %gt3A_142 : i32
      %convert_element_type3A_144 = arith.extui %gt3A_143 : i1 to i32
      %cond3A_145 = arith.constant 0 : i32
      %cond3A_146 = arith.cmpi ne, %convert_element_type3A_144, %cond3A_145 : i32
      scf.if %cond3A_146 {
        %mul3A_227 = arith.constant 4 : i32
        %mul3A_228 = arith.constant 16 : i32
        %mul3A_229 = arith.muli %mul3A_227, %mul3A_228 : i32
        %add3A_230 = arith.constant 0 : i32
        %add3A_231 = arith.addi %mul3A_229, %add3A_230 : i32
        %get3A = arith.index_cast %add3A_231 : i32 to index
        %get3A_232 = tpu.vector_load %arg8[%get3A] {strides = array<i32>} : memref<10032xi32, #tpu.memory_space<vmem>>, vector<16xi32>,
        %shift_right_arithmetic3A_233 = arith.constant 16 : i32
        %shift_right_arithmetic3A_234 = vector.broadcast %shift_right_arithmetic3A_233 : i32 to vector<16xi32>
        %shift_right_arithmetic3A_235 = arith.shrsi %get3A_232, %shift_right_arithmetic3A_234 : vector<16xi32>
        %and3A_236 = arith.andi %get3A_232, %broadcast_in_dim3A_15 : vector<16xi32>
        %swap3A = arith.constant 4 : i32
        %swap3A_237 = arith.index_cast %swap3A : i32 to index
        %swap3A_238 = arith.constant 0 : index
        %swap3A_239 = tpu.vector_load %arg9[%swap3A_237, %swap3A_238] {strides = array<i32>} : memref<8x16xi32, #tpu.memory_space<vmem>>, vector<16xi32>,
        tpu.vector_store %arg9[%swap3A_237, %swap3A_238], %and3A_236 {strides = array<i32>} : memref<8x16xi32, #tpu.memory_space<vmem>>, vector<16xi32>,
        %swap3A_240 = arith.constant 4 : i32
        %swap3A_241 = arith.index_cast %swap3A_240 : i32 to index
        %swap3A_242 = arith.constant 0 : index
        %swap3A_243 = tpu.vector_load %arg11[%swap3A_241, %swap3A_242] {strides = array<i32>} : memref<8x16xi32, #tpu.memory_space<vmem>>, vector<16xi32>,
        tpu.vector_store %arg11[%swap3A_241, %swap3A_242], %shift_right_arithmetic3A_235 {strides = array<i32>} : memref<8x16xi32, #tpu.memory_space<vmem>>, vector<16xi32>,
        %add3A_244 = arith.addi %shift_right_arithmetic3A_235, %broadcast_in_dim3A_112 : vector<16xi32>
        %mul3A_245 = arith.constant 4 : i32
        %mul3A_246 = vector.broadcast %mul3A_245 : i32 to vector<16xi32>
        %mul3A_247 = arith.muli %add3A_244, %mul3A_246 : vector<16xi32>
        %add3A_248 = arith.addi %mul3A_247, %broadcast_in_dim3A_111 : vector<16xi32>
        %swap3A_249 = arith.constant 4 : i32
        %swap3A_250 = arith.index_cast %swap3A_249 : i32 to index
        %swap3A_251 = arith.constant 0 : index
        %swap3A_252 = tpu.vector_load %arg10[%swap3A_250, %swap3A_251] {strides = array<i32>} : memref<8x16xi32, #tpu.memory_space<vmem>>, vector<16xi32>,
        tpu.vector_store %arg10[%swap3A_250, %swap3A_251], %add3A_248 {strides = array<i32>} : memref<8x16xi32, #tpu.memory_space<vmem>>, vector<16xi32>,
        %dma_start3A = arith.constant 4 : i32
        %dma_start3A_253 = arith.constant 4 : i32
        %dma_start3A_254 = arith.constant 4 : i32
        %dma_start3A_255 = arith.constant 0 : i32
        %dma_start3A_256 = arith.constant 0 : i32
        %dma_start3A_257 = tpu.memref_slice %arg12[%dma_start3A_253, %dma_start3A_255, %dma_start3A_256] : memref<8x16x128xf32, #tpu.memory_space<vmem>> -> memref<1x16x128xf32, #tpu.memory_space<vmem>>
        %dma_start3A_258 = tpu.memref_squeeze %dma_start3A_257 : memref<1x16x128xf32, #tpu.memory_space<vmem>> -> memref<16x128xf32, #tpu.memory_space<vmem>>
        %dma_start3A_259 = arith.constant 0 : i32
        %dma_start3A_260 = tpu.memref_slice %arg9[%dma_start3A, %dma_start3A_259] : memref<8x16xi32, #tpu.memory_space<vmem>> -> memref<1x16xi32, #tpu.memory_space<vmem>>
        %dma_start3A_261 = tpu.memref_squeeze %dma_start3A_260 : memref<1x16xi32, #tpu.memory_space<vmem>> -> memref<16xi32, #tpu.memory_space<vmem>>
        %dma_start3A_262 = arith.constant 0 : i32
        %dma_start3A_263 = arith.constant 0 : i32
        %dma_start3A_264 = tpu.memref_slice %arg2[%dma_start3A_262, %dma_start3A_263] : memref<40000x128xf32, #tpu.memory_space<hbm>> -> memref<40000x128xf32, #tpu.memory_space<hbm>>
        %dma_start3A_265 = tpu.memref_slice %arg17[%dma_start3A_254] : memref<8x!tpu.dma_semaphore, #tpu.memory_space<semaphore_mem>> -> memref<1x!tpu.dma_semaphore, #tpu.memory_space<semaphore_mem>>
        %dma_start3A_266 = tpu.memref_squeeze %dma_start3A_265 : memref<1x!tpu.dma_semaphore, #tpu.memory_space<semaphore_mem>> -> memref<!tpu.dma_semaphore, #tpu.memory_space<semaphore_mem>>
        tpu.enqueue_indirect_dma source(%dma_start3A_264 : memref<40000x128xf32, #tpu.memory_space<hbm>>) target(%dma_start3A_258 : memref<16x128xf32, #tpu.memory_space<vmem>>) offsets(%dma_start3A_261 : memref<16xi32, #tpu.memory_space<vmem>>) semaphore(%dma_start3A_266 : memref<!tpu.dma_semaphore, #tpu.memory_space<semaphore_mem>>)
        %dma_start3A_267 = arith.constant 4 : i32
        %dma_start3A_268 = arith.constant 4 : i32
        %dma_start3A_269 = arith.constant 4 : i32
        %dma_start3A_270 = arith.constant 0 : i32
        %dma_start3A_271 = arith.constant 0 : i32
        %dma_start3A_272 = tpu.memref_slice %arg13[%dma_start3A_268, %dma_start3A_270, %dma_start3A_271] : memref<8x16x128xf32, #tpu.memory_space<vmem>> -> memref<1x16x128xf32, #tpu.memory_space<vmem>>
        %dma_start3A_273 = tpu.memref_squeeze %dma_start3A_272 : memref<1x16x128xf32, #tpu.memory_space<vmem>> -> memref<16x128xf32, #tpu.memory_space<vmem>>
        %dma_start3A_274 = arith.constant 0 : i32
        %dma_start3A_275 = tpu.memref_slice %arg10[%dma_start3A_267, %dma_start3A_274] : memref<8x16xi32, #tpu.memory_space<vmem>> -> memref<1x16xi32, #tpu.memory_space<vmem>>
        %dma_start3A_276 = tpu.memref_squeeze %dma_start3A_275 : memref<1x16xi32, #tpu.memory_space<vmem>> -> memref<16xi32, #tpu.memory_space<vmem>>
        %dma_start3A_277 = arith.constant 0 : i32
        %dma_start3A_278 = arith.constant 0 : i32
        %dma_start3A_279 = tpu.memref_slice %arg3[%dma_start3A_277, %dma_start3A_278] : memref<40000x128xf32, #tpu.memory_space<hbm>> -> memref<40000x128xf32, #tpu.memory_space<hbm>>
        %dma_start3A_280 = tpu.memref_slice %arg18[%dma_start3A_269] : memref<8x!tpu.dma_semaphore, #tpu.memory_space<semaphore_mem>> -> memref<1x!tpu.dma_semaphore, #tpu.memory_space<semaphore_mem>>
        %dma_start3A_281 = tpu.memref_squeeze %dma_start3A_280 : memref<1x!tpu.dma_semaphore, #tpu.memory_space<semaphore_mem>> -> memref<!tpu.dma_semaphore, #tpu.memory_space<semaphore_mem>>
        tpu.enqueue_indirect_dma source(%dma_start3A_279 : memref<40000x128xf32, #tpu.memory_space<hbm>>) target(%dma_start3A_273 : memref<16x128xf32, #tpu.memory_space<vmem>>) offsets(%dma_start3A_276 : memref<16xi32, #tpu.memory_space<vmem>>) semaphore(%dma_start3A_281 : memref<!tpu.dma_semaphore, #tpu.memory_space<semaphore_mem>>)
      } else {
      }
      %gt3A_147 = arith.constant 5 : i32
      %gt3A_148 = arith.cmpi sgt, %shift_right_arithmetic3A_124, %gt3A_147 : i32
      %convert_element_type3A_149 = arith.extui %gt3A_148 : i1 to i32
      %cond3A_150 = arith.constant 0 : i32
      %cond3A_151 = arith.cmpi ne, %convert_element_type3A_149, %cond3A_150 : i32
      scf.if %cond3A_151 {
        %mul3A_227 = arith.constant 5 : i32
        %mul3A_228 = arith.constant 16 : i32
        %mul3A_229 = arith.muli %mul3A_227, %mul3A_228 : i32
        %add3A_230 = arith.constant 0 : i32
        %add3A_231 = arith.addi %mul3A_229, %add3A_230 : i32
        %get3A = arith.index_cast %add3A_231 : i32 to index
        %get3A_232 = tpu.vector_load %arg8[%get3A] {strides = array<i32>} : memref<10032xi32, #tpu.memory_space<vmem>>, vector<16xi32>,
        %shift_right_arithmetic3A_233 = arith.constant 16 : i32
        %shift_right_arithmetic3A_234 = vector.broadcast %shift_right_arithmetic3A_233 : i32 to vector<16xi32>
        %shift_right_arithmetic3A_235 = arith.shrsi %get3A_232, %shift_right_arithmetic3A_234 : vector<16xi32>
        %and3A_236 = arith.andi %get3A_232, %broadcast_in_dim3A_15 : vector<16xi32>
        %swap3A = arith.constant 5 : i32
        %swap3A_237 = arith.index_cast %swap3A : i32 to index
        %swap3A_238 = arith.constant 0 : index
        %swap3A_239 = tpu.vector_load %arg9[%swap3A_237, %swap3A_238] {strides = array<i32>} : memref<8x16xi32, #tpu.memory_space<vmem>>, vector<16xi32>,
        tpu.vector_store %arg9[%swap3A_237, %swap3A_238], %and3A_236 {strides = array<i32>} : memref<8x16xi32, #tpu.memory_space<vmem>>, vector<16xi32>,
        %swap3A_240 = arith.constant 5 : i32
        %swap3A_241 = arith.index_cast %swap3A_240 : i32 to index
        %swap3A_242 = arith.constant 0 : index
        %swap3A_243 = tpu.vector_load %arg11[%swap3A_241, %swap3A_242] {strides = array<i32>} : memref<8x16xi32, #tpu.memory_space<vmem>>, vector<16xi32>,
        tpu.vector_store %arg11[%swap3A_241, %swap3A_242], %shift_right_arithmetic3A_235 {strides = array<i32>} : memref<8x16xi32, #tpu.memory_space<vmem>>, vector<16xi32>,
        %add3A_244 = arith.addi %shift_right_arithmetic3A_235, %broadcast_in_dim3A_112 : vector<16xi32>
        %mul3A_245 = arith.constant 4 : i32
        %mul3A_246 = vector.broadcast %mul3A_245 : i32 to vector<16xi32>
        %mul3A_247 = arith.muli %add3A_244, %mul3A_246 : vector<16xi32>
        %add3A_248 = arith.addi %mul3A_247, %broadcast_in_dim3A_111 : vector<16xi32>
        %swap3A_249 = arith.constant 5 : i32
        %swap3A_250 = arith.index_cast %swap3A_249 : i32 to index
        %swap3A_251 = arith.constant 0 : index
        %swap3A_252 = tpu.vector_load %arg10[%swap3A_250, %swap3A_251] {strides = array<i32>} : memref<8x16xi32, #tpu.memory_space<vmem>>, vector<16xi32>,
        tpu.vector_store %arg10[%swap3A_250, %swap3A_251], %add3A_248 {strides = array<i32>} : memref<8x16xi32, #tpu.memory_space<vmem>>, vector<16xi32>,
        %dma_start3A = arith.constant 5 : i32
        %dma_start3A_253 = arith.constant 5 : i32
        %dma_start3A_254 = arith.constant 5 : i32
        %dma_start3A_255 = arith.constant 0 : i32
        %dma_start3A_256 = arith.constant 0 : i32
        %dma_start3A_257 = tpu.memref_slice %arg12[%dma_start3A_253, %dma_start3A_255, %dma_start3A_256] : memref<8x16x128xf32, #tpu.memory_space<vmem>> -> memref<1x16x128xf32, #tpu.memory_space<vmem>>
        %dma_start3A_258 = tpu.memref_squeeze %dma_start3A_257 : memref<1x16x128xf32, #tpu.memory_space<vmem>> -> memref<16x128xf32, #tpu.memory_space<vmem>>
        %dma_start3A_259 = arith.constant 0 : i32
        %dma_start3A_260 = tpu.memref_slice %arg9[%dma_start3A, %dma_start3A_259] : memref<8x16xi32, #tpu.memory_space<vmem>> -> memref<1x16xi32, #tpu.memory_space<vmem>>
        %dma_start3A_261 = tpu.memref_squeeze %dma_start3A_260 : memref<1x16xi32, #tpu.memory_space<vmem>> -> memref<16xi32, #tpu.memory_space<vmem>>
        %dma_start3A_262 = arith.constant 0 : i32
        %dma_start3A_263 = arith.constant 0 : i32
        %dma_start3A_264 = tpu.memref_slice %arg2[%dma_start3A_262, %dma_start3A_263] : memref<40000x128xf32, #tpu.memory_space<hbm>> -> memref<40000x128xf32, #tpu.memory_space<hbm>>
        %dma_start3A_265 = tpu.memref_slice %arg17[%dma_start3A_254] : memref<8x!tpu.dma_semaphore, #tpu.memory_space<semaphore_mem>> -> memref<1x!tpu.dma_semaphore, #tpu.memory_space<semaphore_mem>>
        %dma_start3A_266 = tpu.memref_squeeze %dma_start3A_265 : memref<1x!tpu.dma_semaphore, #tpu.memory_space<semaphore_mem>> -> memref<!tpu.dma_semaphore, #tpu.memory_space<semaphore_mem>>
        tpu.enqueue_indirect_dma source(%dma_start3A_264 : memref<40000x128xf32, #tpu.memory_space<hbm>>) target(%dma_start3A_258 : memref<16x128xf32, #tpu.memory_space<vmem>>) offsets(%dma_start3A_261 : memref<16xi32, #tpu.memory_space<vmem>>) semaphore(%dma_start3A_266 : memref<!tpu.dma_semaphore, #tpu.memory_space<semaphore_mem>>)
        %dma_start3A_267 = arith.constant 5 : i32
        %dma_start3A_268 = arith.constant 5 : i32
        %dma_start3A_269 = arith.constant 5 : i32
        %dma_start3A_270 = arith.constant 0 : i32
        %dma_start3A_271 = arith.constant 0 : i32
        %dma_start3A_272 = tpu.memref_slice %arg13[%dma_start3A_268, %dma_start3A_270, %dma_start3A_271] : memref<8x16x128xf32, #tpu.memory_space<vmem>> -> memref<1x16x128xf32, #tpu.memory_space<vmem>>
        %dma_start3A_273 = tpu.memref_squeeze %dma_start3A_272 : memref<1x16x128xf32, #tpu.memory_space<vmem>> -> memref<16x128xf32, #tpu.memory_space<vmem>>
        %dma_start3A_274 = arith.constant 0 : i32
        %dma_start3A_275 = tpu.memref_slice %arg10[%dma_start3A_267, %dma_start3A_274] : memref<8x16xi32, #tpu.memory_space<vmem>> -> memref<1x16xi32, #tpu.memory_space<vmem>>
        %dma_start3A_276 = tpu.memref_squeeze %dma_start3A_275 : memref<1x16xi32, #tpu.memory_space<vmem>> -> memref<16xi32, #tpu.memory_space<vmem>>
        %dma_start3A_277 = arith.constant 0 : i32
        %dma_start3A_278 = arith.constant 0 : i32
        %dma_start3A_279 = tpu.memref_slice %arg3[%dma_start3A_277, %dma_start3A_278] : memref<40000x128xf32, #tpu.memory_space<hbm>> -> memref<40000x128xf32, #tpu.memory_space<hbm>>
        %dma_start3A_280 = tpu.memref_slice %arg18[%dma_start3A_269] : memref<8x!tpu.dma_semaphore, #tpu.memory_space<semaphore_mem>> -> memref<1x!tpu.dma_semaphore, #tpu.memory_space<semaphore_mem>>
        %dma_start3A_281 = tpu.memref_squeeze %dma_start3A_280 : memref<1x!tpu.dma_semaphore, #tpu.memory_space<semaphore_mem>> -> memref<!tpu.dma_semaphore, #tpu.memory_space<semaphore_mem>>
        tpu.enqueue_indirect_dma source(%dma_start3A_279 : memref<40000x128xf32, #tpu.memory_space<hbm>>) target(%dma_start3A_273 : memref<16x128xf32, #tpu.memory_space<vmem>>) offsets(%dma_start3A_276 : memref<16xi32, #tpu.memory_space<vmem>>) semaphore(%dma_start3A_281 : memref<!tpu.dma_semaphore, #tpu.memory_space<semaphore_mem>>)
      } else {
      }
      %gt3A_152 = arith.constant 6 : i32
      %gt3A_153 = arith.cmpi sgt, %shift_right_arithmetic3A_124, %gt3A_152 : i32
      %convert_element_type3A_154 = arith.extui %gt3A_153 : i1 to i32
      %cond3A_155 = arith.constant 0 : i32
      %cond3A_156 = arith.cmpi ne, %convert_element_type3A_154, %cond3A_155 : i32
      scf.if %cond3A_156 {
        %mul3A_227 = arith.constant 6 : i32
        %mul3A_228 = arith.constant 16 : i32
        %mul3A_229 = arith.muli %mul3A_227, %mul3A_228 : i32
        %add3A_230 = arith.constant 0 : i32
        %add3A_231 = arith.addi %mul3A_229, %add3A_230 : i32
        %get3A = arith.index_cast %add3A_231 : i32 to index
        %get3A_232 = tpu.vector_load %arg8[%get3A] {strides = array<i32>} : memref<10032xi32, #tpu.memory_space<vmem>>, vector<16xi32>,
        %shift_right_arithmetic3A_233 = arith.constant 16 : i32
        %shift_right_arithmetic3A_234 = vector.broadcast %shift_right_arithmetic3A_233 : i32 to vector<16xi32>
        %shift_right_arithmetic3A_235 = arith.shrsi %get3A_232, %shift_right_arithmetic3A_234 : vector<16xi32>
        %and3A_236 = arith.andi %get3A_232, %broadcast_in_dim3A_15 : vector<16xi32>
        %swap3A = arith.constant 6 : i32
        %swap3A_237 = arith.index_cast %swap3A : i32 to index
        %swap3A_238 = arith.constant 0 : index
        %swap3A_239 = tpu.vector_load %arg9[%swap3A_237, %swap3A_238] {strides = array<i32>} : memref<8x16xi32, #tpu.memory_space<vmem>>, vector<16xi32>,
        tpu.vector_store %arg9[%swap3A_237, %swap3A_238], %and3A_236 {strides = array<i32>} : memref<8x16xi32, #tpu.memory_space<vmem>>, vector<16xi32>,
        %swap3A_240 = arith.constant 6 : i32
        %swap3A_241 = arith.index_cast %swap3A_240 : i32 to index
        %swap3A_242 = arith.constant 0 : index
        %swap3A_243 = tpu.vector_load %arg11[%swap3A_241, %swap3A_242] {strides = array<i32>} : memref<8x16xi32, #tpu.memory_space<vmem>>, vector<16xi32>,
        tpu.vector_store %arg11[%swap3A_241, %swap3A_242], %shift_right_arithmetic3A_235 {strides = array<i32>} : memref<8x16xi32, #tpu.memory_space<vmem>>, vector<16xi32>,
        %add3A_244 = arith.addi %shift_right_arithmetic3A_235, %broadcast_in_dim3A_112 : vector<16xi32>
        %mul3A_245 = arith.constant 4 : i32
        %mul3A_246 = vector.broadcast %mul3A_245 : i32 to vector<16xi32>
        %mul3A_247 = arith.muli %add3A_244, %mul3A_246 : vector<16xi32>
        %add3A_248 = arith.addi %mul3A_247, %broadcast_in_dim3A_111 : vector<16xi32>
        %swap3A_249 = arith.constant 6 : i32
        %swap3A_250 = arith.index_cast %swap3A_249 : i32 to index
        %swap3A_251 = arith.constant 0 : index
        %swap3A_252 = tpu.vector_load %arg10[%swap3A_250, %swap3A_251] {strides = array<i32>} : memref<8x16xi32, #tpu.memory_space<vmem>>, vector<16xi32>,
        tpu.vector_store %arg10[%swap3A_250, %swap3A_251], %add3A_248 {strides = array<i32>} : memref<8x16xi32, #tpu.memory_space<vmem>>, vector<16xi32>,
        %dma_start3A = arith.constant 6 : i32
        %dma_start3A_253 = arith.constant 6 : i32
        %dma_start3A_254 = arith.constant 6 : i32
        %dma_start3A_255 = arith.constant 0 : i32
        %dma_start3A_256 = arith.constant 0 : i32
        %dma_start3A_257 = tpu.memref_slice %arg12[%dma_start3A_253, %dma_start3A_255, %dma_start3A_256] : memref<8x16x128xf32, #tpu.memory_space<vmem>> -> memref<1x16x128xf32, #tpu.memory_space<vmem>>
        %dma_start3A_258 = tpu.memref_squeeze %dma_start3A_257 : memref<1x16x128xf32, #tpu.memory_space<vmem>> -> memref<16x128xf32, #tpu.memory_space<vmem>>
        %dma_start3A_259 = arith.constant 0 : i32
        %dma_start3A_260 = tpu.memref_slice %arg9[%dma_start3A, %dma_start3A_259] : memref<8x16xi32, #tpu.memory_space<vmem>> -> memref<1x16xi32, #tpu.memory_space<vmem>>
        %dma_start3A_261 = tpu.memref_squeeze %dma_start3A_260 : memref<1x16xi32, #tpu.memory_space<vmem>> -> memref<16xi32, #tpu.memory_space<vmem>>
        %dma_start3A_262 = arith.constant 0 : i32
        %dma_start3A_263 = arith.constant 0 : i32
        %dma_start3A_264 = tpu.memref_slice %arg2[%dma_start3A_262, %dma_start3A_263] : memref<40000x128xf32, #tpu.memory_space<hbm>> -> memref<40000x128xf32, #tpu.memory_space<hbm>>
        %dma_start3A_265 = tpu.memref_slice %arg17[%dma_start3A_254] : memref<8x!tpu.dma_semaphore, #tpu.memory_space<semaphore_mem>> -> memref<1x!tpu.dma_semaphore, #tpu.memory_space<semaphore_mem>>
        %dma_start3A_266 = tpu.memref_squeeze %dma_start3A_265 : memref<1x!tpu.dma_semaphore, #tpu.memory_space<semaphore_mem>> -> memref<!tpu.dma_semaphore, #tpu.memory_space<semaphore_mem>>
        tpu.enqueue_indirect_dma source(%dma_start3A_264 : memref<40000x128xf32, #tpu.memory_space<hbm>>) target(%dma_start3A_258 : memref<16x128xf32, #tpu.memory_space<vmem>>) offsets(%dma_start3A_261 : memref<16xi32, #tpu.memory_space<vmem>>) semaphore(%dma_start3A_266 : memref<!tpu.dma_semaphore, #tpu.memory_space<semaphore_mem>>)
        %dma_start3A_267 = arith.constant 6 : i32
        %dma_start3A_268 = arith.constant 6 : i32
        %dma_start3A_269 = arith.constant 6 : i32
        %dma_start3A_270 = arith.constant 0 : i32
        %dma_start3A_271 = arith.constant 0 : i32
        %dma_start3A_272 = tpu.memref_slice %arg13[%dma_start3A_268, %dma_start3A_270, %dma_start3A_271] : memref<8x16x128xf32, #tpu.memory_space<vmem>> -> memref<1x16x128xf32, #tpu.memory_space<vmem>>
        %dma_start3A_273 = tpu.memref_squeeze %dma_start3A_272 : memref<1x16x128xf32, #tpu.memory_space<vmem>> -> memref<16x128xf32, #tpu.memory_space<vmem>>
        %dma_start3A_274 = arith.constant 0 : i32
        %dma_start3A_275 = tpu.memref_slice %arg10[%dma_start3A_267, %dma_start3A_274] : memref<8x16xi32, #tpu.memory_space<vmem>> -> memref<1x16xi32, #tpu.memory_space<vmem>>
        %dma_start3A_276 = tpu.memref_squeeze %dma_start3A_275 : memref<1x16xi32, #tpu.memory_space<vmem>> -> memref<16xi32, #tpu.memory_space<vmem>>
        %dma_start3A_277 = arith.constant 0 : i32
        %dma_start3A_278 = arith.constant 0 : i32
        %dma_start3A_279 = tpu.memref_slice %arg3[%dma_start3A_277, %dma_start3A_278] : memref<40000x128xf32, #tpu.memory_space<hbm>> -> memref<40000x128xf32, #tpu.memory_space<hbm>>
        %dma_start3A_280 = tpu.memref_slice %arg18[%dma_start3A_269] : memref<8x!tpu.dma_semaphore, #tpu.memory_space<semaphore_mem>> -> memref<1x!tpu.dma_semaphore, #tpu.memory_space<semaphore_mem>>
        %dma_start3A_281 = tpu.memref_squeeze %dma_start3A_280 : memref<1x!tpu.dma_semaphore, #tpu.memory_space<semaphore_mem>> -> memref<!tpu.dma_semaphore, #tpu.memory_space<semaphore_mem>>
        tpu.enqueue_indirect_dma source(%dma_start3A_279 : memref<40000x128xf32, #tpu.memory_space<hbm>>) target(%dma_start3A_273 : memref<16x128xf32, #tpu.memory_space<vmem>>) offsets(%dma_start3A_276 : memref<16xi32, #tpu.memory_space<vmem>>) semaphore(%dma_start3A_281 : memref<!tpu.dma_semaphore, #tpu.memory_space<semaphore_mem>>)
      } else {
      }
      %while3A = arith.constant 0 : i32
      %while3A_157 = arith.constant 0 : i32
      %while3A_158 = arith.subi %shift_right_arithmetic3A_124, %while3A : i32
      %while3A_159 = arith.addi %while3A, %while3A_158 : i32
      %while3A_160 = arith.constant 1 : i32
      %while3A_161 = arith.divsi %while3A_158, %while3A_160 : i32
      %while3A_162 = arith.muli %while3A_161, %while3A_160 : i32
      %while3A_163 = arith.addi %while3A, %while3A_162 : i32
      %while3A_164 = arith.constant 1 : i32
      %while3A_165 = scf.for %while3A_227 = %while3A to %while3A_163 step %while3A_164 iter_args(%while3A_228 = %while3A_157) -> (i32)  : i32 {
        %and3A_229 = arith.constant 7 : i32
        %and3A_230 = arith.andi %while3A_227, %and3A_229 : i32
        %add3A_231 = arith.constant 7 : i32
        %add3A_232 = arith.addi %while3A_227, %add3A_231 : i32
        %lt3A = arith.cmpi slt, %add3A_232, %shift_right_arithmetic3A_124 : i32
        %convert_element_type3A_233 = arith.extui %lt3A : i1 to i32
        %cond3A_234 = arith.constant 0 : i32
        %cond3A_235 = arith.cmpi ne, %convert_element_type3A_233, %cond3A_234 : i32
        scf.if %cond3A_235 {
          %ge3A = arith.constant 8 : i32
          %ge3A_274 = arith.cmpi sge, %add3A_232, %ge3A : i32
          %convert_element_type3A_275 = arith.extui %ge3A_274 : i1 to i32
          %cond3A_276 = arith.constant 0 : i32
          %cond3A_277 = arith.cmpi ne, %convert_element_type3A_275, %cond3A_276 : i32
          scf.if %cond3A_277 {
            %and3A_326 = arith.constant 7 : i32
            %and3A_327 = arith.andi %add3A_232, %and3A_326 : i32
            %dma_wait3A_328 = arith.constant 0 : i32
            %dma_wait3A_329 = arith.constant 0 : i32
            %dma_wait3A_330 = tpu.memref_slice %arg12[%and3A_327, %dma_wait3A_328, %dma_wait3A_329] : memref<8x16x128xf32, #tpu.memory_space<vmem>> -> memref<1x16x128xf32, #tpu.memory_space<vmem>>
            %dma_wait3A_331 = tpu.memref_squeeze %dma_wait3A_330 : memref<1x16x128xf32, #tpu.memory_space<vmem>> -> memref<16x128xf32, #tpu.memory_space<vmem>>
            %dma_wait3A_332 = arith.constant 0 : i32
            %dma_wait3A_333 = tpu.memref_slice %arg11[%and3A_327, %dma_wait3A_332] : memref<8x16xi32, #tpu.memory_space<vmem>> -> memref<1x16xi32, #tpu.memory_space<vmem>>
            %dma_wait3A_334 = tpu.memref_squeeze %dma_wait3A_333 : memref<1x16xi32, #tpu.memory_space<vmem>> -> memref<16xi32, #tpu.memory_space<vmem>>
            %dma_wait3A_335 = arith.constant 0 : i32
            %dma_wait3A_336 = arith.constant 0 : i32
            %dma_wait3A_337 = tpu.memref_slice %arg16[%dma_wait3A_335, %dma_wait3A_336] : memref<5136x128xf32, #tpu.memory_space<vmem_shared>> -> memref<5136x128xf32, #tpu.memory_space<vmem_shared>>
            %dma_wait3A_338 = tpu.memref_slice %arg19[%and3A_327] : memref<8x!tpu.dma_semaphore, #tpu.memory_space<semaphore_mem>> -> memref<1x!tpu.dma_semaphore, #tpu.memory_space<semaphore_mem>>
            %dma_wait3A_339 = tpu.memref_squeeze %dma_wait3A_338 : memref<1x!tpu.dma_semaphore, #tpu.memory_space<semaphore_mem>> -> memref<!tpu.dma_semaphore, #tpu.memory_space<semaphore_mem>>
            tpu.wait_indirect_dma semaphore(%dma_wait3A_339 : memref<!tpu.dma_semaphore, #tpu.memory_space<semaphore_mem>>) src(%dma_wait3A_331 : memref<16x128xf32, #tpu.memory_space<vmem>>) dst(%dma_wait3A_337 : memref<5136x128xf32, #tpu.memory_space<vmem_shared>>)
          } else {
          }
          %and3A_278 = arith.constant 7 : i32
          %and3A_279 = arith.andi %add3A_232, %and3A_278 : i32
          %mul3A_280 = arith.constant 16 : i32
          %mul3A_281 = arith.muli %add3A_232, %mul3A_280 : i32
          %add3A_282 = arith.constant 0 : i32
          %add3A_283 = arith.addi %mul3A_281, %add3A_282 : i32
          %get3A = arith.index_cast %add3A_283 : i32 to index
          %get3A_284 = tpu.vector_load %arg8[%get3A] {strides = array<i32>} : memref<10032xi32, #tpu.memory_space<vmem>>, vector<16xi32>,
          %shift_right_arithmetic3A_285 = arith.constant 16 : i32
          %shift_right_arithmetic3A_286 = vector.broadcast %shift_right_arithmetic3A_285 : i32 to vector<16xi32>
          %shift_right_arithmetic3A_287 = arith.shrsi %get3A_284, %shift_right_arithmetic3A_286 : vector<16xi32>
          %and3A_288 = arith.andi %get3A_284, %broadcast_in_dim3A_15 : vector<16xi32>
          %swap3A = arith.index_cast %and3A_279 : i32 to index
          %swap3A_289 = arith.constant 0 : index
          %swap3A_290 = tpu.vector_load %arg9[%swap3A, %swap3A_289] {strides = array<i32>} : memref<8x16xi32, #tpu.memory_space<vmem>>, vector<16xi32>,
          tpu.vector_store %arg9[%swap3A, %swap3A_289], %and3A_288 {strides = array<i32>} : memref<8x16xi32, #tpu.memory_space<vmem>>, vector<16xi32>,
          %swap3A_291 = arith.index_cast %and3A_279 : i32 to index
          %swap3A_292 = arith.constant 0 : index
          %swap3A_293 = tpu.vector_load %arg11[%swap3A_291, %swap3A_292] {strides = array<i32>} : memref<8x16xi32, #tpu.memory_space<vmem>>, vector<16xi32>,
          tpu.vector_store %arg11[%swap3A_291, %swap3A_292], %shift_right_arithmetic3A_287 {strides = array<i32>} : memref<8x16xi32, #tpu.memory_space<vmem>>, vector<16xi32>,
          %add3A_294 = arith.addi %shift_right_arithmetic3A_287, %broadcast_in_dim3A_112 : vector<16xi32>
          %mul3A_295 = arith.constant 4 : i32
          %mul3A_296 = vector.broadcast %mul3A_295 : i32 to vector<16xi32>
          %mul3A_297 = arith.muli %add3A_294, %mul3A_296 : vector<16xi32>
          %add3A_298 = arith.addi %mul3A_297, %broadcast_in_dim3A_111 : vector<16xi32>
          %swap3A_299 = arith.index_cast %and3A_279 : i32 to index
          %swap3A_300 = arith.constant 0 : index
          %swap3A_301 = tpu.vector_load %arg10[%swap3A_299, %swap3A_300] {strides = array<i32>} : memref<8x16xi32, #tpu.memory_space<vmem>>, vector<16xi32>,
          tpu.vector_store %arg10[%swap3A_299, %swap3A_300], %add3A_298 {strides = array<i32>} : memref<8x16xi32, #tpu.memory_space<vmem>>, vector<16xi32>,
          %dma_start3A_302 = arith.constant 0 : i32
          %dma_start3A_303 = arith.constant 0 : i32
          %dma_start3A_304 = tpu.memref_slice %arg12[%and3A_279, %dma_start3A_302, %dma_start3A_303] : memref<8x16x128xf32, #tpu.memory_space<vmem>> -> memref<1x16x128xf32, #tpu.memory_space<vmem>>
          %dma_start3A_305 = tpu.memref_squeeze %dma_start3A_304 : memref<1x16x128xf32, #tpu.memory_space<vmem>> -> memref<16x128xf32, #tpu.memory_space<vmem>>
          %dma_start3A_306 = arith.constant 0 : i32
          %dma_start3A_307 = tpu.memref_slice %arg9[%and3A_279, %dma_start3A_306] : memref<8x16xi32, #tpu.memory_space<vmem>> -> memref<1x16xi32, #tpu.memory_space<vmem>>
          %dma_start3A_308 = tpu.memref_squeeze %dma_start3A_307 : memref<1x16xi32, #tpu.memory_space<vmem>> -> memref<16xi32, #tpu.memory_space<vmem>>
          %dma_start3A_309 = arith.constant 0 : i32
          %dma_start3A_310 = arith.constant 0 : i32
          %dma_start3A_311 = tpu.memref_slice %arg2[%dma_start3A_309, %dma_start3A_310] : memref<40000x128xf32, #tpu.memory_space<hbm>> -> memref<40000x128xf32, #tpu.memory_space<hbm>>
          %dma_start3A_312 = tpu.memref_slice %arg17[%and3A_279] : memref<8x!tpu.dma_semaphore, #tpu.memory_space<semaphore_mem>> -> memref<1x!tpu.dma_semaphore, #tpu.memory_space<semaphore_mem>>
          %dma_start3A_313 = tpu.memref_squeeze %dma_start3A_312 : memref<1x!tpu.dma_semaphore, #tpu.memory_space<semaphore_mem>> -> memref<!tpu.dma_semaphore, #tpu.memory_space<semaphore_mem>>
          tpu.enqueue_indirect_dma source(%dma_start3A_311 : memref<40000x128xf32, #tpu.memory_space<hbm>>) target(%dma_start3A_305 : memref<16x128xf32, #tpu.memory_space<vmem>>) offsets(%dma_start3A_308 : memref<16xi32, #tpu.memory_space<vmem>>) semaphore(%dma_start3A_313 : memref<!tpu.dma_semaphore, #tpu.memory_space<semaphore_mem>>)
          %dma_start3A_314 = arith.constant 0 : i32
          %dma_start3A_315 = arith.constant 0 : i32
          %dma_start3A_316 = tpu.memref_slice %arg13[%and3A_279, %dma_start3A_314, %dma_start3A_315] : memref<8x16x128xf32, #tpu.memory_space<vmem>> -> memref<1x16x128xf32, #tpu.memory_space<vmem>>
          %dma_start3A_317 = tpu.memref_squeeze %dma_start3A_316 : memref<1x16x128xf32, #tpu.memory_space<vmem>> -> memref<16x128xf32, #tpu.memory_space<vmem>>
          %dma_start3A_318 = arith.constant 0 : i32
          %dma_start3A_319 = tpu.memref_slice %arg10[%and3A_279, %dma_start3A_318] : memref<8x16xi32, #tpu.memory_space<vmem>> -> memref<1x16xi32, #tpu.memory_space<vmem>>
          %dma_start3A_320 = tpu.memref_squeeze %dma_start3A_319 : memref<1x16xi32, #tpu.memory_space<vmem>> -> memref<16xi32, #tpu.memory_space<vmem>>
          %dma_start3A_321 = arith.constant 0 : i32
          %dma_start3A_322 = arith.constant 0 : i32
          %dma_start3A_323 = tpu.memref_slice %arg3[%dma_start3A_321, %dma_start3A_322] : memref<40000x128xf32, #tpu.memory_space<hbm>> -> memref<40000x128xf32, #tpu.memory_space<hbm>>
          %dma_start3A_324 = tpu.memref_slice %arg18[%and3A_279] : memref<8x!tpu.dma_semaphore, #tpu.memory_space<semaphore_mem>> -> memref<1x!tpu.dma_semaphore, #tpu.memory_space<semaphore_mem>>
          %dma_start3A_325 = tpu.memref_squeeze %dma_start3A_324 : memref<1x!tpu.dma_semaphore, #tpu.memory_space<semaphore_mem>> -> memref<!tpu.dma_semaphore, #tpu.memory_space<semaphore_mem>>
          tpu.enqueue_indirect_dma source(%dma_start3A_323 : memref<40000x128xf32, #tpu.memory_space<hbm>>) target(%dma_start3A_317 : memref<16x128xf32, #tpu.memory_space<vmem>>) offsets(%dma_start3A_320 : memref<16xi32, #tpu.memory_space<vmem>>) semaphore(%dma_start3A_325 : memref<!tpu.dma_semaphore, #tpu.memory_space<semaphore_mem>>)
        } else {
        }
        %dma_wait3A = arith.constant 0 : i32
        %dma_wait3A_236 = arith.constant 0 : i32
        %dma_wait3A_237 = tpu.memref_slice %arg12[%and3A_230, %dma_wait3A, %dma_wait3A_236] : memref<8x16x128xf32, #tpu.memory_space<vmem>> -> memref<1x16x128xf32, #tpu.memory_space<vmem>>
        %dma_wait3A_238 = tpu.memref_squeeze %dma_wait3A_237 : memref<1x16x128xf32, #tpu.memory_space<vmem>> -> memref<16x128xf32, #tpu.memory_space<vmem>>
        %dma_wait3A_239 = arith.constant 0 : i32
        %dma_wait3A_240 = tpu.memref_slice %arg9[%and3A_230, %dma_wait3A_239] : memref<8x16xi32, #tpu.memory_space<vmem>> -> memref<1x16xi32, #tpu.memory_space<vmem>>
        %dma_wait3A_241 = tpu.memref_squeeze %dma_wait3A_240 : memref<1x16xi32, #tpu.memory_space<vmem>> -> memref<16xi32, #tpu.memory_space<vmem>>
        %dma_wait3A_242 = arith.constant 0 : i32
        %dma_wait3A_243 = arith.constant 0 : i32
        %dma_wait3A_244 = tpu.memref_slice %arg2[%dma_wait3A_242, %dma_wait3A_243] : memref<40000x128xf32, #tpu.memory_space<hbm>> -> memref<40000x128xf32, #tpu.memory_space<hbm>>
        %dma_wait3A_245 = tpu.memref_slice %arg17[%and3A_230] : memref<8x!tpu.dma_semaphore, #tpu.memory_space<semaphore_mem>> -> memref<1x!tpu.dma_semaphore, #tpu.memory_space<semaphore_mem>>
        %dma_wait3A_246 = tpu.memref_squeeze %dma_wait3A_245 : memref<1x!tpu.dma_semaphore, #tpu.memory_space<semaphore_mem>> -> memref<!tpu.dma_semaphore, #tpu.memory_space<semaphore_mem>>
        tpu.wait_indirect_dma semaphore(%dma_wait3A_246 : memref<!tpu.dma_semaphore, #tpu.memory_space<semaphore_mem>>) src(%dma_wait3A_244 : memref<40000x128xf32, #tpu.memory_space<hbm>>) dst(%dma_wait3A_238 : memref<16x128xf32, #tpu.memory_space<vmem>>)
        %dma_wait3A_247 = arith.constant 0 : i32
        %dma_wait3A_248 = arith.constant 0 : i32
        %dma_wait3A_249 = tpu.memref_slice %arg13[%and3A_230, %dma_wait3A_247, %dma_wait3A_248] : memref<8x16x128xf32, #tpu.memory_space<vmem>> -> memref<1x16x128xf32, #tpu.memory_space<vmem>>
        %dma_wait3A_250 = tpu.memref_squeeze %dma_wait3A_249 : memref<1x16x128xf32, #tpu.memory_space<vmem>> -> memref<16x128xf32, #tpu.memory_space<vmem>>
        %dma_wait3A_251 = arith.constant 0 : i32
        %dma_wait3A_252 = tpu.memref_slice %arg10[%and3A_230, %dma_wait3A_251] : memref<8x16xi32, #tpu.memory_space<vmem>> -> memref<1x16xi32, #tpu.memory_space<vmem>>
        %dma_wait3A_253 = tpu.memref_squeeze %dma_wait3A_252 : memref<1x16xi32, #tpu.memory_space<vmem>> -> memref<16xi32, #tpu.memory_space<vmem>>
        %dma_wait3A_254 = arith.constant 0 : i32
        %dma_wait3A_255 = arith.constant 0 : i32
        %dma_wait3A_256 = tpu.memref_slice %arg3[%dma_wait3A_254, %dma_wait3A_255] : memref<40000x128xf32, #tpu.memory_space<hbm>> -> memref<40000x128xf32, #tpu.memory_space<hbm>>
        %dma_wait3A_257 = tpu.memref_slice %arg18[%and3A_230] : memref<8x!tpu.dma_semaphore, #tpu.memory_space<semaphore_mem>> -> memref<1x!tpu.dma_semaphore, #tpu.memory_space<semaphore_mem>>
        %dma_wait3A_258 = tpu.memref_squeeze %dma_wait3A_257 : memref<1x!tpu.dma_semaphore, #tpu.memory_space<semaphore_mem>> -> memref<!tpu.dma_semaphore, #tpu.memory_space<semaphore_mem>>
        tpu.wait_indirect_dma semaphore(%dma_wait3A_258 : memref<!tpu.dma_semaphore, #tpu.memory_space<semaphore_mem>>) src(%dma_wait3A_256 : memref<40000x128xf32, #tpu.memory_space<hbm>>) dst(%dma_wait3A_250 : memref<16x128xf32, #tpu.memory_space<vmem>>)
        %parallel_loop3A_259 = arith.constant 0 : i32
        %parallel_loop3A_260 = arith.constant 16 : i32
        %parallel_loop3A_261 = arith.constant 1 : i32
        scf.for %parallel_loop3A_274 = %parallel_loop3A_259 to %parallel_loop3A_260 step %parallel_loop3A_261  : i32 {
          %parallel_loop3A_275 = arith.index_cast %and3A_230 : i32 to index
          %parallel_loop3A_276 = arith.index_cast %parallel_loop3A_274 : i32 to index
          %parallel_loop3A_277 = arith.constant 0 : index
          %parallel_loop3A_278 = tpu.vector_load %arg12[%parallel_loop3A_275, %parallel_loop3A_276, %parallel_loop3A_277] {strides = array<i32>} : memref<8x16x128xf32, #tpu.memory_space<vmem>>, vector<16xf32>,
          %parallel_loop3A_279 = arith.index_cast %and3A_230 : i32 to index
          %parallel_loop3A_280 = arith.index_cast %parallel_loop3A_274 : i32 to index
          %parallel_loop3A_281 = arith.constant 0 : index
          %parallel_loop3A_282 = tpu.vector_load %arg13[%parallel_loop3A_279, %parallel_loop3A_280, %parallel_loop3A_281] {strides = array<i32>} : memref<8x16x128xf32, #tpu.memory_space<vmem>>, vector<16xf32>,
          %parallel_loop3A_283 = arith.addf %parallel_loop3A_278, %parallel_loop3A_282 : vector<16xf32>
          %parallel_loop3A_284 = arith.constant 0.000000e+00 : f32
          %parallel_loop3A_285 = vector.broadcast %parallel_loop3A_284 : f32 to vector<16xf32>
          %parallel_loop3A_286 = arith.maximumf %parallel_loop3A_283, %parallel_loop3A_285 : vector<16xf32>
          %parallel_loop3A_287 = arith.index_cast %and3A_230 : i32 to index
          %parallel_loop3A_288 = arith.index_cast %parallel_loop3A_274 : i32 to index
          %parallel_loop3A_289 = arith.constant 0 : index
          %parallel_loop3A_290 = tpu.vector_load %arg12[%parallel_loop3A_287, %parallel_loop3A_288, %parallel_loop3A_289] {strides = array<i32>} : memref<8x16x128xf32, #tpu.memory_space<vmem>>, vector<16xf32>,
          tpu.vector_store %arg12[%parallel_loop3A_287, %parallel_loop3A_288, %parallel_loop3A_289], %parallel_loop3A_286 {strides = array<i32>} : memref<8x16x128xf32, #tpu.memory_space<vmem>>, vector<16xf32>,
          %parallel_loop3A_291 = arith.index_cast %and3A_230 : i32 to index
          %parallel_loop3A_292 = arith.index_cast %parallel_loop3A_274 : i32 to index
          %parallel_loop3A_293 = arith.constant 16 : index
          %parallel_loop3A_294 = tpu.vector_load %arg12[%parallel_loop3A_291, %parallel_loop3A_292, %parallel_loop3A_293] {strides = array<i32>} : memref<8x16x128xf32, #tpu.memory_space<vmem>>, vector<16xf32>,
          %parallel_loop3A_295 = arith.index_cast %and3A_230 : i32 to index
          %parallel_loop3A_296 = arith.index_cast %parallel_loop3A_274 : i32 to index
          %parallel_loop3A_297 = arith.constant 16 : index
          %parallel_loop3A_298 = tpu.vector_load %arg13[%parallel_loop3A_295, %parallel_loop3A_296, %parallel_loop3A_297] {strides = array<i32>} : memref<8x16x128xf32, #tpu.memory_space<vmem>>, vector<16xf32>,
          %parallel_loop3A_299 = arith.addf %parallel_loop3A_294, %parallel_loop3A_298 : vector<16xf32>
          %parallel_loop3A_300 = arith.constant 0.000000e+00 : f32
          %parallel_loop3A_301 = vector.broadcast %parallel_loop3A_300 : f32 to vector<16xf32>
          %parallel_loop3A_302 = arith.maximumf %parallel_loop3A_299, %parallel_loop3A_301 : vector<16xf32>
          %parallel_loop3A_303 = arith.index_cast %and3A_230 : i32 to index
          %parallel_loop3A_304 = arith.index_cast %parallel_loop3A_274 : i32 to index
          %parallel_loop3A_305 = arith.constant 16 : index
          %parallel_loop3A_306 = tpu.vector_load %arg12[%parallel_loop3A_303, %parallel_loop3A_304, %parallel_loop3A_305] {strides = array<i32>} : memref<8x16x128xf32, #tpu.memory_space<vmem>>, vector<16xf32>,
          tpu.vector_store %arg12[%parallel_loop3A_303, %parallel_loop3A_304, %parallel_loop3A_305], %parallel_loop3A_302 {strides = array<i32>} : memref<8x16x128xf32, #tpu.memory_space<vmem>>, vector<16xf32>,
          %parallel_loop3A_307 = arith.index_cast %and3A_230 : i32 to index
          %parallel_loop3A_308 = arith.index_cast %parallel_loop3A_274 : i32 to index
          %parallel_loop3A_309 = arith.constant 32 : index
          %parallel_loop3A_310 = tpu.vector_load %arg12[%parallel_loop3A_307, %parallel_loop3A_308, %parallel_loop3A_309] {strides = array<i32>} : memref<8x16x128xf32, #tpu.memory_space<vmem>>, vector<16xf32>,
          %parallel_loop3A_311 = arith.index_cast %and3A_230 : i32 to index
          %parallel_loop3A_312 = arith.index_cast %parallel_loop3A_274 : i32 to index
          %parallel_loop3A_313 = arith.constant 32 : index
          %parallel_loop3A_314 = tpu.vector_load %arg13[%parallel_loop3A_311, %parallel_loop3A_312, %parallel_loop3A_313] {strides = array<i32>} : memref<8x16x128xf32, #tpu.memory_space<vmem>>, vector<16xf32>,
          %parallel_loop3A_315 = arith.addf %parallel_loop3A_310, %parallel_loop3A_314 : vector<16xf32>
          %parallel_loop3A_316 = arith.constant 0.000000e+00 : f32
          %parallel_loop3A_317 = vector.broadcast %parallel_loop3A_316 : f32 to vector<16xf32>
          %parallel_loop3A_318 = arith.maximumf %parallel_loop3A_315, %parallel_loop3A_317 : vector<16xf32>
          %parallel_loop3A_319 = arith.index_cast %and3A_230 : i32 to index
          %parallel_loop3A_320 = arith.index_cast %parallel_loop3A_274 : i32 to index
          %parallel_loop3A_321 = arith.constant 32 : index
          %parallel_loop3A_322 = tpu.vector_load %arg12[%parallel_loop3A_319, %parallel_loop3A_320, %parallel_loop3A_321] {strides = array<i32>} : memref<8x16x128xf32, #tpu.memory_space<vmem>>, vector<16xf32>,
          tpu.vector_store %arg12[%parallel_loop3A_319, %parallel_loop3A_320, %parallel_loop3A_321], %parallel_loop3A_318 {strides = array<i32>} : memref<8x16x128xf32, #tpu.memory_space<vmem>>, vector<16xf32>,
          %parallel_loop3A_323 = arith.index_cast %and3A_230 : i32 to index
          %parallel_loop3A_324 = arith.index_cast %parallel_loop3A_274 : i32 to index
          %parallel_loop3A_325 = arith.constant 48 : index
          %parallel_loop3A_326 = tpu.vector_load %arg12[%parallel_loop3A_323, %parallel_loop3A_324, %parallel_loop3A_325] {strides = array<i32>} : memref<8x16x128xf32, #tpu.memory_space<vmem>>, vector<16xf32>,
          %parallel_loop3A_327 = arith.index_cast %and3A_230 : i32 to index
          %parallel_loop3A_328 = arith.index_cast %parallel_loop3A_274 : i32 to index
          %parallel_loop3A_329 = arith.constant 48 : index
          %parallel_loop3A_330 = tpu.vector_load %arg13[%parallel_loop3A_327, %parallel_loop3A_328, %parallel_loop3A_329] {strides = array<i32>} : memref<8x16x128xf32, #tpu.memory_space<vmem>>, vector<16xf32>,
          %parallel_loop3A_331 = arith.addf %parallel_loop3A_326, %parallel_loop3A_330 : vector<16xf32>
          %parallel_loop3A_332 = arith.constant 0.000000e+00 : f32
          %parallel_loop3A_333 = vector.broadcast %parallel_loop3A_332 : f32 to vector<16xf32>
          %parallel_loop3A_334 = arith.maximumf %parallel_loop3A_331, %parallel_loop3A_333 : vector<16xf32>
          %parallel_loop3A_335 = arith.index_cast %and3A_230 : i32 to index
          %parallel_loop3A_336 = arith.index_cast %parallel_loop3A_274 : i32 to index
          %parallel_loop3A_337 = arith.constant 48 : index
          %parallel_loop3A_338 = tpu.vector_load %arg12[%parallel_loop3A_335, %parallel_loop3A_336, %parallel_loop3A_337] {strides = array<i32>} : memref<8x16x128xf32, #tpu.memory_space<vmem>>, vector<16xf32>,
          tpu.vector_store %arg12[%parallel_loop3A_335, %parallel_loop3A_336, %parallel_loop3A_337], %parallel_loop3A_334 {strides = array<i32>} : memref<8x16x128xf32, #tpu.memory_space<vmem>>, vector<16xf32>,
          %parallel_loop3A_339 = arith.index_cast %and3A_230 : i32 to index
          %parallel_loop3A_340 = arith.index_cast %parallel_loop3A_274 : i32 to index
          %parallel_loop3A_341 = arith.constant 64 : index
          %parallel_loop3A_342 = tpu.vector_load %arg12[%parallel_loop3A_339, %parallel_loop3A_340, %parallel_loop3A_341] {strides = array<i32>} : memref<8x16x128xf32, #tpu.memory_space<vmem>>, vector<16xf32>,
          %parallel_loop3A_343 = arith.index_cast %and3A_230 : i32 to index
          %parallel_loop3A_344 = arith.index_cast %parallel_loop3A_274 : i32 to index
          %parallel_loop3A_345 = arith.constant 64 : index
          %parallel_loop3A_346 = tpu.vector_load %arg13[%parallel_loop3A_343, %parallel_loop3A_344, %parallel_loop3A_345] {strides = array<i32>} : memref<8x16x128xf32, #tpu.memory_space<vmem>>, vector<16xf32>,
          %parallel_loop3A_347 = arith.addf %parallel_loop3A_342, %parallel_loop3A_346 : vector<16xf32>
          %parallel_loop3A_348 = arith.constant 0.000000e+00 : f32
          %parallel_loop3A_349 = vector.broadcast %parallel_loop3A_348 : f32 to vector<16xf32>
          %parallel_loop3A_350 = arith.maximumf %parallel_loop3A_347, %parallel_loop3A_349 : vector<16xf32>
          %parallel_loop3A_351 = arith.index_cast %and3A_230 : i32 to index
          %parallel_loop3A_352 = arith.index_cast %parallel_loop3A_274 : i32 to index
          %parallel_loop3A_353 = arith.constant 64 : index
          %parallel_loop3A_354 = tpu.vector_load %arg12[%parallel_loop3A_351, %parallel_loop3A_352, %parallel_loop3A_353] {strides = array<i32>} : memref<8x16x128xf32, #tpu.memory_space<vmem>>, vector<16xf32>,
          tpu.vector_store %arg12[%parallel_loop3A_351, %parallel_loop3A_352, %parallel_loop3A_353], %parallel_loop3A_350 {strides = array<i32>} : memref<8x16x128xf32, #tpu.memory_space<vmem>>, vector<16xf32>,
          %parallel_loop3A_355 = arith.index_cast %and3A_230 : i32 to index
          %parallel_loop3A_356 = arith.index_cast %parallel_loop3A_274 : i32 to index
          %parallel_loop3A_357 = arith.constant 80 : index
          %parallel_loop3A_358 = tpu.vector_load %arg12[%parallel_loop3A_355, %parallel_loop3A_356, %parallel_loop3A_357] {strides = array<i32>} : memref<8x16x128xf32, #tpu.memory_space<vmem>>, vector<16xf32>,
          %parallel_loop3A_359 = arith.index_cast %and3A_230 : i32 to index
          %parallel_loop3A_360 = arith.index_cast %parallel_loop3A_274 : i32 to index
          %parallel_loop3A_361 = arith.constant 80 : index
          %parallel_loop3A_362 = tpu.vector_load %arg13[%parallel_loop3A_359, %parallel_loop3A_360, %parallel_loop3A_361] {strides = array<i32>} : memref<8x16x128xf32, #tpu.memory_space<vmem>>, vector<16xf32>,
          %parallel_loop3A_363 = arith.addf %parallel_loop3A_358, %parallel_loop3A_362 : vector<16xf32>
          %parallel_loop3A_364 = arith.constant 0.000000e+00 : f32
          %parallel_loop3A_365 = vector.broadcast %parallel_loop3A_364 : f32 to vector<16xf32>
          %parallel_loop3A_366 = arith.maximumf %parallel_loop3A_363, %parallel_loop3A_365 : vector<16xf32>
          %parallel_loop3A_367 = arith.index_cast %and3A_230 : i32 to index
          %parallel_loop3A_368 = arith.index_cast %parallel_loop3A_274 : i32 to index
          %parallel_loop3A_369 = arith.constant 80 : index
          %parallel_loop3A_370 = tpu.vector_load %arg12[%parallel_loop3A_367, %parallel_loop3A_368, %parallel_loop3A_369] {strides = array<i32>} : memref<8x16x128xf32, #tpu.memory_space<vmem>>, vector<16xf32>,
          tpu.vector_store %arg12[%parallel_loop3A_367, %parallel_loop3A_368, %parallel_loop3A_369], %parallel_loop3A_366 {strides = array<i32>} : memref<8x16x128xf32, #tpu.memory_space<vmem>>, vector<16xf32>,
          %parallel_loop3A_371 = arith.index_cast %and3A_230 : i32 to index
          %parallel_loop3A_372 = arith.index_cast %parallel_loop3A_274 : i32 to index
          %parallel_loop3A_373 = arith.constant 96 : index
          %parallel_loop3A_374 = tpu.vector_load %arg12[%parallel_loop3A_371, %parallel_loop3A_372, %parallel_loop3A_373] {strides = array<i32>} : memref<8x16x128xf32, #tpu.memory_space<vmem>>, vector<16xf32>,
          %parallel_loop3A_375 = arith.index_cast %and3A_230 : i32 to index
          %parallel_loop3A_376 = arith.index_cast %parallel_loop3A_274 : i32 to index
          %parallel_loop3A_377 = arith.constant 96 : index
          %parallel_loop3A_378 = tpu.vector_load %arg13[%parallel_loop3A_375, %parallel_loop3A_376, %parallel_loop3A_377] {strides = array<i32>} : memref<8x16x128xf32, #tpu.memory_space<vmem>>, vector<16xf32>,
          %parallel_loop3A_379 = arith.addf %parallel_loop3A_374, %parallel_loop3A_378 : vector<16xf32>
          %parallel_loop3A_380 = arith.constant 0.000000e+00 : f32
          %parallel_loop3A_381 = vector.broadcast %parallel_loop3A_380 : f32 to vector<16xf32>
          %parallel_loop3A_382 = arith.maximumf %parallel_loop3A_379, %parallel_loop3A_381 : vector<16xf32>
          %parallel_loop3A_383 = arith.index_cast %and3A_230 : i32 to index
          %parallel_loop3A_384 = arith.index_cast %parallel_loop3A_274 : i32 to index
          %parallel_loop3A_385 = arith.constant 96 : index
          %parallel_loop3A_386 = tpu.vector_load %arg12[%parallel_loop3A_383, %parallel_loop3A_384, %parallel_loop3A_385] {strides = array<i32>} : memref<8x16x128xf32, #tpu.memory_space<vmem>>, vector<16xf32>,
          tpu.vector_store %arg12[%parallel_loop3A_383, %parallel_loop3A_384, %parallel_loop3A_385], %parallel_loop3A_382 {strides = array<i32>} : memref<8x16x128xf32, #tpu.memory_space<vmem>>, vector<16xf32>,
          %parallel_loop3A_387 = arith.index_cast %and3A_230 : i32 to index
          %parallel_loop3A_388 = arith.index_cast %parallel_loop3A_274 : i32 to index
          %parallel_loop3A_389 = arith.constant 112 : index
          %parallel_loop3A_390 = tpu.vector_load %arg12[%parallel_loop3A_387, %parallel_loop3A_388, %parallel_loop3A_389] {strides = array<i32>} : memref<8x16x128xf32, #tpu.memory_space<vmem>>, vector<16xf32>,
          %parallel_loop3A_391 = arith.index_cast %and3A_230 : i32 to index
          %parallel_loop3A_392 = arith.index_cast %parallel_loop3A_274 : i32 to index
          %parallel_loop3A_393 = arith.constant 112 : index
          %parallel_loop3A_394 = tpu.vector_load %arg13[%parallel_loop3A_391, %parallel_loop3A_392, %parallel_loop3A_393] {strides = array<i32>} : memref<8x16x128xf32, #tpu.memory_space<vmem>>, vector<16xf32>,
          %parallel_loop3A_395 = arith.addf %parallel_loop3A_390, %parallel_loop3A_394 : vector<16xf32>
          %parallel_loop3A_396 = arith.constant 0.000000e+00 : f32
          %parallel_loop3A_397 = vector.broadcast %parallel_loop3A_396 : f32 to vector<16xf32>
          %parallel_loop3A_398 = arith.maximumf %parallel_loop3A_395, %parallel_loop3A_397 : vector<16xf32>
          %parallel_loop3A_399 = arith.index_cast %and3A_230 : i32 to index
          %parallel_loop3A_400 = arith.index_cast %parallel_loop3A_274 : i32 to index
          %parallel_loop3A_401 = arith.constant 112 : index
          %parallel_loop3A_402 = tpu.vector_load %arg12[%parallel_loop3A_399, %parallel_loop3A_400, %parallel_loop3A_401] {strides = array<i32>} : memref<8x16x128xf32, #tpu.memory_space<vmem>>, vector<16xf32>,
          tpu.vector_store %arg12[%parallel_loop3A_399, %parallel_loop3A_400, %parallel_loop3A_401], %parallel_loop3A_398 {strides = array<i32>} : memref<8x16x128xf32, #tpu.memory_space<vmem>>, vector<16xf32>,
        } {sc.loop_unroll_factor = 4 : i64, sc.parallel_access}
        %dma_start3A = arith.constant 0 : i32
        %dma_start3A_262 = arith.constant 0 : i32
        %dma_start3A_263 = tpu.memref_slice %arg12[%and3A_230, %dma_start3A, %dma_start3A_262] : memref<8x16x128xf32, #tpu.memory_space<vmem>> -> memref<1x16x128xf32, #tpu.memory_space<vmem>>
        %dma_start3A_264 = tpu.memref_squeeze %dma_start3A_263 : memref<1x16x128xf32, #tpu.memory_space<vmem>> -> memref<16x128xf32, #tpu.memory_space<vmem>>
        %dma_start3A_265 = arith.constant 0 : i32
        %dma_start3A_266 = tpu.memref_slice %arg11[%and3A_230, %dma_start3A_265] : memref<8x16xi32, #tpu.memory_space<vmem>> -> memref<1x16xi32, #tpu.memory_space<vmem>>
        %dma_start3A_267 = tpu.memref_squeeze %dma_start3A_266 : memref<1x16xi32, #tpu.memory_space<vmem>> -> memref<16xi32, #tpu.memory_space<vmem>>
        %dma_start3A_268 = arith.constant 0 : i32
        %dma_start3A_269 = arith.constant 0 : i32
        %dma_start3A_270 = tpu.memref_slice %arg16[%dma_start3A_268, %dma_start3A_269] : memref<5136x128xf32, #tpu.memory_space<vmem_shared>> -> memref<5136x128xf32, #tpu.memory_space<vmem_shared>>
        %dma_start3A_271 = tpu.memref_slice %arg19[%and3A_230] : memref<8x!tpu.dma_semaphore, #tpu.memory_space<semaphore_mem>> -> memref<1x!tpu.dma_semaphore, #tpu.memory_space<semaphore_mem>>
        %dma_start3A_272 = tpu.memref_squeeze %dma_start3A_271 : memref<1x!tpu.dma_semaphore, #tpu.memory_space<semaphore_mem>> -> memref<!tpu.dma_semaphore, #tpu.memory_space<semaphore_mem>>
        tpu.enqueue_indirect_dma source(%dma_start3A_264 : memref<16x128xf32, #tpu.memory_space<vmem>>) target(%dma_start3A_270 : memref<5136x128xf32, #tpu.memory_space<vmem_shared>>) offsets(%dma_start3A_267 : memref<16xi32, #tpu.memory_space<vmem>>) semaphore(%dma_start3A_272 : memref<!tpu.dma_semaphore, #tpu.memory_space<semaphore_mem>>) {add = true}
        %while3A_273 = arith.constant 0 : i32
        scf.yield %while3A_273 : i32
      }
      %while3A_166 = arith.constant 1 : i32
      %while3A_167 = scf.for %while3A_227 = %while3A_163 to %while3A_159 step %while3A_166 iter_args(%while3A_228 = %while3A_165) -> (i32)  : i32 {
        %and3A_229 = arith.constant 7 : i32
        %and3A_230 = arith.andi %while3A_227, %and3A_229 : i32
        %add3A_231 = arith.constant 7 : i32
        %add3A_232 = arith.addi %while3A_227, %add3A_231 : i32
        %lt3A = arith.cmpi slt, %add3A_232, %shift_right_arithmetic3A_124 : i32
        %convert_element_type3A_233 = arith.extui %lt3A : i1 to i32
        %cond3A_234 = arith.constant 0 : i32
        %cond3A_235 = arith.cmpi ne, %convert_element_type3A_233, %cond3A_234 : i32
        scf.if %cond3A_235 {
          %ge3A = arith.constant 8 : i32
          %ge3A_274 = arith.cmpi sge, %add3A_232, %ge3A : i32
          %convert_element_type3A_275 = arith.extui %ge3A_274 : i1 to i32
          %cond3A_276 = arith.constant 0 : i32
          %cond3A_277 = arith.cmpi ne, %convert_element_type3A_275, %cond3A_276 : i32
          scf.if %cond3A_277 {
            %and3A_326 = arith.constant 7 : i32
            %and3A_327 = arith.andi %add3A_232, %and3A_326 : i32
            %dma_wait3A_328 = arith.constant 0 : i32
            %dma_wait3A_329 = arith.constant 0 : i32
            %dma_wait3A_330 = tpu.memref_slice %arg12[%and3A_327, %dma_wait3A_328, %dma_wait3A_329] : memref<8x16x128xf32, #tpu.memory_space<vmem>> -> memref<1x16x128xf32, #tpu.memory_space<vmem>>
            %dma_wait3A_331 = tpu.memref_squeeze %dma_wait3A_330 : memref<1x16x128xf32, #tpu.memory_space<vmem>> -> memref<16x128xf32, #tpu.memory_space<vmem>>
            %dma_wait3A_332 = arith.constant 0 : i32
            %dma_wait3A_333 = tpu.memref_slice %arg11[%and3A_327, %dma_wait3A_332] : memref<8x16xi32, #tpu.memory_space<vmem>> -> memref<1x16xi32, #tpu.memory_space<vmem>>
            %dma_wait3A_334 = tpu.memref_squeeze %dma_wait3A_333 : memref<1x16xi32, #tpu.memory_space<vmem>> -> memref<16xi32, #tpu.memory_space<vmem>>
            %dma_wait3A_335 = arith.constant 0 : i32
            %dma_wait3A_336 = arith.constant 0 : i32
            %dma_wait3A_337 = tpu.memref_slice %arg16[%dma_wait3A_335, %dma_wait3A_336] : memref<5136x128xf32, #tpu.memory_space<vmem_shared>> -> memref<5136x128xf32, #tpu.memory_space<vmem_shared>>
            %dma_wait3A_338 = tpu.memref_slice %arg19[%and3A_327] : memref<8x!tpu.dma_semaphore, #tpu.memory_space<semaphore_mem>> -> memref<1x!tpu.dma_semaphore, #tpu.memory_space<semaphore_mem>>
            %dma_wait3A_339 = tpu.memref_squeeze %dma_wait3A_338 : memref<1x!tpu.dma_semaphore, #tpu.memory_space<semaphore_mem>> -> memref<!tpu.dma_semaphore, #tpu.memory_space<semaphore_mem>>
            tpu.wait_indirect_dma semaphore(%dma_wait3A_339 : memref<!tpu.dma_semaphore, #tpu.memory_space<semaphore_mem>>) src(%dma_wait3A_331 : memref<16x128xf32, #tpu.memory_space<vmem>>) dst(%dma_wait3A_337 : memref<5136x128xf32, #tpu.memory_space<vmem_shared>>)
          } else {
          }
          %and3A_278 = arith.constant 7 : i32
          %and3A_279 = arith.andi %add3A_232, %and3A_278 : i32
          %mul3A_280 = arith.constant 16 : i32
          %mul3A_281 = arith.muli %add3A_232, %mul3A_280 : i32
          %add3A_282 = arith.constant 0 : i32
          %add3A_283 = arith.addi %mul3A_281, %add3A_282 : i32
          %get3A = arith.index_cast %add3A_283 : i32 to index
          %get3A_284 = tpu.vector_load %arg8[%get3A] {strides = array<i32>} : memref<10032xi32, #tpu.memory_space<vmem>>, vector<16xi32>,
          %shift_right_arithmetic3A_285 = arith.constant 16 : i32
          %shift_right_arithmetic3A_286 = vector.broadcast %shift_right_arithmetic3A_285 : i32 to vector<16xi32>
          %shift_right_arithmetic3A_287 = arith.shrsi %get3A_284, %shift_right_arithmetic3A_286 : vector<16xi32>
          %and3A_288 = arith.andi %get3A_284, %broadcast_in_dim3A_15 : vector<16xi32>
          %swap3A = arith.index_cast %and3A_279 : i32 to index
          %swap3A_289 = arith.constant 0 : index
          %swap3A_290 = tpu.vector_load %arg9[%swap3A, %swap3A_289] {strides = array<i32>} : memref<8x16xi32, #tpu.memory_space<vmem>>, vector<16xi32>,
          tpu.vector_store %arg9[%swap3A, %swap3A_289], %and3A_288 {strides = array<i32>} : memref<8x16xi32, #tpu.memory_space<vmem>>, vector<16xi32>,
          %swap3A_291 = arith.index_cast %and3A_279 : i32 to index
          %swap3A_292 = arith.constant 0 : index
          %swap3A_293 = tpu.vector_load %arg11[%swap3A_291, %swap3A_292] {strides = array<i32>} : memref<8x16xi32, #tpu.memory_space<vmem>>, vector<16xi32>,
          tpu.vector_store %arg11[%swap3A_291, %swap3A_292], %shift_right_arithmetic3A_287 {strides = array<i32>} : memref<8x16xi32, #tpu.memory_space<vmem>>, vector<16xi32>,
          %add3A_294 = arith.addi %shift_right_arithmetic3A_287, %broadcast_in_dim3A_112 : vector<16xi32>
          %mul3A_295 = arith.constant 4 : i32
          %mul3A_296 = vector.broadcast %mul3A_295 : i32 to vector<16xi32>
          %mul3A_297 = arith.muli %add3A_294, %mul3A_296 : vector<16xi32>
          %add3A_298 = arith.addi %mul3A_297, %broadcast_in_dim3A_111 : vector<16xi32>
          %swap3A_299 = arith.index_cast %and3A_279 : i32 to index
          %swap3A_300 = arith.constant 0 : index
          %swap3A_301 = tpu.vector_load %arg10[%swap3A_299, %swap3A_300] {strides = array<i32>} : memref<8x16xi32, #tpu.memory_space<vmem>>, vector<16xi32>,
          tpu.vector_store %arg10[%swap3A_299, %swap3A_300], %add3A_298 {strides = array<i32>} : memref<8x16xi32, #tpu.memory_space<vmem>>, vector<16xi32>,
          %dma_start3A_302 = arith.constant 0 : i32
          %dma_start3A_303 = arith.constant 0 : i32
          %dma_start3A_304 = tpu.memref_slice %arg12[%and3A_279, %dma_start3A_302, %dma_start3A_303] : memref<8x16x128xf32, #tpu.memory_space<vmem>> -> memref<1x16x128xf32, #tpu.memory_space<vmem>>
          %dma_start3A_305 = tpu.memref_squeeze %dma_start3A_304 : memref<1x16x128xf32, #tpu.memory_space<vmem>> -> memref<16x128xf32, #tpu.memory_space<vmem>>
          %dma_start3A_306 = arith.constant 0 : i32
          %dma_start3A_307 = tpu.memref_slice %arg9[%and3A_279, %dma_start3A_306] : memref<8x16xi32, #tpu.memory_space<vmem>> -> memref<1x16xi32, #tpu.memory_space<vmem>>
          %dma_start3A_308 = tpu.memref_squeeze %dma_start3A_307 : memref<1x16xi32, #tpu.memory_space<vmem>> -> memref<16xi32, #tpu.memory_space<vmem>>
          %dma_start3A_309 = arith.constant 0 : i32
          %dma_start3A_310 = arith.constant 0 : i32
          %dma_start3A_311 = tpu.memref_slice %arg2[%dma_start3A_309, %dma_start3A_310] : memref<40000x128xf32, #tpu.memory_space<hbm>> -> memref<40000x128xf32, #tpu.memory_space<hbm>>
          %dma_start3A_312 = tpu.memref_slice %arg17[%and3A_279] : memref<8x!tpu.dma_semaphore, #tpu.memory_space<semaphore_mem>> -> memref<1x!tpu.dma_semaphore, #tpu.memory_space<semaphore_mem>>
          %dma_start3A_313 = tpu.memref_squeeze %dma_start3A_312 : memref<1x!tpu.dma_semaphore, #tpu.memory_space<semaphore_mem>> -> memref<!tpu.dma_semaphore, #tpu.memory_space<semaphore_mem>>
          tpu.enqueue_indirect_dma source(%dma_start3A_311 : memref<40000x128xf32, #tpu.memory_space<hbm>>) target(%dma_start3A_305 : memref<16x128xf32, #tpu.memory_space<vmem>>) offsets(%dma_start3A_308 : memref<16xi32, #tpu.memory_space<vmem>>) semaphore(%dma_start3A_313 : memref<!tpu.dma_semaphore, #tpu.memory_space<semaphore_mem>>)
          %dma_start3A_314 = arith.constant 0 : i32
          %dma_start3A_315 = arith.constant 0 : i32
          %dma_start3A_316 = tpu.memref_slice %arg13[%and3A_279, %dma_start3A_314, %dma_start3A_315] : memref<8x16x128xf32, #tpu.memory_space<vmem>> -> memref<1x16x128xf32, #tpu.memory_space<vmem>>
          %dma_start3A_317 = tpu.memref_squeeze %dma_start3A_316 : memref<1x16x128xf32, #tpu.memory_space<vmem>> -> memref<16x128xf32, #tpu.memory_space<vmem>>
          %dma_start3A_318 = arith.constant 0 : i32
          %dma_start3A_319 = tpu.memref_slice %arg10[%and3A_279, %dma_start3A_318] : memref<8x16xi32, #tpu.memory_space<vmem>> -> memref<1x16xi32, #tpu.memory_space<vmem>>
          %dma_start3A_320 = tpu.memref_squeeze %dma_start3A_319 : memref<1x16xi32, #tpu.memory_space<vmem>> -> memref<16xi32, #tpu.memory_space<vmem>>
          %dma_start3A_321 = arith.constant 0 : i32
          %dma_start3A_322 = arith.constant 0 : i32
          %dma_start3A_323 = tpu.memref_slice %arg3[%dma_start3A_321, %dma_start3A_322] : memref<40000x128xf32, #tpu.memory_space<hbm>> -> memref<40000x128xf32, #tpu.memory_space<hbm>>
          %dma_start3A_324 = tpu.memref_slice %arg18[%and3A_279] : memref<8x!tpu.dma_semaphore, #tpu.memory_space<semaphore_mem>> -> memref<1x!tpu.dma_semaphore, #tpu.memory_space<semaphore_mem>>
          %dma_start3A_325 = tpu.memref_squeeze %dma_start3A_324 : memref<1x!tpu.dma_semaphore, #tpu.memory_space<semaphore_mem>> -> memref<!tpu.dma_semaphore, #tpu.memory_space<semaphore_mem>>
          tpu.enqueue_indirect_dma source(%dma_start3A_323 : memref<40000x128xf32, #tpu.memory_space<hbm>>) target(%dma_start3A_317 : memref<16x128xf32, #tpu.memory_space<vmem>>) offsets(%dma_start3A_320 : memref<16xi32, #tpu.memory_space<vmem>>) semaphore(%dma_start3A_325 : memref<!tpu.dma_semaphore, #tpu.memory_space<semaphore_mem>>)
        } else {
        }
        %dma_wait3A = arith.constant 0 : i32
        %dma_wait3A_236 = arith.constant 0 : i32
        %dma_wait3A_237 = tpu.memref_slice %arg12[%and3A_230, %dma_wait3A, %dma_wait3A_236] : memref<8x16x128xf32, #tpu.memory_space<vmem>> -> memref<1x16x128xf32, #tpu.memory_space<vmem>>
        %dma_wait3A_238 = tpu.memref_squeeze %dma_wait3A_237 : memref<1x16x128xf32, #tpu.memory_space<vmem>> -> memref<16x128xf32, #tpu.memory_space<vmem>>
        %dma_wait3A_239 = arith.constant 0 : i32
        %dma_wait3A_240 = tpu.memref_slice %arg9[%and3A_230, %dma_wait3A_239] : memref<8x16xi32, #tpu.memory_space<vmem>> -> memref<1x16xi32, #tpu.memory_space<vmem>>
        %dma_wait3A_241 = tpu.memref_squeeze %dma_wait3A_240 : memref<1x16xi32, #tpu.memory_space<vmem>> -> memref<16xi32, #tpu.memory_space<vmem>>
        %dma_wait3A_242 = arith.constant 0 : i32
        %dma_wait3A_243 = arith.constant 0 : i32
        %dma_wait3A_244 = tpu.memref_slice %arg2[%dma_wait3A_242, %dma_wait3A_243] : memref<40000x128xf32, #tpu.memory_space<hbm>> -> memref<40000x128xf32, #tpu.memory_space<hbm>>
        %dma_wait3A_245 = tpu.memref_slice %arg17[%and3A_230] : memref<8x!tpu.dma_semaphore, #tpu.memory_space<semaphore_mem>> -> memref<1x!tpu.dma_semaphore, #tpu.memory_space<semaphore_mem>>
        %dma_wait3A_246 = tpu.memref_squeeze %dma_wait3A_245 : memref<1x!tpu.dma_semaphore, #tpu.memory_space<semaphore_mem>> -> memref<!tpu.dma_semaphore, #tpu.memory_space<semaphore_mem>>
        tpu.wait_indirect_dma semaphore(%dma_wait3A_246 : memref<!tpu.dma_semaphore, #tpu.memory_space<semaphore_mem>>) src(%dma_wait3A_244 : memref<40000x128xf32, #tpu.memory_space<hbm>>) dst(%dma_wait3A_238 : memref<16x128xf32, #tpu.memory_space<vmem>>)
        %dma_wait3A_247 = arith.constant 0 : i32
        %dma_wait3A_248 = arith.constant 0 : i32
        %dma_wait3A_249 = tpu.memref_slice %arg13[%and3A_230, %dma_wait3A_247, %dma_wait3A_248] : memref<8x16x128xf32, #tpu.memory_space<vmem>> -> memref<1x16x128xf32, #tpu.memory_space<vmem>>
        %dma_wait3A_250 = tpu.memref_squeeze %dma_wait3A_249 : memref<1x16x128xf32, #tpu.memory_space<vmem>> -> memref<16x128xf32, #tpu.memory_space<vmem>>
        %dma_wait3A_251 = arith.constant 0 : i32
        %dma_wait3A_252 = tpu.memref_slice %arg10[%and3A_230, %dma_wait3A_251] : memref<8x16xi32, #tpu.memory_space<vmem>> -> memref<1x16xi32, #tpu.memory_space<vmem>>
        %dma_wait3A_253 = tpu.memref_squeeze %dma_wait3A_252 : memref<1x16xi32, #tpu.memory_space<vmem>> -> memref<16xi32, #tpu.memory_space<vmem>>
        %dma_wait3A_254 = arith.constant 0 : i32
        %dma_wait3A_255 = arith.constant 0 : i32
        %dma_wait3A_256 = tpu.memref_slice %arg3[%dma_wait3A_254, %dma_wait3A_255] : memref<40000x128xf32, #tpu.memory_space<hbm>> -> memref<40000x128xf32, #tpu.memory_space<hbm>>
        %dma_wait3A_257 = tpu.memref_slice %arg18[%and3A_230] : memref<8x!tpu.dma_semaphore, #tpu.memory_space<semaphore_mem>> -> memref<1x!tpu.dma_semaphore, #tpu.memory_space<semaphore_mem>>
        %dma_wait3A_258 = tpu.memref_squeeze %dma_wait3A_257 : memref<1x!tpu.dma_semaphore, #tpu.memory_space<semaphore_mem>> -> memref<!tpu.dma_semaphore, #tpu.memory_space<semaphore_mem>>
        tpu.wait_indirect_dma semaphore(%dma_wait3A_258 : memref<!tpu.dma_semaphore, #tpu.memory_space<semaphore_mem>>) src(%dma_wait3A_256 : memref<40000x128xf32, #tpu.memory_space<hbm>>) dst(%dma_wait3A_250 : memref<16x128xf32, #tpu.memory_space<vmem>>)
        %parallel_loop3A_259 = arith.constant 0 : i32
        %parallel_loop3A_260 = arith.constant 16 : i32
        %parallel_loop3A_261 = arith.constant 1 : i32
        scf.for %parallel_loop3A_274 = %parallel_loop3A_259 to %parallel_loop3A_260 step %parallel_loop3A_261  : i32 {
          %parallel_loop3A_275 = arith.index_cast %and3A_230 : i32 to index
          %parallel_loop3A_276 = arith.index_cast %parallel_loop3A_274 : i32 to index
          %parallel_loop3A_277 = arith.constant 0 : index
          %parallel_loop3A_278 = tpu.vector_load %arg12[%parallel_loop3A_275, %parallel_loop3A_276, %parallel_loop3A_277] {strides = array<i32>} : memref<8x16x128xf32, #tpu.memory_space<vmem>>, vector<16xf32>,
          %parallel_loop3A_279 = arith.index_cast %and3A_230 : i32 to index
          %parallel_loop3A_280 = arith.index_cast %parallel_loop3A_274 : i32 to index
          %parallel_loop3A_281 = arith.constant 0 : index
          %parallel_loop3A_282 = tpu.vector_load %arg13[%parallel_loop3A_279, %parallel_loop3A_280, %parallel_loop3A_281] {strides = array<i32>} : memref<8x16x128xf32, #tpu.memory_space<vmem>>, vector<16xf32>,
          %parallel_loop3A_283 = arith.addf %parallel_loop3A_278, %parallel_loop3A_282 : vector<16xf32>
          %parallel_loop3A_284 = arith.constant 0.000000e+00 : f32
          %parallel_loop3A_285 = vector.broadcast %parallel_loop3A_284 : f32 to vector<16xf32>
          %parallel_loop3A_286 = arith.maximumf %parallel_loop3A_283, %parallel_loop3A_285 : vector<16xf32>
          %parallel_loop3A_287 = arith.index_cast %and3A_230 : i32 to index
          %parallel_loop3A_288 = arith.index_cast %parallel_loop3A_274 : i32 to index
          %parallel_loop3A_289 = arith.constant 0 : index
          %parallel_loop3A_290 = tpu.vector_load %arg12[%parallel_loop3A_287, %parallel_loop3A_288, %parallel_loop3A_289] {strides = array<i32>} : memref<8x16x128xf32, #tpu.memory_space<vmem>>, vector<16xf32>,
          tpu.vector_store %arg12[%parallel_loop3A_287, %parallel_loop3A_288, %parallel_loop3A_289], %parallel_loop3A_286 {strides = array<i32>} : memref<8x16x128xf32, #tpu.memory_space<vmem>>, vector<16xf32>,
          %parallel_loop3A_291 = arith.index_cast %and3A_230 : i32 to index
          %parallel_loop3A_292 = arith.index_cast %parallel_loop3A_274 : i32 to index
          %parallel_loop3A_293 = arith.constant 16 : index
          %parallel_loop3A_294 = tpu.vector_load %arg12[%parallel_loop3A_291, %parallel_loop3A_292, %parallel_loop3A_293] {strides = array<i32>} : memref<8x16x128xf32, #tpu.memory_space<vmem>>, vector<16xf32>,
          %parallel_loop3A_295 = arith.index_cast %and3A_230 : i32 to index
          %parallel_loop3A_296 = arith.index_cast %parallel_loop3A_274 : i32 to index
          %parallel_loop3A_297 = arith.constant 16 : index
          %parallel_loop3A_298 = tpu.vector_load %arg13[%parallel_loop3A_295, %parallel_loop3A_296, %parallel_loop3A_297] {strides = array<i32>} : memref<8x16x128xf32, #tpu.memory_space<vmem>>, vector<16xf32>,
          %parallel_loop3A_299 = arith.addf %parallel_loop3A_294, %parallel_loop3A_298 : vector<16xf32>
          %parallel_loop3A_300 = arith.constant 0.000000e+00 : f32
          %parallel_loop3A_301 = vector.broadcast %parallel_loop3A_300 : f32 to vector<16xf32>
          %parallel_loop3A_302 = arith.maximumf %parallel_loop3A_299, %parallel_loop3A_301 : vector<16xf32>
          %parallel_loop3A_303 = arith.index_cast %and3A_230 : i32 to index
          %parallel_loop3A_304 = arith.index_cast %parallel_loop3A_274 : i32 to index
          %parallel_loop3A_305 = arith.constant 16 : index
          %parallel_loop3A_306 = tpu.vector_load %arg12[%parallel_loop3A_303, %parallel_loop3A_304, %parallel_loop3A_305] {strides = array<i32>} : memref<8x16x128xf32, #tpu.memory_space<vmem>>, vector<16xf32>,
          tpu.vector_store %arg12[%parallel_loop3A_303, %parallel_loop3A_304, %parallel_loop3A_305], %parallel_loop3A_302 {strides = array<i32>} : memref<8x16x128xf32, #tpu.memory_space<vmem>>, vector<16xf32>,
          %parallel_loop3A_307 = arith.index_cast %and3A_230 : i32 to index
          %parallel_loop3A_308 = arith.index_cast %parallel_loop3A_274 : i32 to index
          %parallel_loop3A_309 = arith.constant 32 : index
          %parallel_loop3A_310 = tpu.vector_load %arg12[%parallel_loop3A_307, %parallel_loop3A_308, %parallel_loop3A_309] {strides = array<i32>} : memref<8x16x128xf32, #tpu.memory_space<vmem>>, vector<16xf32>,
          %parallel_loop3A_311 = arith.index_cast %and3A_230 : i32 to index
          %parallel_loop3A_312 = arith.index_cast %parallel_loop3A_274 : i32 to index
          %parallel_loop3A_313 = arith.constant 32 : index
          %parallel_loop3A_314 = tpu.vector_load %arg13[%parallel_loop3A_311, %parallel_loop3A_312, %parallel_loop3A_313] {strides = array<i32>} : memref<8x16x128xf32, #tpu.memory_space<vmem>>, vector<16xf32>,
          %parallel_loop3A_315 = arith.addf %parallel_loop3A_310, %parallel_loop3A_314 : vector<16xf32>
          %parallel_loop3A_316 = arith.constant 0.000000e+00 : f32
          %parallel_loop3A_317 = vector.broadcast %parallel_loop3A_316 : f32 to vector<16xf32>
          %parallel_loop3A_318 = arith.maximumf %parallel_loop3A_315, %parallel_loop3A_317 : vector<16xf32>
          %parallel_loop3A_319 = arith.index_cast %and3A_230 : i32 to index
          %parallel_loop3A_320 = arith.index_cast %parallel_loop3A_274 : i32 to index
          %parallel_loop3A_321 = arith.constant 32 : index
          %parallel_loop3A_322 = tpu.vector_load %arg12[%parallel_loop3A_319, %parallel_loop3A_320, %parallel_loop3A_321] {strides = array<i32>} : memref<8x16x128xf32, #tpu.memory_space<vmem>>, vector<16xf32>,
          tpu.vector_store %arg12[%parallel_loop3A_319, %parallel_loop3A_320, %parallel_loop3A_321], %parallel_loop3A_318 {strides = array<i32>} : memref<8x16x128xf32, #tpu.memory_space<vmem>>, vector<16xf32>,
          %parallel_loop3A_323 = arith.index_cast %and3A_230 : i32 to index
          %parallel_loop3A_324 = arith.index_cast %parallel_loop3A_274 : i32 to index
          %parallel_loop3A_325 = arith.constant 48 : index
          %parallel_loop3A_326 = tpu.vector_load %arg12[%parallel_loop3A_323, %parallel_loop3A_324, %parallel_loop3A_325] {strides = array<i32>} : memref<8x16x128xf32, #tpu.memory_space<vmem>>, vector<16xf32>,
          %parallel_loop3A_327 = arith.index_cast %and3A_230 : i32 to index
          %parallel_loop3A_328 = arith.index_cast %parallel_loop3A_274 : i32 to index
          %parallel_loop3A_329 = arith.constant 48 : index
          %parallel_loop3A_330 = tpu.vector_load %arg13[%parallel_loop3A_327, %parallel_loop3A_328, %parallel_loop3A_329] {strides = array<i32>} : memref<8x16x128xf32, #tpu.memory_space<vmem>>, vector<16xf32>,
          %parallel_loop3A_331 = arith.addf %parallel_loop3A_326, %parallel_loop3A_330 : vector<16xf32>
          %parallel_loop3A_332 = arith.constant 0.000000e+00 : f32
          %parallel_loop3A_333 = vector.broadcast %parallel_loop3A_332 : f32 to vector<16xf32>
          %parallel_loop3A_334 = arith.maximumf %parallel_loop3A_331, %parallel_loop3A_333 : vector<16xf32>
          %parallel_loop3A_335 = arith.index_cast %and3A_230 : i32 to index
          %parallel_loop3A_336 = arith.index_cast %parallel_loop3A_274 : i32 to index
          %parallel_loop3A_337 = arith.constant 48 : index
          %parallel_loop3A_338 = tpu.vector_load %arg12[%parallel_loop3A_335, %parallel_loop3A_336, %parallel_loop3A_337] {strides = array<i32>} : memref<8x16x128xf32, #tpu.memory_space<vmem>>, vector<16xf32>,
          tpu.vector_store %arg12[%parallel_loop3A_335, %parallel_loop3A_336, %parallel_loop3A_337], %parallel_loop3A_334 {strides = array<i32>} : memref<8x16x128xf32, #tpu.memory_space<vmem>>, vector<16xf32>,
          %parallel_loop3A_339 = arith.index_cast %and3A_230 : i32 to index
          %parallel_loop3A_340 = arith.index_cast %parallel_loop3A_274 : i32 to index
          %parallel_loop3A_341 = arith.constant 64 : index
          %parallel_loop3A_342 = tpu.vector_load %arg12[%parallel_loop3A_339, %parallel_loop3A_340, %parallel_loop3A_341] {strides = array<i32>} : memref<8x16x128xf32, #tpu.memory_space<vmem>>, vector<16xf32>,
          %parallel_loop3A_343 = arith.index_cast %and3A_230 : i32 to index
          %parallel_loop3A_344 = arith.index_cast %parallel_loop3A_274 : i32 to index
          %parallel_loop3A_345 = arith.constant 64 : index
          %parallel_loop3A_346 = tpu.vector_load %arg13[%parallel_loop3A_343, %parallel_loop3A_344, %parallel_loop3A_345] {strides = array<i32>} : memref<8x16x128xf32, #tpu.memory_space<vmem>>, vector<16xf32>,
          %parallel_loop3A_347 = arith.addf %parallel_loop3A_342, %parallel_loop3A_346 : vector<16xf32>
          %parallel_loop3A_348 = arith.constant 0.000000e+00 : f32
          %parallel_loop3A_349 = vector.broadcast %parallel_loop3A_348 : f32 to vector<16xf32>
          %parallel_loop3A_350 = arith.maximumf %parallel_loop3A_347, %parallel_loop3A_349 : vector<16xf32>
          %parallel_loop3A_351 = arith.index_cast %and3A_230 : i32 to index
          %parallel_loop3A_352 = arith.index_cast %parallel_loop3A_274 : i32 to index
          %parallel_loop3A_353 = arith.constant 64 : index
          %parallel_loop3A_354 = tpu.vector_load %arg12[%parallel_loop3A_351, %parallel_loop3A_352, %parallel_loop3A_353] {strides = array<i32>} : memref<8x16x128xf32, #tpu.memory_space<vmem>>, vector<16xf32>,
          tpu.vector_store %arg12[%parallel_loop3A_351, %parallel_loop3A_352, %parallel_loop3A_353], %parallel_loop3A_350 {strides = array<i32>} : memref<8x16x128xf32, #tpu.memory_space<vmem>>, vector<16xf32>,
          %parallel_loop3A_355 = arith.index_cast %and3A_230 : i32 to index
          %parallel_loop3A_356 = arith.index_cast %parallel_loop3A_274 : i32 to index
          %parallel_loop3A_357 = arith.constant 80 : index
          %parallel_loop3A_358 = tpu.vector_load %arg12[%parallel_loop3A_355, %parallel_loop3A_356, %parallel_loop3A_357] {strides = array<i32>} : memref<8x16x128xf32, #tpu.memory_space<vmem>>, vector<16xf32>,
          %parallel_loop3A_359 = arith.index_cast %and3A_230 : i32 to index
          %parallel_loop3A_360 = arith.index_cast %parallel_loop3A_274 : i32 to index
          %parallel_loop3A_361 = arith.constant 80 : index
          %parallel_loop3A_362 = tpu.vector_load %arg13[%parallel_loop3A_359, %parallel_loop3A_360, %parallel_loop3A_361] {strides = array<i32>} : memref<8x16x128xf32, #tpu.memory_space<vmem>>, vector<16xf32>,
          %parallel_loop3A_363 = arith.addf %parallel_loop3A_358, %parallel_loop3A_362 : vector<16xf32>
          %parallel_loop3A_364 = arith.constant 0.000000e+00 : f32
          %parallel_loop3A_365 = vector.broadcast %parallel_loop3A_364 : f32 to vector<16xf32>
          %parallel_loop3A_366 = arith.maximumf %parallel_loop3A_363, %parallel_loop3A_365 : vector<16xf32>
          %parallel_loop3A_367 = arith.index_cast %and3A_230 : i32 to index
          %parallel_loop3A_368 = arith.index_cast %parallel_loop3A_274 : i32 to index
          %parallel_loop3A_369 = arith.constant 80 : index
          %parallel_loop3A_370 = tpu.vector_load %arg12[%parallel_loop3A_367, %parallel_loop3A_368, %parallel_loop3A_369] {strides = array<i32>} : memref<8x16x128xf32, #tpu.memory_space<vmem>>, vector<16xf32>,
          tpu.vector_store %arg12[%parallel_loop3A_367, %parallel_loop3A_368, %parallel_loop3A_369], %parallel_loop3A_366 {strides = array<i32>} : memref<8x16x128xf32, #tpu.memory_space<vmem>>, vector<16xf32>,
          %parallel_loop3A_371 = arith.index_cast %and3A_230 : i32 to index
          %parallel_loop3A_372 = arith.index_cast %parallel_loop3A_274 : i32 to index
          %parallel_loop3A_373 = arith.constant 96 : index
          %parallel_loop3A_374 = tpu.vector_load %arg12[%parallel_loop3A_371, %parallel_loop3A_372, %parallel_loop3A_373] {strides = array<i32>} : memref<8x16x128xf32, #tpu.memory_space<vmem>>, vector<16xf32>,
          %parallel_loop3A_375 = arith.index_cast %and3A_230 : i32 to index
          %parallel_loop3A_376 = arith.index_cast %parallel_loop3A_274 : i32 to index
          %parallel_loop3A_377 = arith.constant 96 : index
          %parallel_loop3A_378 = tpu.vector_load %arg13[%parallel_loop3A_375, %parallel_loop3A_376, %parallel_loop3A_377] {strides = array<i32>} : memref<8x16x128xf32, #tpu.memory_space<vmem>>, vector<16xf32>,
          %parallel_loop3A_379 = arith.addf %parallel_loop3A_374, %parallel_loop3A_378 : vector<16xf32>
          %parallel_loop3A_380 = arith.constant 0.000000e+00 : f32
          %parallel_loop3A_381 = vector.broadcast %parallel_loop3A_380 : f32 to vector<16xf32>
          %parallel_loop3A_382 = arith.maximumf %parallel_loop3A_379, %parallel_loop3A_381 : vector<16xf32>
          %parallel_loop3A_383 = arith.index_cast %and3A_230 : i32 to index
          %parallel_loop3A_384 = arith.index_cast %parallel_loop3A_274 : i32 to index
          %parallel_loop3A_385 = arith.constant 96 : index
          %parallel_loop3A_386 = tpu.vector_load %arg12[%parallel_loop3A_383, %parallel_loop3A_384, %parallel_loop3A_385] {strides = array<i32>} : memref<8x16x128xf32, #tpu.memory_space<vmem>>, vector<16xf32>,
          tpu.vector_store %arg12[%parallel_loop3A_383, %parallel_loop3A_384, %parallel_loop3A_385], %parallel_loop3A_382 {strides = array<i32>} : memref<8x16x128xf32, #tpu.memory_space<vmem>>, vector<16xf32>,
          %parallel_loop3A_387 = arith.index_cast %and3A_230 : i32 to index
          %parallel_loop3A_388 = arith.index_cast %parallel_loop3A_274 : i32 to index
          %parallel_loop3A_389 = arith.constant 112 : index
          %parallel_loop3A_390 = tpu.vector_load %arg12[%parallel_loop3A_387, %parallel_loop3A_388, %parallel_loop3A_389] {strides = array<i32>} : memref<8x16x128xf32, #tpu.memory_space<vmem>>, vector<16xf32>,
          %parallel_loop3A_391 = arith.index_cast %and3A_230 : i32 to index
          %parallel_loop3A_392 = arith.index_cast %parallel_loop3A_274 : i32 to index
          %parallel_loop3A_393 = arith.constant 112 : index
          %parallel_loop3A_394 = tpu.vector_load %arg13[%parallel_loop3A_391, %parallel_loop3A_392, %parallel_loop3A_393] {strides = array<i32>} : memref<8x16x128xf32, #tpu.memory_space<vmem>>, vector<16xf32>,
          %parallel_loop3A_395 = arith.addf %parallel_loop3A_390, %parallel_loop3A_394 : vector<16xf32>
          %parallel_loop3A_396 = arith.constant 0.000000e+00 : f32
          %parallel_loop3A_397 = vector.broadcast %parallel_loop3A_396 : f32 to vector<16xf32>
          %parallel_loop3A_398 = arith.maximumf %parallel_loop3A_395, %parallel_loop3A_397 : vector<16xf32>
          %parallel_loop3A_399 = arith.index_cast %and3A_230 : i32 to index
          %parallel_loop3A_400 = arith.index_cast %parallel_loop3A_274 : i32 to index
          %parallel_loop3A_401 = arith.constant 112 : index
          %parallel_loop3A_402 = tpu.vector_load %arg12[%parallel_loop3A_399, %parallel_loop3A_400, %parallel_loop3A_401] {strides = array<i32>} : memref<8x16x128xf32, #tpu.memory_space<vmem>>, vector<16xf32>,
          tpu.vector_store %arg12[%parallel_loop3A_399, %parallel_loop3A_400, %parallel_loop3A_401], %parallel_loop3A_398 {strides = array<i32>} : memref<8x16x128xf32, #tpu.memory_space<vmem>>, vector<16xf32>,
        } {sc.loop_unroll_factor = 4 : i64, sc.parallel_access}
        %dma_start3A = arith.constant 0 : i32
        %dma_start3A_262 = arith.constant 0 : i32
        %dma_start3A_263 = tpu.memref_slice %arg12[%and3A_230, %dma_start3A, %dma_start3A_262] : memref<8x16x128xf32, #tpu.memory_space<vmem>> -> memref<1x16x128xf32, #tpu.memory_space<vmem>>
        %dma_start3A_264 = tpu.memref_squeeze %dma_start3A_263 : memref<1x16x128xf32, #tpu.memory_space<vmem>> -> memref<16x128xf32, #tpu.memory_space<vmem>>
        %dma_start3A_265 = arith.constant 0 : i32
        %dma_start3A_266 = tpu.memref_slice %arg11[%and3A_230, %dma_start3A_265] : memref<8x16xi32, #tpu.memory_space<vmem>> -> memref<1x16xi32, #tpu.memory_space<vmem>>
        %dma_start3A_267 = tpu.memref_squeeze %dma_start3A_266 : memref<1x16xi32, #tpu.memory_space<vmem>> -> memref<16xi32, #tpu.memory_space<vmem>>
        %dma_start3A_268 = arith.constant 0 : i32
        %dma_start3A_269 = arith.constant 0 : i32
        %dma_start3A_270 = tpu.memref_slice %arg16[%dma_start3A_268, %dma_start3A_269] : memref<5136x128xf32, #tpu.memory_space<vmem_shared>> -> memref<5136x128xf32, #tpu.memory_space<vmem_shared>>
        %dma_start3A_271 = tpu.memref_slice %arg19[%and3A_230] : memref<8x!tpu.dma_semaphore, #tpu.memory_space<semaphore_mem>> -> memref<1x!tpu.dma_semaphore, #tpu.memory_space<semaphore_mem>>
        %dma_start3A_272 = tpu.memref_squeeze %dma_start3A_271 : memref<1x!tpu.dma_semaphore, #tpu.memory_space<semaphore_mem>> -> memref<!tpu.dma_semaphore, #tpu.memory_space<semaphore_mem>>
        tpu.enqueue_indirect_dma source(%dma_start3A_264 : memref<16x128xf32, #tpu.memory_space<vmem>>) target(%dma_start3A_270 : memref<5136x128xf32, #tpu.memory_space<vmem_shared>>) offsets(%dma_start3A_267 : memref<16xi32, #tpu.memory_space<vmem>>) semaphore(%dma_start3A_272 : memref<!tpu.dma_semaphore, #tpu.memory_space<semaphore_mem>>) {add = true}
        %while3A_273 = arith.constant 0 : i32
        scf.yield %while3A_273 : i32
      }
      %gt3A_168 = arith.constant 0 : i32
      %gt3A_169 = arith.cmpi sgt, %shift_right_arithmetic3A_124, %gt3A_168 : i32
      %convert_element_type3A_170 = arith.extui %gt3A_169 : i1 to i32
      %cond3A_171 = arith.constant 0 : i32
      %cond3A_172 = arith.cmpi ne, %convert_element_type3A_170, %cond3A_171 : i32
      scf.if %cond3A_172 {
        %sub3A = arith.constant 1 : i32
        %sub3A_227 = arith.subi %shift_right_arithmetic3A_124, %sub3A : i32
        %sub3A_228 = arith.constant 0 : i32
        %sub3A_229 = arith.subi %sub3A_227, %sub3A_228 : i32
        %and3A_230 = arith.constant 7 : i32
        %and3A_231 = arith.andi %sub3A_229, %and3A_230 : i32
        %dma_wait3A = arith.constant 0 : i32
        %dma_wait3A_232 = arith.constant 0 : i32
        %dma_wait3A_233 = tpu.memref_slice %arg12[%and3A_231, %dma_wait3A, %dma_wait3A_232] : memref<8x16x128xf32, #tpu.memory_space<vmem>> -> memref<1x16x128xf32, #tpu.memory_space<vmem>>
        %dma_wait3A_234 = tpu.memref_squeeze %dma_wait3A_233 : memref<1x16x128xf32, #tpu.memory_space<vmem>> -> memref<16x128xf32, #tpu.memory_space<vmem>>
        %dma_wait3A_235 = arith.constant 0 : i32
        %dma_wait3A_236 = tpu.memref_slice %arg11[%and3A_231, %dma_wait3A_235] : memref<8x16xi32, #tpu.memory_space<vmem>> -> memref<1x16xi32, #tpu.memory_space<vmem>>
        %dma_wait3A_237 = tpu.memref_squeeze %dma_wait3A_236 : memref<1x16xi32, #tpu.memory_space<vmem>> -> memref<16xi32, #tpu.memory_space<vmem>>
        %dma_wait3A_238 = arith.constant 0 : i32
        %dma_wait3A_239 = arith.constant 0 : i32
        %dma_wait3A_240 = tpu.memref_slice %arg16[%dma_wait3A_238, %dma_wait3A_239] : memref<5136x128xf32, #tpu.memory_space<vmem_shared>> -> memref<5136x128xf32, #tpu.memory_space<vmem_shared>>
        %dma_wait3A_241 = tpu.memref_slice %arg19[%and3A_231] : memref<8x!tpu.dma_semaphore, #tpu.memory_space<semaphore_mem>> -> memref<1x!tpu.dma_semaphore, #tpu.memory_space<semaphore_mem>>
        %dma_wait3A_242 = tpu.memref_squeeze %dma_wait3A_241 : memref<1x!tpu.dma_semaphore, #tpu.memory_space<semaphore_mem>> -> memref<!tpu.dma_semaphore, #tpu.memory_space<semaphore_mem>>
        tpu.wait_indirect_dma semaphore(%dma_wait3A_242 : memref<!tpu.dma_semaphore, #tpu.memory_space<semaphore_mem>>) src(%dma_wait3A_234 : memref<16x128xf32, #tpu.memory_space<vmem>>) dst(%dma_wait3A_240 : memref<5136x128xf32, #tpu.memory_space<vmem_shared>>)
      } else {
      }
      %gt3A_173 = arith.constant 1 : i32
      %gt3A_174 = arith.cmpi sgt, %shift_right_arithmetic3A_124, %gt3A_173 : i32
      %convert_element_type3A_175 = arith.extui %gt3A_174 : i1 to i32
      %cond3A_176 = arith.constant 0 : i32
      %cond3A_177 = arith.cmpi ne, %convert_element_type3A_175, %cond3A_176 : i32
      scf.if %cond3A_177 {
        %sub3A = arith.constant 1 : i32
        %sub3A_227 = arith.subi %shift_right_arithmetic3A_124, %sub3A : i32
        %sub3A_228 = arith.constant 1 : i32
        %sub3A_229 = arith.subi %sub3A_227, %sub3A_228 : i32
        %and3A_230 = arith.constant 7 : i32
        %and3A_231 = arith.andi %sub3A_229, %and3A_230 : i32
        %dma_wait3A = arith.constant 0 : i32
        %dma_wait3A_232 = arith.constant 0 : i32
        %dma_wait3A_233 = tpu.memref_slice %arg12[%and3A_231, %dma_wait3A, %dma_wait3A_232] : memref<8x16x128xf32, #tpu.memory_space<vmem>> -> memref<1x16x128xf32, #tpu.memory_space<vmem>>
        %dma_wait3A_234 = tpu.memref_squeeze %dma_wait3A_233 : memref<1x16x128xf32, #tpu.memory_space<vmem>> -> memref<16x128xf32, #tpu.memory_space<vmem>>
        %dma_wait3A_235 = arith.constant 0 : i32
        %dma_wait3A_236 = tpu.memref_slice %arg11[%and3A_231, %dma_wait3A_235] : memref<8x16xi32, #tpu.memory_space<vmem>> -> memref<1x16xi32, #tpu.memory_space<vmem>>
        %dma_wait3A_237 = tpu.memref_squeeze %dma_wait3A_236 : memref<1x16xi32, #tpu.memory_space<vmem>> -> memref<16xi32, #tpu.memory_space<vmem>>
        %dma_wait3A_238 = arith.constant 0 : i32
        %dma_wait3A_239 = arith.constant 0 : i32
        %dma_wait3A_240 = tpu.memref_slice %arg16[%dma_wait3A_238, %dma_wait3A_239] : memref<5136x128xf32, #tpu.memory_space<vmem_shared>> -> memref<5136x128xf32, #tpu.memory_space<vmem_shared>>
        %dma_wait3A_241 = tpu.memref_slice %arg19[%and3A_231] : memref<8x!tpu.dma_semaphore, #tpu.memory_space<semaphore_mem>> -> memref<1x!tpu.dma_semaphore, #tpu.memory_space<semaphore_mem>>
        %dma_wait3A_242 = tpu.memref_squeeze %dma_wait3A_241 : memref<1x!tpu.dma_semaphore, #tpu.memory_space<semaphore_mem>> -> memref<!tpu.dma_semaphore, #tpu.memory_space<semaphore_mem>>
        tpu.wait_indirect_dma semaphore(%dma_wait3A_242 : memref<!tpu.dma_semaphore, #tpu.memory_space<semaphore_mem>>) src(%dma_wait3A_234 : memref<16x128xf32, #tpu.memory_space<vmem>>) dst(%dma_wait3A_240 : memref<5136x128xf32, #tpu.memory_space<vmem_shared>>)
      } else {
      }
      %gt3A_178 = arith.constant 2 : i32
      %gt3A_179 = arith.cmpi sgt, %shift_right_arithmetic3A_124, %gt3A_178 : i32
      %convert_element_type3A_180 = arith.extui %gt3A_179 : i1 to i32
      %cond3A_181 = arith.constant 0 : i32
      %cond3A_182 = arith.cmpi ne, %convert_element_type3A_180, %cond3A_181 : i32
      scf.if %cond3A_182 {
        %sub3A = arith.constant 1 : i32
        %sub3A_227 = arith.subi %shift_right_arithmetic3A_124, %sub3A : i32
        %sub3A_228 = arith.constant 2 : i32
        %sub3A_229 = arith.subi %sub3A_227, %sub3A_228 : i32
        %and3A_230 = arith.constant 7 : i32
        %and3A_231 = arith.andi %sub3A_229, %and3A_230 : i32
        %dma_wait3A = arith.constant 0 : i32
        %dma_wait3A_232 = arith.constant 0 : i32
        %dma_wait3A_233 = tpu.memref_slice %arg12[%and3A_231, %dma_wait3A, %dma_wait3A_232] : memref<8x16x128xf32, #tpu.memory_space<vmem>> -> memref<1x16x128xf32, #tpu.memory_space<vmem>>
        %dma_wait3A_234 = tpu.memref_squeeze %dma_wait3A_233 : memref<1x16x128xf32, #tpu.memory_space<vmem>> -> memref<16x128xf32, #tpu.memory_space<vmem>>
        %dma_wait3A_235 = arith.constant 0 : i32
        %dma_wait3A_236 = tpu.memref_slice %arg11[%and3A_231, %dma_wait3A_235] : memref<8x16xi32, #tpu.memory_space<vmem>> -> memref<1x16xi32, #tpu.memory_space<vmem>>
        %dma_wait3A_237 = tpu.memref_squeeze %dma_wait3A_236 : memref<1x16xi32, #tpu.memory_space<vmem>> -> memref<16xi32, #tpu.memory_space<vmem>>
        %dma_wait3A_238 = arith.constant 0 : i32
        %dma_wait3A_239 = arith.constant 0 : i32
        %dma_wait3A_240 = tpu.memref_slice %arg16[%dma_wait3A_238, %dma_wait3A_239] : memref<5136x128xf32, #tpu.memory_space<vmem_shared>> -> memref<5136x128xf32, #tpu.memory_space<vmem_shared>>
        %dma_wait3A_241 = tpu.memref_slice %arg19[%and3A_231] : memref<8x!tpu.dma_semaphore, #tpu.memory_space<semaphore_mem>> -> memref<1x!tpu.dma_semaphore, #tpu.memory_space<semaphore_mem>>
        %dma_wait3A_242 = tpu.memref_squeeze %dma_wait3A_241 : memref<1x!tpu.dma_semaphore, #tpu.memory_space<semaphore_mem>> -> memref<!tpu.dma_semaphore, #tpu.memory_space<semaphore_mem>>
        tpu.wait_indirect_dma semaphore(%dma_wait3A_242 : memref<!tpu.dma_semaphore, #tpu.memory_space<semaphore_mem>>) src(%dma_wait3A_234 : memref<16x128xf32, #tpu.memory_space<vmem>>) dst(%dma_wait3A_240 : memref<5136x128xf32, #tpu.memory_space<vmem_shared>>)
      } else {
      }
      %gt3A_183 = arith.constant 3 : i32
      %gt3A_184 = arith.cmpi sgt, %shift_right_arithmetic3A_124, %gt3A_183 : i32
      %convert_element_type3A_185 = arith.extui %gt3A_184 : i1 to i32
      %cond3A_186 = arith.constant 0 : i32
      %cond3A_187 = arith.cmpi ne, %convert_element_type3A_185, %cond3A_186 : i32
      scf.if %cond3A_187 {
        %sub3A = arith.constant 1 : i32
        %sub3A_227 = arith.subi %shift_right_arithmetic3A_124, %sub3A : i32
        %sub3A_228 = arith.constant 3 : i32
        %sub3A_229 = arith.subi %sub3A_227, %sub3A_228 : i32
        %and3A_230 = arith.constant 7 : i32
        %and3A_231 = arith.andi %sub3A_229, %and3A_230 : i32
        %dma_wait3A = arith.constant 0 : i32
        %dma_wait3A_232 = arith.constant 0 : i32
        %dma_wait3A_233 = tpu.memref_slice %arg12[%and3A_231, %dma_wait3A, %dma_wait3A_232] : memref<8x16x128xf32, #tpu.memory_space<vmem>> -> memref<1x16x128xf32, #tpu.memory_space<vmem>>
        %dma_wait3A_234 = tpu.memref_squeeze %dma_wait3A_233 : memref<1x16x128xf32, #tpu.memory_space<vmem>> -> memref<16x128xf32, #tpu.memory_space<vmem>>
        %dma_wait3A_235 = arith.constant 0 : i32
        %dma_wait3A_236 = tpu.memref_slice %arg11[%and3A_231, %dma_wait3A_235] : memref<8x16xi32, #tpu.memory_space<vmem>> -> memref<1x16xi32, #tpu.memory_space<vmem>>
        %dma_wait3A_237 = tpu.memref_squeeze %dma_wait3A_236 : memref<1x16xi32, #tpu.memory_space<vmem>> -> memref<16xi32, #tpu.memory_space<vmem>>
        %dma_wait3A_238 = arith.constant 0 : i32
        %dma_wait3A_239 = arith.constant 0 : i32
        %dma_wait3A_240 = tpu.memref_slice %arg16[%dma_wait3A_238, %dma_wait3A_239] : memref<5136x128xf32, #tpu.memory_space<vmem_shared>> -> memref<5136x128xf32, #tpu.memory_space<vmem_shared>>
        %dma_wait3A_241 = tpu.memref_slice %arg19[%and3A_231] : memref<8x!tpu.dma_semaphore, #tpu.memory_space<semaphore_mem>> -> memref<1x!tpu.dma_semaphore, #tpu.memory_space<semaphore_mem>>
        %dma_wait3A_242 = tpu.memref_squeeze %dma_wait3A_241 : memref<1x!tpu.dma_semaphore, #tpu.memory_space<semaphore_mem>> -> memref<!tpu.dma_semaphore, #tpu.memory_space<semaphore_mem>>
        tpu.wait_indirect_dma semaphore(%dma_wait3A_242 : memref<!tpu.dma_semaphore, #tpu.memory_space<semaphore_mem>>) src(%dma_wait3A_234 : memref<16x128xf32, #tpu.memory_space<vmem>>) dst(%dma_wait3A_240 : memref<5136x128xf32, #tpu.memory_space<vmem_shared>>)
      } else {
      }
      %gt3A_188 = arith.constant 4 : i32
      %gt3A_189 = arith.cmpi sgt, %shift_right_arithmetic3A_124, %gt3A_188 : i32
      %convert_element_type3A_190 = arith.extui %gt3A_189 : i1 to i32
      %cond3A_191 = arith.constant 0 : i32
      %cond3A_192 = arith.cmpi ne, %convert_element_type3A_190, %cond3A_191 : i32
      scf.if %cond3A_192 {
        %sub3A = arith.constant 1 : i32
        %sub3A_227 = arith.subi %shift_right_arithmetic3A_124, %sub3A : i32
        %sub3A_228 = arith.constant 4 : i32
        %sub3A_229 = arith.subi %sub3A_227, %sub3A_228 : i32
        %and3A_230 = arith.constant 7 : i32
        %and3A_231 = arith.andi %sub3A_229, %and3A_230 : i32
        %dma_wait3A = arith.constant 0 : i32
        %dma_wait3A_232 = arith.constant 0 : i32
        %dma_wait3A_233 = tpu.memref_slice %arg12[%and3A_231, %dma_wait3A, %dma_wait3A_232] : memref<8x16x128xf32, #tpu.memory_space<vmem>> -> memref<1x16x128xf32, #tpu.memory_space<vmem>>
        %dma_wait3A_234 = tpu.memref_squeeze %dma_wait3A_233 : memref<1x16x128xf32, #tpu.memory_space<vmem>> -> memref<16x128xf32, #tpu.memory_space<vmem>>
        %dma_wait3A_235 = arith.constant 0 : i32
        %dma_wait3A_236 = tpu.memref_slice %arg11[%and3A_231, %dma_wait3A_235] : memref<8x16xi32, #tpu.memory_space<vmem>> -> memref<1x16xi32, #tpu.memory_space<vmem>>
        %dma_wait3A_237 = tpu.memref_squeeze %dma_wait3A_236 : memref<1x16xi32, #tpu.memory_space<vmem>> -> memref<16xi32, #tpu.memory_space<vmem>>
        %dma_wait3A_238 = arith.constant 0 : i32
        %dma_wait3A_239 = arith.constant 0 : i32
        %dma_wait3A_240 = tpu.memref_slice %arg16[%dma_wait3A_238, %dma_wait3A_239] : memref<5136x128xf32, #tpu.memory_space<vmem_shared>> -> memref<5136x128xf32, #tpu.memory_space<vmem_shared>>
        %dma_wait3A_241 = tpu.memref_slice %arg19[%and3A_231] : memref<8x!tpu.dma_semaphore, #tpu.memory_space<semaphore_mem>> -> memref<1x!tpu.dma_semaphore, #tpu.memory_space<semaphore_mem>>
        %dma_wait3A_242 = tpu.memref_squeeze %dma_wait3A_241 : memref<1x!tpu.dma_semaphore, #tpu.memory_space<semaphore_mem>> -> memref<!tpu.dma_semaphore, #tpu.memory_space<semaphore_mem>>
        tpu.wait_indirect_dma semaphore(%dma_wait3A_242 : memref<!tpu.dma_semaphore, #tpu.memory_space<semaphore_mem>>) src(%dma_wait3A_234 : memref<16x128xf32, #tpu.memory_space<vmem>>) dst(%dma_wait3A_240 : memref<5136x128xf32, #tpu.memory_space<vmem_shared>>)
      } else {
      }
      %gt3A_193 = arith.constant 5 : i32
      %gt3A_194 = arith.cmpi sgt, %shift_right_arithmetic3A_124, %gt3A_193 : i32
      %convert_element_type3A_195 = arith.extui %gt3A_194 : i1 to i32
      %cond3A_196 = arith.constant 0 : i32
      %cond3A_197 = arith.cmpi ne, %convert_element_type3A_195, %cond3A_196 : i32
      scf.if %cond3A_197 {
        %sub3A = arith.constant 1 : i32
        %sub3A_227 = arith.subi %shift_right_arithmetic3A_124, %sub3A : i32
        %sub3A_228 = arith.constant 5 : i32
        %sub3A_229 = arith.subi %sub3A_227, %sub3A_228 : i32
        %and3A_230 = arith.constant 7 : i32
        %and3A_231 = arith.andi %sub3A_229, %and3A_230 : i32
        %dma_wait3A = arith.constant 0 : i32
        %dma_wait3A_232 = arith.constant 0 : i32
        %dma_wait3A_233 = tpu.memref_slice %arg12[%and3A_231, %dma_wait3A, %dma_wait3A_232] : memref<8x16x128xf32, #tpu.memory_space<vmem>> -> memref<1x16x128xf32, #tpu.memory_space<vmem>>
        %dma_wait3A_234 = tpu.memref_squeeze %dma_wait3A_233 : memref<1x16x128xf32, #tpu.memory_space<vmem>> -> memref<16x128xf32, #tpu.memory_space<vmem>>
        %dma_wait3A_235 = arith.constant 0 : i32
        %dma_wait3A_236 = tpu.memref_slice %arg11[%and3A_231, %dma_wait3A_235] : memref<8x16xi32, #tpu.memory_space<vmem>> -> memref<1x16xi32, #tpu.memory_space<vmem>>
        %dma_wait3A_237 = tpu.memref_squeeze %dma_wait3A_236 : memref<1x16xi32, #tpu.memory_space<vmem>> -> memref<16xi32, #tpu.memory_space<vmem>>
        %dma_wait3A_238 = arith.constant 0 : i32
        %dma_wait3A_239 = arith.constant 0 : i32
        %dma_wait3A_240 = tpu.memref_slice %arg16[%dma_wait3A_238, %dma_wait3A_239] : memref<5136x128xf32, #tpu.memory_space<vmem_shared>> -> memref<5136x128xf32, #tpu.memory_space<vmem_shared>>
        %dma_wait3A_241 = tpu.memref_slice %arg19[%and3A_231] : memref<8x!tpu.dma_semaphore, #tpu.memory_space<semaphore_mem>> -> memref<1x!tpu.dma_semaphore, #tpu.memory_space<semaphore_mem>>
        %dma_wait3A_242 = tpu.memref_squeeze %dma_wait3A_241 : memref<1x!tpu.dma_semaphore, #tpu.memory_space<semaphore_mem>> -> memref<!tpu.dma_semaphore, #tpu.memory_space<semaphore_mem>>
        tpu.wait_indirect_dma semaphore(%dma_wait3A_242 : memref<!tpu.dma_semaphore, #tpu.memory_space<semaphore_mem>>) src(%dma_wait3A_234 : memref<16x128xf32, #tpu.memory_space<vmem>>) dst(%dma_wait3A_240 : memref<5136x128xf32, #tpu.memory_space<vmem_shared>>)
      } else {
      }
      %gt3A_198 = arith.constant 6 : i32
      %gt3A_199 = arith.cmpi sgt, %shift_right_arithmetic3A_124, %gt3A_198 : i32
      %convert_element_type3A_200 = arith.extui %gt3A_199 : i1 to i32
      %cond3A_201 = arith.constant 0 : i32
      %cond3A_202 = arith.cmpi ne, %convert_element_type3A_200, %cond3A_201 : i32
      scf.if %cond3A_202 {
        %sub3A = arith.constant 1 : i32
        %sub3A_227 = arith.subi %shift_right_arithmetic3A_124, %sub3A : i32
        %sub3A_228 = arith.constant 6 : i32
        %sub3A_229 = arith.subi %sub3A_227, %sub3A_228 : i32
        %and3A_230 = arith.constant 7 : i32
        %and3A_231 = arith.andi %sub3A_229, %and3A_230 : i32
        %dma_wait3A = arith.constant 0 : i32
        %dma_wait3A_232 = arith.constant 0 : i32
        %dma_wait3A_233 = tpu.memref_slice %arg12[%and3A_231, %dma_wait3A, %dma_wait3A_232] : memref<8x16x128xf32, #tpu.memory_space<vmem>> -> memref<1x16x128xf32, #tpu.memory_space<vmem>>
        %dma_wait3A_234 = tpu.memref_squeeze %dma_wait3A_233 : memref<1x16x128xf32, #tpu.memory_space<vmem>> -> memref<16x128xf32, #tpu.memory_space<vmem>>
        %dma_wait3A_235 = arith.constant 0 : i32
        %dma_wait3A_236 = tpu.memref_slice %arg11[%and3A_231, %dma_wait3A_235] : memref<8x16xi32, #tpu.memory_space<vmem>> -> memref<1x16xi32, #tpu.memory_space<vmem>>
        %dma_wait3A_237 = tpu.memref_squeeze %dma_wait3A_236 : memref<1x16xi32, #tpu.memory_space<vmem>> -> memref<16xi32, #tpu.memory_space<vmem>>
        %dma_wait3A_238 = arith.constant 0 : i32
        %dma_wait3A_239 = arith.constant 0 : i32
        %dma_wait3A_240 = tpu.memref_slice %arg16[%dma_wait3A_238, %dma_wait3A_239] : memref<5136x128xf32, #tpu.memory_space<vmem_shared>> -> memref<5136x128xf32, #tpu.memory_space<vmem_shared>>
        %dma_wait3A_241 = tpu.memref_slice %arg19[%and3A_231] : memref<8x!tpu.dma_semaphore, #tpu.memory_space<semaphore_mem>> -> memref<1x!tpu.dma_semaphore, #tpu.memory_space<semaphore_mem>>
        %dma_wait3A_242 = tpu.memref_squeeze %dma_wait3A_241 : memref<1x!tpu.dma_semaphore, #tpu.memory_space<semaphore_mem>> -> memref<!tpu.dma_semaphore, #tpu.memory_space<semaphore_mem>>
        tpu.wait_indirect_dma semaphore(%dma_wait3A_242 : memref<!tpu.dma_semaphore, #tpu.memory_space<semaphore_mem>>) src(%dma_wait3A_234 : memref<16x128xf32, #tpu.memory_space<vmem>>) dst(%dma_wait3A_240 : memref<5136x128xf32, #tpu.memory_space<vmem_shared>>)
      } else {
      }
      %gt3A_203 = arith.constant 7 : i32
      %gt3A_204 = arith.cmpi sgt, %shift_right_arithmetic3A_124, %gt3A_203 : i32
      %convert_element_type3A_205 = arith.extui %gt3A_204 : i1 to i32
      %cond3A_206 = arith.constant 0 : i32
      %cond3A_207 = arith.cmpi ne, %convert_element_type3A_205, %cond3A_206 : i32
      scf.if %cond3A_207 {
        %sub3A = arith.constant 1 : i32
        %sub3A_227 = arith.subi %shift_right_arithmetic3A_124, %sub3A : i32
        %sub3A_228 = arith.constant 7 : i32
        %sub3A_229 = arith.subi %sub3A_227, %sub3A_228 : i32
        %and3A_230 = arith.constant 7 : i32
        %and3A_231 = arith.andi %sub3A_229, %and3A_230 : i32
        %dma_wait3A = arith.constant 0 : i32
        %dma_wait3A_232 = arith.constant 0 : i32
        %dma_wait3A_233 = tpu.memref_slice %arg12[%and3A_231, %dma_wait3A, %dma_wait3A_232] : memref<8x16x128xf32, #tpu.memory_space<vmem>> -> memref<1x16x128xf32, #tpu.memory_space<vmem>>
        %dma_wait3A_234 = tpu.memref_squeeze %dma_wait3A_233 : memref<1x16x128xf32, #tpu.memory_space<vmem>> -> memref<16x128xf32, #tpu.memory_space<vmem>>
        %dma_wait3A_235 = arith.constant 0 : i32
        %dma_wait3A_236 = tpu.memref_slice %arg11[%and3A_231, %dma_wait3A_235] : memref<8x16xi32, #tpu.memory_space<vmem>> -> memref<1x16xi32, #tpu.memory_space<vmem>>
        %dma_wait3A_237 = tpu.memref_squeeze %dma_wait3A_236 : memref<1x16xi32, #tpu.memory_space<vmem>> -> memref<16xi32, #tpu.memory_space<vmem>>
        %dma_wait3A_238 = arith.constant 0 : i32
        %dma_wait3A_239 = arith.constant 0 : i32
        %dma_wait3A_240 = tpu.memref_slice %arg16[%dma_wait3A_238, %dma_wait3A_239] : memref<5136x128xf32, #tpu.memory_space<vmem_shared>> -> memref<5136x128xf32, #tpu.memory_space<vmem_shared>>
        %dma_wait3A_241 = tpu.memref_slice %arg19[%and3A_231] : memref<8x!tpu.dma_semaphore, #tpu.memory_space<semaphore_mem>> -> memref<1x!tpu.dma_semaphore, #tpu.memory_space<semaphore_mem>>
        %dma_wait3A_242 = tpu.memref_squeeze %dma_wait3A_241 : memref<1x!tpu.dma_semaphore, #tpu.memory_space<semaphore_mem>> -> memref<!tpu.dma_semaphore, #tpu.memory_space<semaphore_mem>>
        tpu.wait_indirect_dma semaphore(%dma_wait3A_242 : memref<!tpu.dma_semaphore, #tpu.memory_space<semaphore_mem>>) src(%dma_wait3A_234 : memref<16x128xf32, #tpu.memory_space<vmem>>) dst(%dma_wait3A_240 : memref<5136x128xf32, #tpu.memory_space<vmem_shared>>)
      } else {
      }
      %barrier3A_208 = arith.constant 0 : index
      tpu.barrier barrier_id(%barrier3A_208)
      %mul3A_209 = arith.constant 320 : i32
      %mul3A_210 = arith.muli %arg1, %mul3A_209 : i32
      %mul3A_211 = arith.constant 320 : i32
      %mul3A_212 = arith.muli %arg1, %mul3A_211 : i32
      %add3A_213 = arith.addi %mul3A_27, %mul3A_212 : i32
      "tpu.region"() ({
        %run_scoped3A = tpu.sem_alloc : memref<!tpu.dma_semaphore, #tpu.memory_space<semaphore_mem>>
        %dma_start3A = arith.constant 0 : i32
        %dma_start3A_227 = tpu.memref_slice %arg5[%arg0, %shift_right_arithmetic3A_24, %add3A_213, %dma_start3A] : memref<2x4x10240x128xf32, #tpu.memory_space<hbm>> -> memref<1x1x320x128xf32, #tpu.memory_space<hbm>>
        %dma_start3A_228 = tpu.memref_squeeze %dma_start3A_227 : memref<1x1x320x128xf32, #tpu.memory_space<hbm>> -> memref<320x128xf32, #tpu.memory_space<hbm>>
        %dma_start3A_229 = arith.constant 0 : i32
        %dma_start3A_230 = tpu.memref_slice %arg16[%mul3A_210, %dma_start3A_229] : memref<5136x128xf32, #tpu.memory_space<vmem_shared>> -> memref<320x128xf32, #tpu.memory_space<vmem_shared>>
        tpu.enqueue_dma source(%dma_start3A_230 : memref<320x128xf32, #tpu.memory_space<vmem_shared>>) target(%dma_start3A_228 : memref<320x128xf32, #tpu.memory_space<hbm>>) target_semaphore(%run_scoped3A : memref<!tpu.dma_semaphore, #tpu.memory_space<semaphore_mem>>)
        %dma_wait3A = arith.constant 0 : i32
        %dma_wait3A_231 = tpu.memref_slice %arg5[%arg0, %shift_right_arithmetic3A_24, %add3A_213, %dma_wait3A] : memref<2x4x10240x128xf32, #tpu.memory_space<hbm>> -> memref<1x1x320x128xf32, #tpu.memory_space<hbm>>
        %dma_wait3A_232 = tpu.memref_squeeze %dma_wait3A_231 : memref<1x1x320x128xf32, #tpu.memory_space<hbm>> -> memref<320x128xf32, #tpu.memory_space<hbm>>
        %dma_wait3A_233 = arith.constant 0 : i32
        %dma_wait3A_234 = tpu.memref_slice %arg16[%mul3A_210, %dma_wait3A_233] : memref<5136x128xf32, #tpu.memory_space<vmem_shared>> -> memref<320x128xf32, #tpu.memory_space<vmem_shared>>
        tpu.wait_dma2 semaphore(%run_scoped3A : memref<!tpu.dma_semaphore, #tpu.memory_space<semaphore_mem>>) src(%dma_wait3A_234 : memref<320x128xf32, #tpu.memory_space<vmem_shared>>) dst(%dma_wait3A_232 : memref<320x128xf32, #tpu.memory_space<hbm>>)
        tpu.yield
      }) : () -> ()
      %mul3A_214 = arith.constant 4 : i32
      %mul3A_215 = arith.muli %arg0, %mul3A_214 : i32
      %add3A_216 = arith.addi %mul3A_215, %shift_right_arithmetic3A_24 : i32
      %mul3A_217 = arith.constant 2 : i32
      %mul3A_218 = arith.muli %add3A_216, %mul3A_217 : i32
      %add3A_219 = arith.addi %mul3A_218, %and3A_25 : i32
      %mul3A_220 = arith.constant 16 : i32
      %mul3A_221 = arith.muli %add3A_219, %mul3A_220 : i32
      %add3A_222 = arith.addi %mul3A_221, %arg1 : i32
      %mul3A_223 = arith.constant 5136 : i32
      %mul3A_224 = arith.muli %add3A_222, %mul3A_223 : i32
      "tpu.region"() ({
        %run_scoped3A = tpu.sem_alloc : memref<!tpu.dma_semaphore, #tpu.memory_space<semaphore_mem>>
        %dma_start3A = tpu.memref_slice %arg6[%mul3A_224] : memref<1314816xf32, #tpu.memory_space<hbm>> -> memref<5136xf32, #tpu.memory_space<hbm>>
        %dma_start3A_227 = tpu.memref_slice %arg6[%mul3A_224] : memref<1314816xf32, #tpu.memory_space<hbm>> -> memref<5136xf32, #tpu.memory_space<hbm>>
        tpu.enqueue_dma source(%arg15 : memref<5136xf32, #tpu.memory_space<vmem>>) target(%dma_start3A_227 : memref<5136xf32, #tpu.memory_space<hbm>>) target_semaphore(%run_scoped3A : memref<!tpu.dma_semaphore, #tpu.memory_space<semaphore_mem>>)
        %dma_wait3A = tpu.memref_slice %arg6[%mul3A_224] : memref<1314816xf32, #tpu.memory_space<hbm>> -> memref<5136xf32, #tpu.memory_space<hbm>>
        %dma_wait3A_228 = tpu.memref_slice %arg6[%mul3A_224] : memref<1314816xf32, #tpu.memory_space<hbm>> -> memref<5136xf32, #tpu.memory_space<hbm>>
        tpu.wait_dma2 semaphore(%run_scoped3A : memref<!tpu.dma_semaphore, #tpu.memory_space<semaphore_mem>>) src(%arg15 : memref<5136xf32, #tpu.memory_space<vmem>>) dst(%dma_wait3A_228 : memref<5136xf32, #tpu.memory_space<hbm>>)
        tpu.yield
      }) : () -> ()
      %barrier3A_225 = arith.constant 0 : index
      tpu.barrier barrier_id(%barrier3A_225)
      %scan3A_226 = arith.constant 0 : i32
      scf.yield %scan3A_226 : i32
    }
    %scan3A_21 = arith.constant 8 : i32
    return
  }
}

module attributes {stable_mosaic.version = 14 : i64} {
  func.func @_stage1_body(%arg0: i32, %arg1: memref<1000x128xf32, #tpu.memory_space<vmem>>, %arg2: memref<128x512xf32, #tpu.memory_space<vmem>>, %arg3: memref<128x512xf32, #tpu.memory_space<vmem>>, %arg4: memref<1x512xf32, #tpu.memory_space<vmem>>, %arg5: memref<128x128xf32, #tpu.memory_space<vmem>>, %arg6: memref<1x128xf32, #tpu.memory_space<vmem>>, %arg7: memref<1000x512xf32, #tpu.memory_space<vmem>>, %arg8: memref<1000x512xf32, #tpu.memory_space<vmem>>, %arg9: memref<1000x128xf32, #tpu.memory_space<vmem>>) attributes {dimension_semantics = [#tpu.dimension_semantics<arbitrary>], iteration_bounds = array<i64: 10>, scalar_prefetch = 0 : i64, scratch_operands = 0 : i64, tpu.core_type = #tpu.core_type<tc>, window_params = [{transform_indices = @transform_0, window_bounds = array<i64: 1000, 128>}, {pipeline_mode = #tpu.pipeline_mode<synchronous>, transform_indices = @transform_1, window_bounds = array<i64: 128, 512>}, {pipeline_mode = #tpu.pipeline_mode<synchronous>, transform_indices = @transform_2, window_bounds = array<i64: 128, 512>}, {pipeline_mode = #tpu.pipeline_mode<synchronous>, transform_indices = @transform_3, window_bounds = array<i64: 1, 512>}, {pipeline_mode = #tpu.pipeline_mode<synchronous>, transform_indices = @transform_4, window_bounds = array<i64: 128, 128>}, {pipeline_mode = #tpu.pipeline_mode<synchronous>, transform_indices = @transform_5, window_bounds = array<i64: 1, 128>}, {transform_indices = @transform_6, window_bounds = array<i64: 1000, 512>}, {transform_indices = @transform_7, window_bounds = array<i64: 1000, 512>}, {transform_indices = @transform_8, window_bounds = array<i64: 1000, 128>}]} {
    %get3A = arith.constant 0 : index
    %get3A_0 = arith.constant 0 : index
    %get3A_1 = vector.load %arg1[%get3A, %get3A_0] : memref<1000x128xf32, #tpu.memory_space<vmem>>, vector<1000x128xf32>
    %get3A_2 = arith.constant 0 : index
    %get3A_3 = arith.constant 0 : index
    %get3A_4 = vector.load %arg2[%get3A_2, %get3A_3] : memref<128x512xf32, #tpu.memory_space<vmem>>, vector<128x512xf32>
    %dot_general3A = arith.constant dense<0.000000e+00> : vector<1000x512xf32>
    %dot_general3A_5 = tpu.matmul %get3A_1, %get3A_4, %dot_general3A {dimension_numbers = #tpu.dot_dimension_numbers<[1], [0], [0], [1], [0, 0, 1, 1], [], []>, transpose_lhs_hint = false} : vector<1000x128xf32>, vector<128x512xf32>, vector<1000x512xf32> -> vector<1000x512xf32>
    %swap3A = arith.constant 0 : index
    %swap3A_6 = arith.constant 0 : index
    %swap3A_7 = vector.load %arg7[%swap3A, %swap3A_6] : memref<1000x512xf32, #tpu.memory_space<vmem>>, vector<1000x512xf32>
    tpu.vector_store %arg7[%swap3A, %swap3A_6], %dot_general3A_5 {strides = array<i32>} : memref<1000x512xf32, #tpu.memory_space<vmem>>, vector<1000x512xf32>,
    %get3A_8 = arith.constant 0 : index
    %get3A_9 = arith.constant 0 : index
    %get3A_10 = vector.load %arg3[%get3A_8, %get3A_9] : memref<128x512xf32, #tpu.memory_space<vmem>>, vector<128x512xf32>
    %dot_general3A_11 = arith.constant dense<0.000000e+00> : vector<1000x512xf32>
    %dot_general3A_12 = tpu.matmul %get3A_1, %get3A_10, %dot_general3A_11 {dimension_numbers = #tpu.dot_dimension_numbers<[1], [0], [0], [1], [0, 0, 1, 1], [], []>, transpose_lhs_hint = false} : vector<1000x128xf32>, vector<128x512xf32>, vector<1000x512xf32> -> vector<1000x512xf32>
    %get3A_13 = arith.constant 0 : index
    %get3A_14 = arith.constant 0 : index
    %get3A_15 = vector.load %arg4[%get3A_13, %get3A_14] : memref<1x512xf32, #tpu.memory_space<vmem>>, vector<1x512xf32>
    %add3A = vector.broadcast %get3A_15 : vector<1x512xf32> to vector<1000x512xf32>
    %add3A_16 = arith.addf %dot_general3A_12, %add3A : vector<1000x512xf32>
    %swap3A_17 = arith.constant 0 : index
    %swap3A_18 = arith.constant 0 : index
    %swap3A_19 = vector.load %arg8[%swap3A_17, %swap3A_18] : memref<1000x512xf32, #tpu.memory_space<vmem>>, vector<1000x512xf32>
    tpu.vector_store %arg8[%swap3A_17, %swap3A_18], %add3A_16 {strides = array<i32>} : memref<1000x512xf32, #tpu.memory_space<vmem>>, vector<1000x512xf32>,
    %get3A_20 = arith.constant 0 : index
    %get3A_21 = arith.constant 0 : index
    %get3A_22 = vector.load %arg5[%get3A_20, %get3A_21] : memref<128x128xf32, #tpu.memory_space<vmem>>, vector<128x128xf32>
    %dot_general3A_23 = arith.constant dense<0.000000e+00> : vector<1000x128xf32>
    %dot_general3A_24 = tpu.matmul %get3A_1, %get3A_22, %dot_general3A_23 {dimension_numbers = #tpu.dot_dimension_numbers<[1], [0], [0], [1], [0, 0, 1, 1], [], []>, transpose_lhs_hint = false} : vector<1000x128xf32>, vector<128x128xf32>, vector<1000x128xf32> -> vector<1000x128xf32>
    %get3A_25 = arith.constant 0 : index
    %get3A_26 = arith.constant 0 : index
    %get3A_27 = vector.load %arg6[%get3A_25, %get3A_26] : memref<1x128xf32, #tpu.memory_space<vmem>>, vector<1x128xf32>
    %add3A_28 = vector.broadcast %get3A_27 : vector<1x128xf32> to vector<1000x128xf32>
    %add3A_29 = arith.addf %dot_general3A_24, %add3A_28 : vector<1000x128xf32>
    %swap3A_30 = arith.constant 0 : index
    %swap3A_31 = arith.constant 0 : index
    %swap3A_32 = vector.load %arg9[%swap3A_30, %swap3A_31] : memref<1000x128xf32, #tpu.memory_space<vmem>>, vector<1000x128xf32>
    tpu.vector_store %arg9[%swap3A_30, %swap3A_31], %add3A_29 {strides = array<i32>} : memref<1000x128xf32, #tpu.memory_space<vmem>>, vector<1000x128xf32>,
    return
  }
  func.func @transform_0(%arg0: i32) -> (i32, i32) {
    %c0_i32 = arith.constant 0 : i32
    %c0_i32_0 = arith.constant 0 : i32
    return %arg0, %c0_i32 : i32, i32
  }
  func.func @transform_1(%arg0: i32) -> (i32, i32) {
    %c0_i32 = arith.constant 0 : i32
    %c0_i32_0 = arith.constant 0 : i32
    %c0_i32_1 = arith.constant 0 : i32
    return %c0_i32, %c0_i32_0 : i32, i32
  }
  func.func @transform_2(%arg0: i32) -> (i32, i32) {
    %c0_i32 = arith.constant 0 : i32
    %c0_i32_0 = arith.constant 0 : i32
    %c0_i32_1 = arith.constant 0 : i32
    return %c0_i32, %c0_i32_0 : i32, i32
  }
  func.func @transform_3(%arg0: i32) -> (i32, i32) {
    %c0_i32 = arith.constant 0 : i32
    %c0_i32_0 = arith.constant 0 : i32
    %c0_i32_1 = arith.constant 0 : i32
    return %c0_i32, %c0_i32_0 : i32, i32
  }
  func.func @transform_4(%arg0: i32) -> (i32, i32) {
    %c0_i32 = arith.constant 0 : i32
    %c0_i32_0 = arith.constant 0 : i32
    %c0_i32_1 = arith.constant 0 : i32
    return %c0_i32, %c0_i32_0 : i32, i32
  }
  func.func @transform_5(%arg0: i32) -> (i32, i32) {
    %c0_i32 = arith.constant 0 : i32
    %c0_i32_0 = arith.constant 0 : i32
    %c0_i32_1 = arith.constant 0 : i32
    return %c0_i32, %c0_i32_0 : i32, i32
  }
  func.func @transform_6(%arg0: i32) -> (i32, i32) {
    %c0_i32 = arith.constant 0 : i32
    %c0_i32_0 = arith.constant 0 : i32
    return %arg0, %c0_i32 : i32, i32
  }
  func.func @transform_7(%arg0: i32) -> (i32, i32) {
    %c0_i32 = arith.constant 0 : i32
    %c0_i32_0 = arith.constant 0 : i32
    return %arg0, %c0_i32 : i32, i32
  }
  func.func @transform_8(%arg0: i32) -> (i32, i32) {
    %c0_i32 = arith.constant 0 : i32
    %c0_i32_0 = arith.constant 0 : i32
    return %arg0, %c0_i32 : i32, i32
  }
}

module attributes {stable_mosaic.version = 14 : i64} {
  func.func @_stage3_body(%arg0: i32, %arg1: memref<2x4x1000x128xf32, #tpu.memory_space<vmem>>, %arg2: memref<2x4x1000x16xf32, #tpu.memory_space<vmem>>, %arg3: memref<1000x128xf32, #tpu.memory_space<vmem>>, %arg4: memref<4x128x128xf32, #tpu.memory_space<vmem>>, %arg5: memref<4x128xf32, #tpu.memory_space<vmem>>, %arg6: memref<1x128xf32, #tpu.memory_space<vmem>>, %arg7: memref<1x128xf32, #tpu.memory_space<vmem>>, %arg8: memref<1000x128xf32, #tpu.memory_space<vmem>>) attributes {dimension_semantics = [#tpu.dimension_semantics<arbitrary>], iteration_bounds = array<i64: 10>, scalar_prefetch = 0 : i64, scratch_operands = 0 : i64, tpu.core_type = #tpu.core_type<tc>, window_params = [{transform_indices = @transform_0, window_bounds = array<i64: 2, 4, 1000, 128>}, {transform_indices = @transform_1, window_bounds = array<i64: 2, 4, 1000, 16>}, {transform_indices = @transform_2, window_bounds = array<i64: 1000, 128>}, {pipeline_mode = #tpu.pipeline_mode<synchronous>, transform_indices = @transform_3, window_bounds = array<i64: 4, 128, 128>}, {pipeline_mode = #tpu.pipeline_mode<synchronous>, transform_indices = @transform_4, window_bounds = array<i64: 4, 128>}, {pipeline_mode = #tpu.pipeline_mode<synchronous>, transform_indices = @transform_5, window_bounds = array<i64: 1, 128>}, {pipeline_mode = #tpu.pipeline_mode<synchronous>, transform_indices = @transform_6, window_bounds = array<i64: 1, 128>}, {transform_indices = @transform_7, window_bounds = array<i64: 1000, 128>}]} {
    %get3A = arith.constant 0 : index
    %get3A_0 = arith.constant 0 : index
    %get3A_1 = vector.load %arg3[%get3A, %get3A_0] : memref<1000x128xf32, #tpu.memory_space<vmem>>, vector<1000x128xf32>
    %get3A_2 = arith.constant 0 : index
    %get3A_3 = arith.constant 0 : index
    %get3A_4 = arith.constant 0 : index
    %get3A_5 = arith.constant 0 : index
    %get3A_6 = vector.load %arg2[%get3A_2, %get3A_3, %get3A_4, %get3A_5] : memref<2x4x1000x16xf32, #tpu.memory_space<vmem>>, vector<2x4x1000x16xf32>
    %reduce_sum3A = arith.constant dense<0.000000e+00> : vector<4x1000xf32>
    %reduce_sum3A_7 = vector.multi_reduction <add>, %get3A_6, %reduce_sum3A [0, 3] : vector<2x4x1000x16xf32> to vector<4x1000xf32>
    %get3A_8 = arith.constant 0 : index
    %get3A_9 = arith.constant 0 : index
    %get3A_10 = arith.constant 0 : index
    %get3A_11 = arith.constant 0 : index
    %get3A_12 = vector.load %arg1[%get3A_8, %get3A_9, %get3A_10, %get3A_11] : memref<2x4x1000x128xf32, #tpu.memory_space<vmem>>, vector<1x1x1000x128xf32>
    %get3A_13 = vector.shape_cast %get3A_12 : vector<1x1x1000x128xf32> to vector<1000x128xf32>
    %get3A_14 = arith.constant 1 : index
    %get3A_15 = arith.constant 0 : index
    %get3A_16 = arith.constant 0 : index
    %get3A_17 = arith.constant 0 : index
    %get3A_18 = vector.load %arg1[%get3A_14, %get3A_15, %get3A_16, %get3A_17] : memref<2x4x1000x128xf32, #tpu.memory_space<vmem>>, vector<1x1x1000x128xf32>
    %get3A_19 = vector.shape_cast %get3A_18 : vector<1x1x1000x128xf32> to vector<1000x128xf32>
    %add3A = arith.addf %get3A_13, %get3A_19 : vector<1000x128xf32>
    %get3A_20 = arith.constant 0 : index
    %get3A_21 = arith.constant 0 : index
    %get3A_22 = arith.constant 0 : index
    %get3A_23 = vector.load %arg4[%get3A_20, %get3A_21, %get3A_22] : memref<4x128x128xf32, #tpu.memory_space<vmem>>, vector<1x128x128xf32>
    %get3A_24 = vector.shape_cast %get3A_23 : vector<1x128x128xf32> to vector<128x128xf32>
    %dot_general3A = arith.constant dense<0.000000e+00> : vector<1000x128xf32>
    %dot_general3A_25 = tpu.matmul %add3A, %get3A_24, %dot_general3A {dimension_numbers = #tpu.dot_dimension_numbers<[1], [0], [0], [1], [0, 0, 1, 1], [], []>, transpose_lhs_hint = false} : vector<1000x128xf32>, vector<128x128xf32>, vector<1000x128xf32> -> vector<1000x128xf32>
    %add3A_26 = arith.addf %get3A_1, %dot_general3A_25 : vector<1000x128xf32>
    %slice3A = vector.extract_strided_slice %reduce_sum3A_7 {offsets = [0, 0], sizes = [1, 1000], strides = [1, 1]} : vector<4x1000xf32> to vector<1x1000xf32>
    %squeeze3A = vector.shape_cast %slice3A : vector<1x1000xf32> to vector<1000xf32>
    %broadcast_in_dim3A = vector.shape_cast %squeeze3A : vector<1000xf32> to vector<1000x1xf32>
    %get3A_27 = arith.constant 0 : index
    %get3A_28 = arith.constant 0 : index
    %get3A_29 = vector.load %arg5[%get3A_27, %get3A_28] : memref<4x128xf32, #tpu.memory_space<vmem>>, vector<1x128xf32>
    %get3A_30 = vector.shape_cast %get3A_29 : vector<1x128xf32> to vector<128xf32>
    %broadcast_in_dim3A_31 = vector.shape_cast %get3A_30 : vector<128xf32> to vector<1x128xf32>
    %mul3A = vector.broadcast %broadcast_in_dim3A : vector<1000x1xf32> to vector<1000x128xf32>
    %mul3A_32 = vector.broadcast %broadcast_in_dim3A_31 : vector<1x128xf32> to vector<1000x128xf32>
    %mul3A_33 = arith.mulf %mul3A, %mul3A_32 : vector<1000x128xf32>
    %add3A_34 = arith.addf %add3A_26, %mul3A_33 : vector<1000x128xf32>
    %get3A_35 = arith.constant 0 : index
    %get3A_36 = arith.constant 1 : index
    %get3A_37 = arith.constant 0 : index
    %get3A_38 = arith.constant 0 : index
    %get3A_39 = vector.load %arg1[%get3A_35, %get3A_36, %get3A_37, %get3A_38] : memref<2x4x1000x128xf32, #tpu.memory_space<vmem>>, vector<1x1x1000x128xf32>
    %get3A_40 = vector.shape_cast %get3A_39 : vector<1x1x1000x128xf32> to vector<1000x128xf32>
    %get3A_41 = arith.constant 1 : index
    %get3A_42 = arith.constant 1 : index
    %get3A_43 = arith.constant 0 : index
    %get3A_44 = arith.constant 0 : index
    %get3A_45 = vector.load %arg1[%get3A_41, %get3A_42, %get3A_43, %get3A_44] : memref<2x4x1000x128xf32, #tpu.memory_space<vmem>>, vector<1x1x1000x128xf32>
    %get3A_46 = vector.shape_cast %get3A_45 : vector<1x1x1000x128xf32> to vector<1000x128xf32>
    %add3A_47 = arith.addf %get3A_40, %get3A_46 : vector<1000x128xf32>
    %get3A_48 = arith.constant 1 : index
    %get3A_49 = arith.constant 0 : index
    %get3A_50 = arith.constant 0 : index
    %get3A_51 = vector.load %arg4[%get3A_48, %get3A_49, %get3A_50] : memref<4x128x128xf32, #tpu.memory_space<vmem>>, vector<1x128x128xf32>
    %get3A_52 = vector.shape_cast %get3A_51 : vector<1x128x128xf32> to vector<128x128xf32>
    %dot_general3A_53 = arith.constant dense<0.000000e+00> : vector<1000x128xf32>
    %dot_general3A_54 = tpu.matmul %add3A_47, %get3A_52, %dot_general3A_53 {dimension_numbers = #tpu.dot_dimension_numbers<[1], [0], [0], [1], [0, 0, 1, 1], [], []>, transpose_lhs_hint = false} : vector<1000x128xf32>, vector<128x128xf32>, vector<1000x128xf32> -> vector<1000x128xf32>
    %add3A_55 = arith.addf %add3A_34, %dot_general3A_54 : vector<1000x128xf32>
    %slice3A_56 = vector.extract_strided_slice %reduce_sum3A_7 {offsets = [1, 0], sizes = [1, 1000], strides = [1, 1]} : vector<4x1000xf32> to vector<1x1000xf32>
    %squeeze3A_57 = vector.shape_cast %slice3A_56 : vector<1x1000xf32> to vector<1000xf32>
    %broadcast_in_dim3A_58 = vector.shape_cast %squeeze3A_57 : vector<1000xf32> to vector<1000x1xf32>
    %get3A_59 = arith.constant 1 : index
    %get3A_60 = arith.constant 0 : index
    %get3A_61 = vector.load %arg5[%get3A_59, %get3A_60] : memref<4x128xf32, #tpu.memory_space<vmem>>, vector<1x128xf32>
    %get3A_62 = vector.shape_cast %get3A_61 : vector<1x128xf32> to vector<128xf32>
    %broadcast_in_dim3A_63 = vector.shape_cast %get3A_62 : vector<128xf32> to vector<1x128xf32>
    %mul3A_64 = vector.broadcast %broadcast_in_dim3A_58 : vector<1000x1xf32> to vector<1000x128xf32>
    %mul3A_65 = vector.broadcast %broadcast_in_dim3A_63 : vector<1x128xf32> to vector<1000x128xf32>
    %mul3A_66 = arith.mulf %mul3A_64, %mul3A_65 : vector<1000x128xf32>
    %add3A_67 = arith.addf %add3A_55, %mul3A_66 : vector<1000x128xf32>
    %get3A_68 = arith.constant 0 : index
    %get3A_69 = arith.constant 2 : index
    %get3A_70 = arith.constant 0 : index
    %get3A_71 = arith.constant 0 : index
    %get3A_72 = vector.load %arg1[%get3A_68, %get3A_69, %get3A_70, %get3A_71] : memref<2x4x1000x128xf32, #tpu.memory_space<vmem>>, vector<1x1x1000x128xf32>
    %get3A_73 = vector.shape_cast %get3A_72 : vector<1x1x1000x128xf32> to vector<1000x128xf32>
    %get3A_74 = arith.constant 1 : index
    %get3A_75 = arith.constant 2 : index
    %get3A_76 = arith.constant 0 : index
    %get3A_77 = arith.constant 0 : index
    %get3A_78 = vector.load %arg1[%get3A_74, %get3A_75, %get3A_76, %get3A_77] : memref<2x4x1000x128xf32, #tpu.memory_space<vmem>>, vector<1x1x1000x128xf32>
    %get3A_79 = vector.shape_cast %get3A_78 : vector<1x1x1000x128xf32> to vector<1000x128xf32>
    %add3A_80 = arith.addf %get3A_73, %get3A_79 : vector<1000x128xf32>
    %get3A_81 = arith.constant 2 : index
    %get3A_82 = arith.constant 0 : index
    %get3A_83 = arith.constant 0 : index
    %get3A_84 = vector.load %arg4[%get3A_81, %get3A_82, %get3A_83] : memref<4x128x128xf32, #tpu.memory_space<vmem>>, vector<1x128x128xf32>
    %get3A_85 = vector.shape_cast %get3A_84 : vector<1x128x128xf32> to vector<128x128xf32>
    %dot_general3A_86 = arith.constant dense<0.000000e+00> : vector<1000x128xf32>
    %dot_general3A_87 = tpu.matmul %add3A_80, %get3A_85, %dot_general3A_86 {dimension_numbers = #tpu.dot_dimension_numbers<[1], [0], [0], [1], [0, 0, 1, 1], [], []>, transpose_lhs_hint = false} : vector<1000x128xf32>, vector<128x128xf32>, vector<1000x128xf32> -> vector<1000x128xf32>
    %add3A_88 = arith.addf %add3A_67, %dot_general3A_87 : vector<1000x128xf32>
    %slice3A_89 = vector.extract_strided_slice %reduce_sum3A_7 {offsets = [2, 0], sizes = [1, 1000], strides = [1, 1]} : vector<4x1000xf32> to vector<1x1000xf32>
    %squeeze3A_90 = vector.shape_cast %slice3A_89 : vector<1x1000xf32> to vector<1000xf32>
    %broadcast_in_dim3A_91 = vector.shape_cast %squeeze3A_90 : vector<1000xf32> to vector<1000x1xf32>
    %get3A_92 = arith.constant 2 : index
    %get3A_93 = arith.constant 0 : index
    %get3A_94 = vector.load %arg5[%get3A_92, %get3A_93] : memref<4x128xf32, #tpu.memory_space<vmem>>, vector<1x128xf32>
    %get3A_95 = vector.shape_cast %get3A_94 : vector<1x128xf32> to vector<128xf32>
    %broadcast_in_dim3A_96 = vector.shape_cast %get3A_95 : vector<128xf32> to vector<1x128xf32>
    %mul3A_97 = vector.broadcast %broadcast_in_dim3A_91 : vector<1000x1xf32> to vector<1000x128xf32>
    %mul3A_98 = vector.broadcast %broadcast_in_dim3A_96 : vector<1x128xf32> to vector<1000x128xf32>
    %mul3A_99 = arith.mulf %mul3A_97, %mul3A_98 : vector<1000x128xf32>
    %add3A_100 = arith.addf %add3A_88, %mul3A_99 : vector<1000x128xf32>
    %get3A_101 = arith.constant 0 : index
    %get3A_102 = arith.constant 3 : index
    %get3A_103 = arith.constant 0 : index
    %get3A_104 = arith.constant 0 : index
    %get3A_105 = vector.load %arg1[%get3A_101, %get3A_102, %get3A_103, %get3A_104] : memref<2x4x1000x128xf32, #tpu.memory_space<vmem>>, vector<1x1x1000x128xf32>
    %get3A_106 = vector.shape_cast %get3A_105 : vector<1x1x1000x128xf32> to vector<1000x128xf32>
    %get3A_107 = arith.constant 1 : index
    %get3A_108 = arith.constant 3 : index
    %get3A_109 = arith.constant 0 : index
    %get3A_110 = arith.constant 0 : index
    %get3A_111 = vector.load %arg1[%get3A_107, %get3A_108, %get3A_109, %get3A_110] : memref<2x4x1000x128xf32, #tpu.memory_space<vmem>>, vector<1x1x1000x128xf32>
    %get3A_112 = vector.shape_cast %get3A_111 : vector<1x1x1000x128xf32> to vector<1000x128xf32>
    %add3A_113 = arith.addf %get3A_106, %get3A_112 : vector<1000x128xf32>
    %get3A_114 = arith.constant 3 : index
    %get3A_115 = arith.constant 0 : index
    %get3A_116 = arith.constant 0 : index
    %get3A_117 = vector.load %arg4[%get3A_114, %get3A_115, %get3A_116] : memref<4x128x128xf32, #tpu.memory_space<vmem>>, vector<1x128x128xf32>
    %get3A_118 = vector.shape_cast %get3A_117 : vector<1x128x128xf32> to vector<128x128xf32>
    %dot_general3A_119 = arith.constant dense<0.000000e+00> : vector<1000x128xf32>
    %dot_general3A_120 = tpu.matmul %add3A_113, %get3A_118, %dot_general3A_119 {dimension_numbers = #tpu.dot_dimension_numbers<[1], [0], [0], [1], [0, 0, 1, 1], [], []>, transpose_lhs_hint = false} : vector<1000x128xf32>, vector<128x128xf32>, vector<1000x128xf32> -> vector<1000x128xf32>
    %add3A_121 = arith.addf %add3A_100, %dot_general3A_120 : vector<1000x128xf32>
    %slice3A_122 = vector.extract_strided_slice %reduce_sum3A_7 {offsets = [3, 0], sizes = [1, 1000], strides = [1, 1]} : vector<4x1000xf32> to vector<1x1000xf32>
    %squeeze3A_123 = vector.shape_cast %slice3A_122 : vector<1x1000xf32> to vector<1000xf32>
    %broadcast_in_dim3A_124 = vector.shape_cast %squeeze3A_123 : vector<1000xf32> to vector<1000x1xf32>
    %get3A_125 = arith.constant 3 : index
    %get3A_126 = arith.constant 0 : index
    %get3A_127 = vector.load %arg5[%get3A_125, %get3A_126] : memref<4x128xf32, #tpu.memory_space<vmem>>, vector<1x128xf32>
    %get3A_128 = vector.shape_cast %get3A_127 : vector<1x128xf32> to vector<128xf32>
    %broadcast_in_dim3A_129 = vector.shape_cast %get3A_128 : vector<128xf32> to vector<1x128xf32>
    %mul3A_130 = vector.broadcast %broadcast_in_dim3A_124 : vector<1000x1xf32> to vector<1000x128xf32>
    %mul3A_131 = vector.broadcast %broadcast_in_dim3A_129 : vector<1x128xf32> to vector<1000x128xf32>
    %mul3A_132 = arith.mulf %mul3A_130, %mul3A_131 : vector<1000x128xf32>
    %add3A_133 = arith.addf %add3A_121, %mul3A_132 : vector<1000x128xf32>
    %max3A = arith.constant 0.000000e+00 : f32
    %max3A_134 = vector.broadcast %max3A : f32 to vector<1000x128xf32>
    %max3A_135 = arith.maximumf %add3A_133, %max3A_134 : vector<1000x128xf32>
    %reduce_sum3A_136 = arith.constant dense<0.000000e+00> : vector<1000xf32>
    %reduce_sum3A_137 = vector.multi_reduction <add>, %max3A_135, %reduce_sum3A_136 [1] : vector<1000x128xf32> to vector<1000xf32>
    %broadcast_in_dim3A_138 = vector.shape_cast %reduce_sum3A_137 : vector<1000xf32> to vector<1000x1xf32>
    %div3A = arith.constant 1.280000e+02 : f32
    %div3A_139 = vector.broadcast %div3A : f32 to vector<1000x1xf32>
    %div3A_140 = arith.divf %broadcast_in_dim3A_138, %div3A_139 : vector<1000x1xf32>
    %sub3A = vector.broadcast %div3A_140 : vector<1000x1xf32> to vector<1000x128xf32>
    %sub3A_141 = arith.subf %max3A_135, %sub3A : vector<1000x128xf32>
    %integer_pow3A = arith.mulf %sub3A_141, %sub3A_141 : vector<1000x128xf32>
    %reduce_sum3A_142 = arith.constant dense<0.000000e+00> : vector<1000xf32>
    %reduce_sum3A_143 = vector.multi_reduction <add>, %integer_pow3A, %reduce_sum3A_142 [1] : vector<1000x128xf32> to vector<1000xf32>
    %broadcast_in_dim3A_144 = vector.shape_cast %reduce_sum3A_143 : vector<1000xf32> to vector<1000x1xf32>
    %div3A_145 = arith.constant 1.280000e+02 : f32
    %div3A_146 = vector.broadcast %div3A_145 : f32 to vector<1000x1xf32>
    %div3A_147 = arith.divf %broadcast_in_dim3A_144, %div3A_146 : vector<1000x1xf32>
    %sub3A_148 = vector.broadcast %div3A_140 : vector<1000x1xf32> to vector<1000x128xf32>
    %sub3A_149 = arith.subf %max3A_135, %sub3A_148 : vector<1000x128xf32>
    %add3A_150 = arith.constant 9.99999974E-6 : f32
    %add3A_151 = vector.broadcast %add3A_150 : f32 to vector<1000x1xf32>
    %add3A_152 = arith.addf %div3A_147, %add3A_151 : vector<1000x1xf32>
    %rsqrt3A = math.rsqrt %add3A_152 : vector<1000x1xf32>
    %mul3A_153 = vector.broadcast %rsqrt3A : vector<1000x1xf32> to vector<1000x128xf32>
    %mul3A_154 = arith.mulf %sub3A_149, %mul3A_153 : vector<1000x128xf32>
    %get3A_155 = arith.constant 0 : index
    %get3A_156 = arith.constant 0 : index
    %get3A_157 = vector.load %arg6[%get3A_155, %get3A_156] : memref<1x128xf32, #tpu.memory_space<vmem>>, vector<1x128xf32>
    %mul3A_158 = vector.broadcast %get3A_157 : vector<1x128xf32> to vector<1000x128xf32>
    %mul3A_159 = arith.mulf %mul3A_154, %mul3A_158 : vector<1000x128xf32>
    %get3A_160 = arith.constant 0 : index
    %get3A_161 = arith.constant 0 : index
    %get3A_162 = vector.load %arg7[%get3A_160, %get3A_161] : memref<1x128xf32, #tpu.memory_space<vmem>>, vector<1x128xf32>
    %add3A_163 = vector.broadcast %get3A_162 : vector<1x128xf32> to vector<1000x128xf32>
    %add3A_164 = arith.addf %mul3A_159, %add3A_163 : vector<1000x128xf32>
    %swap3A = arith.constant 0 : index
    %swap3A_165 = arith.constant 0 : index
    %swap3A_166 = vector.load %arg8[%swap3A, %swap3A_165] : memref<1000x128xf32, #tpu.memory_space<vmem>>, vector<1000x128xf32>
    tpu.vector_store %arg8[%swap3A, %swap3A_165], %add3A_164 {strides = array<i32>} : memref<1000x128xf32, #tpu.memory_space<vmem>>, vector<1000x128xf32>,
    return
  }
  func.func @transform_0(%arg0: i32) -> (i32, i32, i32, i32) {
    %c0_i32 = arith.constant 0 : i32
    %c0_i32_0 = arith.constant 0 : i32
    %c0_i32_1 = arith.constant 0 : i32
    %c0_i32_2 = arith.constant 0 : i32
    return %c0_i32, %c0_i32_0, %arg0, %c0_i32_1 : i32, i32, i32, i32
  }
  func.func @transform_1(%arg0: i32) -> (i32, i32, i32, i32) {
    %c0_i32 = arith.constant 0 : i32
    %c0_i32_0 = arith.constant 0 : i32
    %c0_i32_1 = arith.constant 0 : i32
    %c0_i32_2 = arith.constant 0 : i32
    return %c0_i32, %c0_i32_0, %arg0, %c0_i32_1 : i32, i32, i32, i32
  }
  func.func @transform_2(%arg0: i32) -> (i32, i32) {
    %c0_i32 = arith.constant 0 : i32
    %c0_i32_0 = arith.constant 0 : i32
    return %arg0, %c0_i32 : i32, i32
  }
  func.func @transform_3(%arg0: i32) -> (i32, i32, i32) {
    %c0_i32 = arith.constant 0 : i32
    %c0_i32_0 = arith.constant 0 : i32
    %c0_i32_1 = arith.constant 0 : i32
    %c0_i32_2 = arith.constant 0 : i32
    return %c0_i32, %c0_i32_0, %c0_i32_1 : i32, i32, i32
  }
  func.func @transform_4(%arg0: i32) -> (i32, i32) {
    %c0_i32 = arith.constant 0 : i32
    %c0_i32_0 = arith.constant 0 : i32
    %c0_i32_1 = arith.constant 0 : i32
    return %c0_i32, %c0_i32_0 : i32, i32
  }
  func.func @transform_5(%arg0: i32) -> (i32, i32) {
    %c0_i32 = arith.constant 0 : i32
    %c0_i32_0 = arith.constant 0 : i32
    %c0_i32_1 = arith.constant 0 : i32
    return %c0_i32, %c0_i32_0 : i32, i32
  }
  func.func @transform_6(%arg0: i32) -> (i32, i32) {
    %c0_i32 = arith.constant 0 : i32
    %c0_i32_0 = arith.constant 0 : i32
    %c0_i32_1 = arith.constant 0 : i32
    return %c0_i32, %c0_i32_0 : i32, i32
  }
  func.func @transform_7(%arg0: i32) -> (i32, i32) {
    %c0_i32 = arith.constant 0 : i32
    %c0_i32_0 = arith.constant 0 : i32
    return %arg0, %c0_i32 : i32, i32
  }
}

</mosaic_0001>

<sc_bundles>
// kernel: kernel.5.cloned.1.call-start
scs
__scs_entry_jumppad:
0x0: {  	(pc) =	sbr.rel $0x88, $3  }
0x1: {  	(tag) =	ssettag $0x0;
	lr =	simm.s32 $0x1  }
0x2: {  	[smem:$0x3F96] =	sst lr;
	_ =	strace $0xD0000000  }
0x3: {  	_ = 	snop  }
0x4: {  	_ = 	snop  }
0x5: {  	_ = 	snop  }
0x6: {  	_ = 	snop  }
0x7: {  	_ = 	snop  }
__scs_overlays_trampoline_lowered:
0x8: {  	[smem:$0x3FA5] =	sst s0  }
0x9: {  	[smem:$0x3FA6] =	sst s1  }
0xa: {  	[smem:$0x3FA7] =	sst s2  }
0xb: {  	[smem:$0x3FA8] =	sst s3  }
0xc: {  	[smem:$0x3FA9] =	sst s4  }
0xd: {  	[smem:$0x3FAA] =	sst s5  }
0xe: {  	[smem:$0x3FAB] =	sst s6  }
0xf: {  	[smem:$0x3FAC] =	sst s7  }
0x10: {  	[smem:$0x3FAD] =	sst s8  }
0x11: {  	[smem:$0x3FAE] =	sst s9;
	s0 =	simm.s32 @!p0 $0x0  }
0x12: {  	s1 =	sld [smem:$0x3F94];
	s0 =	simm.s32 @p0 $0x1  }
0x13: {  	[smem:$0x3FAF] =	sst s0;
	s0 =	simm.s32 @!p1 $0x0  }
0x14: {  	s2 =	sld [smem:$0x3F93];
	s0 =	simm.s32 @p1 $0x1  }
0x15: {  	[smem:$0x3FB0] =	sst s0;
	s0 =	simm.s32 @!p2 $0x0  }
0x16: {  	s3 =	sld [smem:$0x3FDB];
	s0 =	simm.s32 @p2 $0x1  }
0x17: {  	s4 =	simm.s32 $0x1BF5;
	[smem:$0x3FB2] =	sst s0  }
0x18: {  	s0 =	sld [smem:$0x3F95];
	_ =	swait.ge [sflag:s4], $0x0  }
0x19: {  	s7 =	sld [smem:$0x3F96]  }
0x1a: {  	s8 =	sadd.s32 $0xFFFFE003, lr  }
0x1b: {  	s9 =	sadd.s32 $0xFFFFFEF7, lr;
	s5 =	simm.s32 $0xFFFFFFFF;
	p2 =	slt.u32 s8, $0xFFFFF086  }
0x1c: {  	p1 =	slt.u32 s9, $0xF7A;
	s5 =	simm.s32 @!p2 $0x0  }
0x1d: {  	s5 =	simm.s32 @p1 $0x1;
	p0 =	seq.s32 s7, s2  }
0x1e: {  	s7 =	smul.u32 @!p0 $0xF7A, s2;
	p2 =	seq.s32 @!p0 s5, $0x0  }
0x1f: {  	s9 =	smul.u32 $0xF7A, s1;
	s8 =	simm.s32 @!p0 $0x1BF5;
	p2 =	por !p2, p0  }
0x20: {  	[sflag:s8] =	ssyncset.s32 @!p0 $0xFFFFF086;
	s6 =	sadd.s32 @!p0 s3, s7;
	s7 =	simm.s32 @!p0 $0x108  }
0x21: {  	s3 =	sadd.s32 s3, s9;
	s6 =	sadd.s32 @!p0 $0x88, s6;
	s7 =	simm.s32 @p2 $0x1082  }
0x22: {  	[simem:s7], [sflag:s8] =	dma.local @!p0 [hbm:s6], $0xF7A  }
0x23: {  	s9 =	sor.u32 $0xD0000000, s2;
	s6 =	simm.s32 $0x108;
	_ =	swait.ge @!p0 [sflag:s8], $0x0  }
0x24: {  	s3 =	sadd.s32 $0x88, s3;
	s6 =	simm.s32 @!p1 $0x1082;
	[sflag:s4] =	ssyncset.s32 $0xFFFFF086  }
0x25: {  	[simem:s6], [sflag:s4] =	dma.local [hbm:s3], $0xF7A  }
0x26: {  	[smem:$0x3F96] =	sst s1;
	(tag) =	ssettag s2;
	_ =	strace s9  }
0x27: {  	s1 =	sld [smem:$0x3FA6]  }
0x28: {  	s2 =	sld [smem:$0x3FA7]  }
0x29: {  	s4 =	sld [smem:$0x3FA9]  }
0x2a: {  	p0 =	seq.s32 s5, $0x0;
	s5 =	sld [smem:$0x3FAA]  }
0x2b: {  	s6 =	sld [smem:$0x3FAB]  }
0x2c: {  	s7 =	sld [smem:$0x3FAC]  }
0x2d: {  	s3 =	simm.s32 $0x108;
	s8 =	sld [smem:$0x3FAD]  }
0x2e: {  	s3 =	simm.s32 @!p0 $0x1082;
	s9 =	sld [smem:$0x3FAE]  }
0x2f: {  	lr =	sadd.s32 s0, s3;
	s0 =	sld [smem:$0x3FA5]  }
0x30: {  	s3 =	sld [smem:$0x3FA8]  }
0x31: {  	[smem:$0x3FB1] =	sst s10  }
0x32: {  	s10 =	sld [smem:$0x3FAF];
	_ =	sdelay $0x3  }
0x33: {  	p0 =	seq.s32 s10, $0x1;
	s10 =	sld [smem:$0x3FB1];
	_ =	sdelay $0x3  }
0x34: {  	[smem:$0x3FB1] =	sst s10  }
0x35: {  	s10 =	sld [smem:$0x3FB0];
	_ =	sdelay $0x3  }
0x36: {  	p1 =	seq.s32 s10, $0x1;
	s10 =	sld [smem:$0x3FB1];
	_ =	sdelay $0x3  }
0x37: {  	[smem:$0x3FB1] =	sst s10  }
0x38: {  	s10 =	sld [smem:$0x3FB2]  }
0x39: {  	_ = 	snop;
	(pc) =	sbr.ind lr, $3  }
0x3a: {  	_ = 	snop  }
0x3b: {  	_ = 	snop  }
0x3c: {  	p2 =	seq.s32 s10, $0x1;
	s10 =	sld [smem:$0x3FB1]  }
0x3d: {  	_ =	shalt  }
0x3e: {  	_ =	shalt  }
0x3f: {  	_ =	shalt  }
0x40: {  	_ =	shalt  }
0x41: {  	_ =	shalt  }
0x42: {  	_ =	shalt  }
0x43: {  	_ =	shalt  }
0x44: {  	_ =	shalt  }
0x45: {  	_ =	shalt  }
0x46: {  	_ =	shalt  }
0x47: {  	_ =	shalt  }
0x48: {  	_ =	shalt  }
0x49: {  	_ =	shalt  }
0x4a: {  	_ =	shalt  }
0x4b: {  	_ =	shalt  }
0x4c: {  	_ =	shalt  }
0x4d: {  	_ =	shalt  }
0x4e: {  	_ =	shalt  }
0x4f: {  	_ =	shalt  }
0x50: {  	_ =	shalt  }
0x51: {  	_ =	shalt  }
0x52: {  	_ =	shalt  }
0x53: {  	_ =	shalt  }
0x54: {  	_ =	shalt  }
0x55: {  	_ =	shalt  }
0x56: {  	_ =	shalt  }
0x57: {  	_ =	shalt  }
0x58: {  	_ =	shalt  }
0x59: {  	_ =	shalt  }
0x5a: {  	_ =	shalt  }
0x5b: {  	_ =	shalt  }
0x5c: {  	_ =	shalt  }
0x5d: {  	_ =	shalt  }
0x5e: {  	_ =	shalt  }
0x5f: {  	_ =	shalt  }
0x60: {  	_ =	shalt  }
0x61: {  	_ =	shalt  }
0x62: {  	_ =	shalt  }
0x63: {  	_ =	shalt  }
0x64: {  	_ =	shalt  }
0x65: {  	_ =	shalt  }
0x66: {  	_ =	shalt  }
0x67: {  	_ =	shalt  }
0x68: {  	_ =	shalt  }
0x69: {  	_ =	shalt  }
0x6a: {  	_ =	shalt  }
0x6b: {  	_ =	shalt  }
0x6c: {  	_ =	shalt  }
0x6d: {  	_ =	shalt  }
0x6e: {  	_ =	shalt  }
0x6f: {  	_ =	shalt  }
0x70: {  	_ =	shalt  }
0x71: {  	_ =	shalt  }
0x72: {  	_ =	shalt  }
0x73: {  	_ =	shalt  }
0x74: {  	_ =	shalt  }
0x75: {  	_ =	shalt  }
0x76: {  	_ =	shalt  }
0x77: {  	_ =	shalt  }
0x78: {  	_ =	shalt  }
0x79: {  	_ =	shalt  }
0x7a: {  	_ =	shalt  }
0x7b: {  	_ =	shalt  }
0x7c: {  	_ =	shalt  }
0x7d: {  	_ =	shalt  }
0x7e: {  	_ =	shalt  }
0x7f: {  	_ =	shalt  }
0x80: {  	_ =	shalt  }
0x81: {  	_ =	shalt  }
0x82: {  	_ =	shalt  }
0x83: {  	_ =	shalt  }
0x84: {  	_ =	shalt  }
0x85: {  	_ =	shalt  }
0x86: {  	_ =	shalt  }
0x87: {  	_ =	shalt  }
.Lfunc_end0:
.L_simem_size_0:
called_computation_lowered:
.L_overlay_start_0:
0x88: {  	s2 =	sld [smem:$0x3FD9]  }
0x89: {  	s3 =	sld [smem:$0x3FFE];
	_ =	sdelay $0x1  }
0x8a: {  	s1 =	srdreg.scid  }
0x8b: {  	s0 =	sand.u32 $0x1, s1  }
0x8c: {  	s17 =	sshll.u32 s0, $0xA;
	s2 =	sadd.s32 s3, s2  }
0x8d: {  	s2 =	sadd.s32 s2, s17  }
0x8e: {  	[smem:$0x3FBD] =	sst s2  }
0x8f: {  	_ = 	snop  }
0x90: {  	s2 =	sld [smem:$0x3FD0];
	(tm) =	ssettm $0x1  }
0x91: {  	s18 =	sld [smem:$0x3FFB];
	_ =	sdelay $0x3  }
0x92: {  	_ =	strace s18  }
0x93: {  	s3 =	sld [smem:$0x3FFC];
	_ =	sdelay $0x3  }
0x94: {  	_ =	strace s3  }
0x95: {  	s3 =	sld [smem:$0x3FFD];
	_ =	sdelay $0x3  }
0x96: {  	_ =	strace s3  }
0x97: {  	_ =	strace $0x8FFFFFFF  }
0x98: {  	s19 =	sld [smem:$0x3FDB];
	_ =	sdelay $0x1  }
0x99: {  	s4 =	simm.s32 $_scs_section_size  }
0x9a: {  	s5 =	simm.s32 $_size__tile_overlayer_lowered;
	s6 =	simm.s32 $_tile_overlayer_lowered  }
0x9b: {  	s22 =	simm.s32 $0x1BFF;
	s21 =	sshll.u32 s6, $0x1;
	s3 =	sadd.s32 s4, s19  }
0x9c: {  	s7 =	simm.s32 $0x0;
	s20 =	sshll.u32 s5, $0x1;
	s5 =	sadd.s32 s21, s3  }
0x9d: {  	[timem:s7], [sflag:s22] =	dma.local [hbm:s5], s20  }
0x9e: {  	_ =	swait.ge [sflag:s22], s20  }
0x9f: {  	s4 =	ssub.s32 $0x0, s20;
	[sflag:s22] =	ssyncset.done $0x0  }
0xa0: {  	[sflag:s22] =	ssyncadd.s32 s4;
	_ =	sdelay $0x1  }
0xa1: {  	s23 =	simm.s32 $0x1B8B  }
0xa2: {  	_ =	swait.ge [sflag:s23], $0x1  }
0xa3: {  	[sflag:s23] =	ssyncset.done $0x0  }
0xa4: {  	s25 =	simm.s32 $0x1B8E;
	s24 =	sld [smem:$0x3FFE];
	[sflag:s23] =	ssyncadd.s32 $0xFFFFFFFF  }
0xa5: {  	s26 =	simm.s32 $execute0_lowered;
	[smem:$0x3FD2] =	sst s25  }
0xa6: {  	s5 =	sshll.u32 s26, $0x1;
	_ =	strace $0x80000046;
	[dreg:$0x1] =	wrdreg $0xFFFFFFFF  }
0xa7: {  	s28 =	simm.s32 $_size_execute0_lowered;
	s3 =	sadd.s32 s3, s5;
	[dreg:$0x0] =	wrdreg $0x0  }
0xa8: {  	s5 =	sshll.u32 s28, $0x1;
	[dreg:$0x2] =	wrdreg s3  }
0xa9: {  	[dreg:$0x3] =	wrdreg s5  }
0xaa: {  	[dreg:$0x4] =	wrdreg $0xC0  }
0xab: {  	_ =	task [dreg:s7], $0x5FFFF  }
0xac: {  	[dreg:$0x1] =	wrdreg $0xFFFFFFFF  }
0xad: {  	[dreg:$0x0] =	wrdreg $0x60  }
0xae: {  	[dreg:$0x2] =	wrdreg s24  }
0xaf: {  	[dreg:$0x3] =	wrdreg s2  }
0xb0: {  	[dreg:$0x4] =	wrdreg $0xF7800  }
0xb1: {  	[dreg:$0x5] =	wrdreg $0x9  }
0xb2: {  	_ =	task.clear_ibuf [dreg:s7], $0x6FFFF;
	_ =	strace $0x90000046  }
0xb3: {  	s29 =	simm.s32 $0x9;
	_ =	strace $0x80000048  }
0xb4: {  	_ =	swait.ge [sflag:s29], $0x1  }
0xb5: {  	[sflag:s29] =	ssyncadd.s32 $0xFFFFFFFF  }
0xb6: {  	_ =	strace $0x90000048  }
0xb7: {  	_ =	sfence  }
0xb8: {  	s30 =	sld [smem:$0x0];
	_ =	sdelay $0x2  }
0xb9: {  	s31 =	sshll.u32 s1, $0xD;
	s1 =	sshrl.u32 s1, $0x2  }
0xba: {  	s3 =	sand.u32 $0x4000, s31;
	s1 =	sadd.s32 s1, s30  }
0xbb: {  	s0 =	sor.u32 s3, s0;
	s1 =	sshll.u32 s1, $0x11  }
0xbc: {  	s0 =	sor.u32 s1, s0  }
0xbd: {  	s0 =	sadd.s32 $0x8F2B, s0  }
0xbe: {  	[sflag:s0] =	ssyncadd.remote.s32 $0x1  }
0xbf: {  	_ =	sfence.sel $0xFFFF  }
0xc0: {  	[dreg:$0x0] =	wrdreg $0xFFFFFFFF;
	(pc) =	sbr.abs _section_cstart, $3  }
0xc1: {  	[dreg:$0x1] =	wrdreg $0xFFFFFFFF  }
0xc2: {  	_ =	task.clear_ibuf [dreg:s7], $0x2FFFF;
	_ =	strace $0x9FFFFFFF  }
0xc3: {  	(tm) =	ssettm $0x7FFFFFFF  }
tec
execute0_lowered:
.L_overlay_start_1:
0x0: {  	(tag) =	ssettag $0x1  }
0x1: {  	s0 =	rddreg [dreg:$0x0]  }
0x2: {  	s2 =	rddreg [dreg:$0x1]  }
0x3: {  	s1 =	rddreg [dreg:$0x2];
	s3 =	simm.s32 $0x0;
	s25 =	srdreg.scid  }
0x4: {  	s10 =	stileid.u32;
	[smem:$0x7FF] =	sst s3  }
0x5: {  	s4 =	sadd.s32 $0x13A600, s0;
	s3 =	sand.u32 $0x1, s25;
	s5 =	sadd.s32 $0x1E00, s0  }
0x6: {  	s8 =	smul.u32 $0x28000, s10;
	s9 =	sadd.s32 $0x1D6A00, s0;
	s0 =	sadd.s32 $0x9E200, s0  }
0x7: {  	s12 =	smul.u32 $0x140, s10;
	_ =	strace $0x80000047;
	[dreg:$0x4] =	wrdreg s9  }
0x8: {  	s6 =	sshll.u32 s3, $0x4;
	s7 =	ssub.s32 $0x2, s3;
	[dreg:$0x5] =	wrdreg s0  }
0x9: {  	s25 =	smul.u32 $0x500000, s3;
	s6 =	sor.u32 s10, s6;
	s26 =	sshrl.u32 s7, $0x1  }
0xa: {  	s11 =	sshrl.u32 s8, $0x2;
	[dreg:$0x7] =	wrdreg s12;
	s9 =	ssub.s32 s7, s26  }
0xb: {  	s10 =	sadd.s32 s11, s1;
	[dreg:$0x14] =	wrdreg s25;
	s26 =	sshll.u32 s3, $0x3  }
0xc: {  	v0 =	vimm.s32 $0xEDCBA987;
	s13 =	sadd.s32 $0x800, s10;
	[dreg:$0x15] =	wrdreg s26  }
0xd: {  	v1 =	vimm.s32 $0x65432100;
	v0 =	vunpack.c.l.s4.s8 v0;
	s6 =	smul.u32 $0x4E2, s6;
	s14 =	sadd.s32 $0x1000, s10;
	[dreg:$0x8] =	wrdreg s13  }
0xe: {  	v3 =	vimm.s32 $0xDCBA9876;
	v1 =	vunpack.c.l.s4.s8 v1;
	s25 =	simm.s32 $0x19;
	s15 =	sadd.s32 $0x1800, s10;
	[dreg:$0x9] =	wrdreg s14  }
0xf: {  	v6 =	vimm.s32 $0xE40000;
	v3 =	vunpack.c.l.s4.s8 v3;
	v2 =	vunpack.c.0.s8.s32 v0;
	s3 =	simm.s32 $0x2780;
	s16 =	sadd.s32 $0x2000, s10;
	[dreg:$0xa] =	wrdreg s15  }
0x10: {  	v7 =	vimm.s32 $0x32100000;
	v4 =	vunpack.c.0.s8.s32 v1;
	v1 =	vimm.s32 $0x54321000;
	s7 =	simm.s32 $0x10;
	s17 =	sadd.s32 $0x2800, s10;
	[dreg:$0xb] =	wrdreg s16  }
0x11: {  	v3 =	vunpack.c.0.s8.s32 v3;
	v5 =	vunpack.c.l.s4.s8 v1;
	s11 =	simm.s32 $0x0;
	s18 =	sadd.s32 $0x3000, s10;
	v2 =	vand.u32 $0xF, v2;
	[dreg:$0xc] =	wrdreg s17  }
0x12: {  	vm0 =	vmmov $0x3;
	s19 =	sadd.s32 $0x3800, s10;
	s20 =	sadd.s32 $0x4000, s10;
	[dreg:$0xd] =	wrdreg s18;
	v2 =	vcombine.low v4, v2;
	v4 =	vunpack.c.l.s2.s4 v6  }
0x13: {  	s21 =	sadd.s32 $0x4800, s10;
	s22 =	sadd.s32 $0x5000, s10;
	[dreg:$0xe] =	wrdreg s19;
	v5 =	vunpack.c.0.s8.s32 v5;
	v6 =	vand.u32 $0xF, v3;
	v3 =	vimm.s32 $0xBA987654  }
0x14: {  	vm2 =	vcmask $0x3F30;
	s23 =	sadd.s32 $0x5800, s10;
	s24 =	sadd.s32 $0x6000, s10;
	[dreg:$0xf] =	wrdreg s20;
	v8 =	vunpack.c.l.s4.s8 v3;
	v9 =	vunpack.c.l.s4.s8 v4  }
0x15: {  	vm1 =	vmmov $0xf;
	s0 =	smax.u32 s9, $0x1;
	s26 =	sadd.s32 $0x6800, s10;
	[dreg:$0x10] =	wrdreg s21;
	v4 =	vcombine.low v5, v6;
	v5 =	vunpack.c.l.s4.s8 v7  }
.Ltmp0:
0x16: {  	s28 =	sadd.s32 $0x7000, s10;
	[dreg:$0x11] =	wrdreg s22;
	v7 =	vimm.s32 $0x7060504;
	v6 =	vunpack.c.0.s8.s32 v8;
	v8 =	vunpack.c.0.s8.s32 v9;
	(pc) =	sbr.rel .LBB2_1-.Ltmp0, $4  }
0x17: {  	v0 =	vimm.f32 $0.0e+00;
	s29 =	sadd.s32 $0x7800, s10;
	s30 =	sadd.s32 $0x8000, s10;
	[dreg:$0x12] =	wrdreg s23;
	v7 =	vunpack.c.0.s8.s32 v7;
	v5 =	vunpack.c.0.s8.s32 v5  }
0x18: {  	v1 =	vimm.s32 $0x0;
	s31 =	sadd.s32 $0x8800, s10;
	s8 =	sadd.s32 $0x9800, s10;
	[dreg:$0x13] =	wrdreg s24;
	v6 =	vand.u32 $0xF, v6;
	v8 =	vand.u32 $0x3, v8  }
0x19: {  	s2 =	sadd.s32 s2, s6;
	[dreg:$0x16] =	wrdreg s0;
	s0 =	sadd.s32 $0x9000, s10;
	v3 =	vlaneseq.u32;
	v5 =	vcombine.low v5, v6;
	v6 =	vsel vm2, v7, v8  }
0x1a: {  	s6 =	simm.s32 $0xE300;
	[dreg:$0x6] =	wrdreg s2;
	s2 =	simm.s32 $0xDB00;
	vm2 =	vmmov $0xff;
	v7 =	vimm.s32 $0xF;
	v8 =	vimm.s32 $0x14000000  }
.LBB2_30:
0x1b: {  	s11 =	rddreg [dreg:$0x17]  }
0x1c: {  	s9 =	rddreg [dreg:$0x16];
	s11 =	sadd.s32 $0x1, s11  }
0x1d: {  	p0 =	sne.s32 s11, s9  }
.Ltmp1:
0x1e: {  	_ = 	snop;
	(pc) =	sbr.rel @!p0 .LBB2_31-.Ltmp1, $1  }
0x1f: {  	_ =	sdelay $0x3  }
.LBB2_1:
0x20: {  	[dreg:$0x17] =	wrdreg s11  }
0x21: {  	s24 =	simm.s32 $0x0;
	s9 =	rddreg [dreg:$0x6]  }
0x22: {  	[tilespmem:s24], [sflag:$0x19] =	stream.linear.gather [hbm4b:s9+s24], $0x2710, $0x38;
	[tilespmem:$0x19800] =	vst v63  }
0x23: {  	_ =	swait.ge [sflag:s25], $0x2710  }
0x24: {  	s12 =	simm.s32 $0x0;
	[sflag:s25] =	ssyncset.done $0x0  }
0x25: {  	s9 =	simm.s32 $0x0;
	s11 =	sand.u32 $0x7C0, s24;
	[sflag:s25] =	ssyncadd.s32 $0xFFFFD8F0  }
.LBB2_2:
0x26: {  	s9 =	sadd.s32 $0x4, s9  }
0x27: {  	[tilespmem:s11+$0xDB30] =	vst v0;
	s12 =	sadd.s32 $0x40, s12;
	p0 =	slt.u32 s9, $0x7C  }
.Ltmp2:
0x28: {  	[tilespmem:s11+$0xDB20] =	vst v0;
	(pc) =	sbr.rel @p0 .LBB2_2-.Ltmp2, $3  }
0x29: {  	[tilespmem:s11+$0xDB00] =	vst v0  }
0x2a: {  	[tilespmem:s11+$0xDB10] =	vst v0;
	_ =	sdelay $0x1  }
0x2b: {  	s11 =	sand.u32 $0x7C0, s12  }
.Ltmp3:
0x2c: {  	(pc) =	sbr.rel .LBB2_4-.Ltmp3, $4  }
0x2d: {  	[tilespmem:s11+$0xDB30] =	vst v0  }
0x2e: {  	[tilespmem:s11+$0xDB20] =	vst v0  }
0x2f: {  	[tilespmem:s11+$0xDB00] =	vst v0  }
0x30: {  	s9 =	simm.s32 $0x0;
	[tilespmem:s11+$0xDB10] =	vst v0  }
.LBB2_27:
0x31: {  	s15 =	sadd.s32 $0x1, s14  }
0x32: {  	s15 =	sand.u32 $0x7, s15  }
0x33: {  	s15 =	sadd.s32 $0x11, s15  }
0x34: {  	_ =	swait.ge [sflag:s15], $0x800  }
0x35: {  	[sflag:s15] =	ssyncset.done $0x0  }
0x36: {  	[sflag:s15] =	ssyncadd.s32 $0xFFFFF800  }
.LBB2_28:
0x37: {  	p0 =	slt.s32 s14, $0x8  }
0x38: {  	s14 =	sand.u32 @!p0 $0x7, s14  }
0x39: {  	s14 =	sadd.s32 @!p0 $0x11, s14  }
0x3a: {  	_ =	swait.ge @!p0 [sflag:s14], $0x800  }
0x3b: {  	[sflag:s14] =	ssyncset.done @!p0 $0x0  }
0x3c: {  	[sflag:s14] =	ssyncadd.s32 @!p0 $0xFFFFF800  }
.LBB2_29:
0x3d: {  	s13 =	smul.u32 $0x140000, s13;
	s14 =	rddreg [dreg:$0x7]  }
0x3e: {  	s18 =	rddreg [dreg:$0x14];
	s12 =	sadd.s32 s14, s12  }
0x3f: {  	s13 =	sadd.s32 s18, s13;
	s12 =	sshll.u32 s12, $0x7  }
0x40: {  	[bflag:$0x0] =	sbarrier.arrive $0xFFFF;
	s15 =	stileid.u32;
	s12 =	sadd.s32 s12, s13  }
0x41: {  	s19 =	sshll.u32 s15, $0x6;
	s20 =	rddreg [dreg:$0x4];
	s12 =	sshrl.u32 s12, $0x3  }
0x42: {  	s21 =	sshrl.u32 s10, $0x3;
	s13 =	sor.u32 $0x1C19, s19;
	s12 =	sadd.s32 s20, s12  }
0x43: {  	[hbm:s12], [sflag:s13] =	dma.local [spmem:s21], $0x1400  }
0x44: {  	s22 =	sand.u32 $0x6, s9;
	s13 =	rddreg [dreg:$0x15]  }
0x45: {  	s12 =	sor.u32 s13, s22  }
0x46: {  	s11 =	sor.u32 s11, s12  }
0x47: {  	s11 =	sshll.u32 s11, $0x4  }
0x48: {  	s11 =	sor.u32 s15, s11  }
0x49: {  	s24 =	simm.s32 $0x0;
	_ =	swait.ge [sflag:s25], $0x1400;
	s11 =	smul.u32 $0x282, s11  }
0x4a: {  	s9 =	sadd.s32 $0x1, s9;
	[sflag:s25] =	ssyncset.done $0x0;
	s23 =	rddreg [dreg:$0x5]  }
0x4b: {  	p0 =	sne.s32 s9, $0x8;
	[sflag:s25] =	ssyncadd.s32 $0xFFFFEC00;
	s11 =	sadd.s32 s23, s11  }
0x4c: {  	[hbm4b:s11+s24] =	stream.linear.scatter [tilespmem:s6], [sflag:$0x19], $0x1410, $0x38;
	[tilespmem:$0x19800] =	vst v63  }
.Ltmp4:
0x4d: {  	_ =	swait.ge [sflag:s25], $0x1410;
	(pc) =	sbr.rel @!p0 .LBB2_30-.Ltmp4, $4  }
0x4e: {  	[sflag:s25] =	ssyncset.done $0x0  }
0x4f: {  	[sflag:s25] =	ssyncadd.s32 $0xFFFFEBF0  }
0x50: {  	[bflag:$0x0] =	sbarrier.arrive $0xFFFF  }
0x51: {  	s13 =	stileid.u32  }
.LBB2_4:
0x52: {  	s11 =	simm.s32 $0xE320  }
0x53: {  	[tilespmem:s11+$0xFFFFFFE0] =	vst v0  }
0x54: {  	[tilespmem:s11+$0x10] =	vst v0  }
0x55: {  	s12 =	simm.s32 $0x0;
	[tilespmem:s11+$0x0] =	vst v0  }
.LBB2_5:
0x56: {  	s12 =	sadd.s32 $0x4, s12  }
0x57: {  	[tilespmem:s11+$0xFFFFFFF0] =	vst v0;
	s11 =	sadd.s32 $0x40, s11;
	p0 =	slt.u32 s12, $0x13C  }
.Ltmp5:
0x58: {  	[tilespmem:s11+$0xFFFFFFE0] =	vst v0;
	(pc) =	sbr.rel @p0 .LBB2_5-.Ltmp5, $3  }
0x59: {  	_ =	sdelay $0x1  }
0x5a: {  	[tilespmem:s11+$0x10] =	vst v0  }
0x5b: {  	[tilespmem:s11+$0x0] =	vst v0  }
0x5c: {  	[tilespmem:s11+$0xFFFFFFF0] =	vst v0  }
0x5d: {  	[tilespmem:$0xF700] =	vst v0  }
0x5e: {  	[spmem:s10] =	stream.linear.scatter [tilespmem:s2], [sflag:$0x19], $0x800, $0x38;
	[tilespmem:$0x19800] =	vst v63  }
0x5f: {  	_ =	swait.ge [sflag:s25], $0x800  }
0x60: {  	[sflag:s25] =	ssyncset.done $0x0  }
0x61: {  	s13 =	rddreg [dreg:$0x8];
	[sflag:s25] =	ssyncadd.s32 $0xFFFFF800  }
0x62: {  	[spmem:s13] =	stream.linear.scatter [tilespmem:s2], [sflag:$0x19], $0x800, $0x38;
	[tilespmem:$0x19800] =	vst v63  }
0x63: {  	_ =	swait.ge [sflag:s25], $0x800  }
0x64: {  	[sflag:s25] =	ssyncset.done $0x0  }
0x65: {  	s14 =	rddreg [dreg:$0x9];
	[sflag:s25] =	ssyncadd.s32 $0xFFFFF800  }
0x66: {  	[spmem:s14] =	stream.linear.scatter [tilespmem:s2], [sflag:$0x19], $0x800, $0x38;
	[tilespmem:$0x19800] =	vst v63  }
0x67: {  	_ =	swait.ge [sflag:s25], $0x800  }
0x68: {  	[sflag:s25] =	ssyncset.done $0x0  }
0x69: {  	s15 =	rddreg [dreg:$0xa];
	[sflag:s25] =	ssyncadd.s32 $0xFFFFF800  }
0x6a: {  	[spmem:s15] =	stream.linear.scatter [tilespmem:s2], [sflag:$0x19], $0x800, $0x38;
	[tilespmem:$0x19800] =	vst v63  }
0x6b: {  	_ =	swait.ge [sflag:s25], $0x800  }
0x6c: {  	[sflag:s25] =	ssyncset.done $0x0  }
0x6d: {  	s16 =	rddreg [dreg:$0xb];
	[sflag:s25] =	ssyncadd.s32 $0xFFFFF800  }
0x6e: {  	[spmem:s16] =	stream.linear.scatter [tilespmem:s2], [sflag:$0x19], $0x800, $0x38;
	[tilespmem:$0x19800] =	vst v63  }
0x6f: {  	_ =	swait.ge [sflag:s25], $0x800  }
0x70: {  	[sflag:s25] =	ssyncset.done $0x0  }
0x71: {  	s17 =	rddreg [dreg:$0xc];
	[sflag:s25] =	ssyncadd.s32 $0xFFFFF800  }
0x72: {  	[spmem:s17] =	stream.linear.scatter [tilespmem:s2], [sflag:$0x19], $0x800, $0x38;
	[tilespmem:$0x19800] =	vst v63  }
0x73: {  	_ =	swait.ge [sflag:s25], $0x800  }
0x74: {  	[sflag:s25] =	ssyncset.done $0x0  }
0x75: {  	s18 =	rddreg [dreg:$0xd];
	[sflag:s25] =	ssyncadd.s32 $0xFFFFF800  }
0x76: {  	[spmem:s18] =	stream.linear.scatter [tilespmem:s2], [sflag:$0x19], $0x800, $0x38;
	[tilespmem:$0x19800] =	vst v63  }
0x77: {  	_ =	swait.ge [sflag:s25], $0x800  }
0x78: {  	[sflag:s25] =	ssyncset.done $0x0  }
0x79: {  	s19 =	rddreg [dreg:$0xe];
	[sflag:s25] =	ssyncadd.s32 $0xFFFFF800  }
0x7a: {  	[spmem:s19] =	stream.linear.scatter [tilespmem:s2], [sflag:$0x19], $0x800, $0x38;
	[tilespmem:$0x19800] =	vst v63  }
0x7b: {  	_ =	swait.ge [sflag:s25], $0x800  }
0x7c: {  	[sflag:s25] =	ssyncset.done $0x0  }
0x7d: {  	s20 =	rddreg [dreg:$0xf];
	[sflag:s25] =	ssyncadd.s32 $0xFFFFF800  }
0x7e: {  	[spmem:s20] =	stream.linear.scatter [tilespmem:s2], [sflag:$0x19], $0x800, $0x38;
	[tilespmem:$0x19800] =	vst v63  }
0x7f: {  	_ =	swait.ge [sflag:s25], $0x800  }
0x80: {  	[sflag:s25] =	ssyncset.done $0x0  }
0x81: {  	s21 =	rddreg [dreg:$0x10];
	[sflag:s25] =	ssyncadd.s32 $0xFFFFF800  }
0x82: {  	[spmem:s21] =	stream.linear.scatter [tilespmem:s2], [sflag:$0x19], $0x800, $0x38;
	[tilespmem:$0x19800] =	vst v63  }
0x83: {  	_ =	swait.ge [sflag:s25], $0x800  }
0x84: {  	[sflag:s25] =	ssyncset.done $0x0  }
0x85: {  	s22 =	rddreg [dreg:$0x11];
	[sflag:s25] =	ssyncadd.s32 $0xFFFFF800  }
0x86: {  	[spmem:s22] =	stream.linear.scatter [tilespmem:s2], [sflag:$0x19], $0x800, $0x38;
	[tilespmem:$0x19800] =	vst v63  }
0x87: {  	_ =	swait.ge [sflag:s25], $0x800  }
0x88: {  	[sflag:s25] =	ssyncset.done $0x0  }
0x89: {  	s23 =	rddreg [dreg:$0x12];
	[sflag:s25] =	ssyncadd.s32 $0xFFFFF800  }
0x8a: {  	[spmem:s23] =	stream.linear.scatter [tilespmem:s2], [sflag:$0x19], $0x800, $0x38;
	[tilespmem:$0x19800] =	vst v63  }
0x8b: {  	_ =	swait.ge [sflag:s25], $0x800  }
0x8c: {  	[sflag:s25] =	ssyncset.done $0x0  }
0x8d: {  	s24 =	rddreg [dreg:$0x13];
	[sflag:s25] =	ssyncadd.s32 $0xFFFFF800  }
0x8e: {  	[spmem:s24] =	stream.linear.scatter [tilespmem:s2], [sflag:$0x19], $0x800, $0x38;
	[tilespmem:$0x19800] =	vst v63  }
0x8f: {  	_ =	swait.ge [sflag:s25], $0x800  }
0x90: {  	[sflag:s25] =	ssyncset.done $0x0  }
0x91: {  	[sflag:s25] =	ssyncadd.s32 $0xFFFFF800  }
0x92: {  	[spmem:s26] =	stream.linear.scatter [tilespmem:s2], [sflag:$0x19], $0x800, $0x38;
	[tilespmem:$0x19800] =	vst v63  }
0x93: {  	_ =	swait.ge [sflag:s25], $0x800  }
0x94: {  	[sflag:s25] =	ssyncset.done $0x0  }
0x95: {  	[sflag:s25] =	ssyncadd.s32 $0xFFFFF800  }
0x96: {  	[spmem:s28] =	stream.linear.scatter [tilespmem:s2], [sflag:$0x19], $0x800, $0x38;
	[tilespmem:$0x19800] =	vst v63  }
0x97: {  	_ =	swait.ge [sflag:s25], $0x800  }
0x98: {  	[sflag:s25] =	ssyncset.done $0x0  }
0x99: {  	[sflag:s25] =	ssyncadd.s32 $0xFFFFF800  }
0x9a: {  	[spmem:s29] =	stream.linear.scatter [tilespmem:s2], [sflag:$0x19], $0x800, $0x38;
	[tilespmem:$0x19800] =	vst v63  }
0x9b: {  	_ =	swait.ge [sflag:s25], $0x800  }
0x9c: {  	[sflag:s25] =	ssyncset.done $0x0  }
0x9d: {  	[sflag:s25] =	ssyncadd.s32 $0xFFFFF800  }
0x9e: {  	[spmem:s30] =	stream.linear.scatter [tilespmem:s2], [sflag:$0x19], $0x800, $0x38;
	[tilespmem:$0x19800] =	vst v63  }
0x9f: {  	_ =	swait.ge [sflag:s25], $0x800  }
0xa0: {  	[sflag:s25] =	ssyncset.done $0x0  }
0xa1: {  	[sflag:s25] =	ssyncadd.s32 $0xFFFFF800  }
0xa2: {  	[spmem:s31] =	stream.linear.scatter [tilespmem:s2], [sflag:$0x19], $0x800, $0x38;
	[tilespmem:$0x19800] =	vst v63  }
0xa3: {  	_ =	swait.ge [sflag:s25], $0x800  }
0xa4: {  	[sflag:s25] =	ssyncset.done $0x0  }
0xa5: {  	[sflag:s25] =	ssyncadd.s32 $0xFFFFF800  }
0xa6: {  	[spmem:s0] =	stream.linear.scatter [tilespmem:s2], [sflag:$0x19], $0x800, $0x38;
	[tilespmem:$0x19800] =	vst v63  }
0xa7: {  	_ =	swait.ge [sflag:s25], $0x800  }
0xa8: {  	[sflag:s25] =	ssyncset.done $0x0  }
0xa9: {  	[sflag:s25] =	ssyncadd.s32 $0xFFFFF800  }
0xaa: {  	[spmem:s8] =	stream.linear.scatter [tilespmem:s2], [sflag:$0x19], $0x800, $0x38;
	[tilespmem:$0x19800] =	vst v63  }
0xab: {  	_ =	swait.ge [sflag:s25], $0x800  }
0xac: {  	[sflag:s25] =	ssyncset.done $0x0  }
0xad: {  	[sflag:s25] =	ssyncadd.s32 $0xFFFFF800  }
0xae: {  	s14 =	simm.s32 $0x20;
	[bflag:$0x0] =	sbarrier.arrive $0xFFFF  }
0xaf: {  	v12 =	vld [tilespmem:s14+$0x10]  }
0xb0: {  	v16 =	vld [tilespmem:s14+$0x0]  }
0xb1: {  	v17 =	vld [tilespmem:s14+$0xFFFFFFF0]  }
0xb2: {  	s11 =	sand.u32 $0x1, s9;
	v21 =	vld [tilespmem:s14+$0xFFFFFFE0]  }
0xb3: {  	s12 =	smul.u32 $0x1400, s11  }
0xb4: {  	v22 =	vimm.s32 $0x0;
	s13 =	sshrl.u32 s9, $0x1  }
0xb5: {  	v10 =	vmov s12;
	v9 =	vmov s13;
	v11 =	vshll.u32 v12, $0x2  }
0xb6: {  	v23 =	vshll.u32 v16, $0x2;
	v13 =	vshra.s32 v16, $0x1C;
	v18 =	vshrl.u32 v12, $0xE  }
0xb7: {  	v15 =	vshra.s32 v12, $0x1C;
	v12 =	vshra.s32 v21, $0x1C;
	v14 =	vshra.s32 v17, $0x1C  }
0xb8: {  	v16 =	vshrl.u32 v16, $0xE;
	v19 =	vshrl.u32 v21, $0xE;
	v20 =	vshrl.u32 v17, $0xE  }
0xb9: {  	v21 =	vshll.u32 v21, $0x2;
	vm7 =	veq.s32 v15, v9;
	vm3 =	veq.s32 v14, v9  }
0xba: {  	vm6 =	veq.s32 v13, v9;
	v18 =	vand.u32 $0x3FFF, v18;
	v19 =	vand.u32 $0x3FFF, v19  }
0xbb: {  	vm4 =	veq.s32 v12, v9;
	v24 =	vand.u32 $0x3FFF, v16;
	v20 =	vand.u32 $0x3FFF, v20  }
0xbc: {  	v16 =	vsub.s32 v19, v10;
	v19 =	vsub.s32 v18, v10;
	v18 =	vsub.s32 v20, v10  }
0xbd: {  	v20 =	vsub.s32 v24, v10;
	vm5 =	vlt.u32 v16, $0x1400;
	vm8 =	vlt.u32 v19, $0x1400  }
0xbe: {  	vm4 =	vmand vm4, vm5;
	vm5 =	vlt.u32 v18, $0x1400;
	vm7 =	vmand vm7, vm8  }
0xbf: {  	v24 =	vsel vm4, $0x1, v1;
	vm5 =	vmand vm3, vm5;
	vm3 =	vlt.u32 v20, $0x1400  }
0xc0: {  	v25 =	vperm.xlane v24, v2;
	v26 =	vsel vm5, $0x1, v1;
	vm6 =	vmand vm6, vm3  }
0xc1: {  	vm3 =	veq.s32 v3, $0x0;
	v27 =	vperm.xlane v26, v2;
	v28 =	vsel vm6, $0x1, v1  }
0xc2: {  	v30 =	vsel vm7, $0x1, v1;
	v25 =	vsel vm3, $0x0, v25;
	v29 =	vperm.xlane v28, v2  }
0xc3: {  	v24 =	vadd.s32 v24, v25;
	v25 =	vsel vm3, $0x0, v27;
	v27 =	vperm.xlane v30, v2  }
0xc4: {  	v31 =	vperm.xlane v24, v4;
	v25 =	vadd.s32 v26, v25;
	v26 =	vsel vm3, $0x0, v29  }
0xc5: {  	v29 =	vperm.xlane v25, v4;
	v26 =	vadd.s32 v28, v26;
	v27 =	vsel vm3, $0x0, v27  }
0xc6: {  	v28 =	vsel vm0, $0x0, v31;
	v31 =	vperm.xlane v26, v4;
	v27 =	vadd.s32 v30, v27  }
0xc7: {  	v24 =	vadd.s32 v28, v24;
	v28 =	vsel vm0, $0x0, v29;
	v29 =	vperm.xlane v27, v4  }
0xc8: {  	v30 =	vperm.xlane v24, v5;
	v25 =	vadd.s32 v28, v25;
	v28 =	vsel vm0, $0x0, v31  }
0xc9: {  	v31 =	vperm.xlane v25, v5;
	v26 =	vadd.s32 v28, v26;
	v28 =	vsel vm0, $0x0, v29  }
0xca: {  	v29 =	vsel vm1, $0x0, v30;
	v30 =	vperm.xlane v26, v5;
	v27 =	vadd.s32 v28, v27  }
0xcb: {  	v24 =	vadd.s32 v29, v24;
	v28 =	vsel vm1, $0x0, v31;
	v29 =	vperm.xlane v27, v5  }
0xcc: {  	v31 =	vperm.xlane v24, v6;
	v25 =	vadd.s32 v28, v25;
	v28 =	vsel vm1, $0x0, v30  }
0xcd: {  	v30 =	vperm.xlane v25, v6;
	v26 =	vadd.s32 v28, v26;
	v28 =	vsel vm1, $0x0, v29  }
0xce: {  	v29 =	vsel vm2, $0x0, v31;
	v31 =	vperm.xlane v26, v6;
	v27 =	vadd.s32 v28, v27  }
0xcf: {  	v24 =	vadd.s32 v29, v24;
	v28 =	vsel vm2, $0x0, v30;
	v29 =	vperm.xlane v27, v6  }
0xd0: {  	v30 =	vperm.xlane v24, v7;
	v25 =	vadd.s32 v28, v25;
	v28 =	vsel vm2, $0x0, v31  }
0xd1: {  	v32 =	vshll.u32 v17, $0x2;
	v31 =	vperm.xlane v25, v7;
	v26 =	vadd.s32 v28, v26  }
0xd2: {  	v28 =	vsel vm2, $0x0, v29;
	v29 =	vadd.s32 v22, v30;
	v30 =	vperm.xlane v26, v7  }
0xd3: {  	v11 =	vand.u32 $0xFFFC, v11;
	v27 =	vadd.s32 v28, v27;
	v28 =	vadd.s32 v29, v31  }
0xd4: {  	v31 =	vperm.xlane v27, v7;
	v26 =	vadd.s32 v26, v28;
	v17 =	vadd.s32 v28, v30  }
0xd5: {  	v28 =	vadd.s32 v25, v29;
	v30 =	vadd.s32 v24, v22;
	v22 =	vand.u32 $0xFFFC, v21  }
0xd6: {  	v24 =	vand.u32 $0xFFFC, v32;
	v25 =	vadd.s32 v27, v17;
	v17 =	vadd.s32 v17, v31  }
0xd7: {  	v27 =	vadd.s32 $0xFFFFFFFF, v26;
	v26 =	vand.u32 $0xFFFC, v23;
	v23 =	vshll.u32 v16, $0x10  }
0xd8: {  	s15 =	simm.s32 $0x0;
	v28 =	vadd.s32 $0xFFFFFFFF, v28;
	v29 =	vadd.s32 $0xFFFFFFFF, v25;
	v25 =	vadd.s32 $0xFFFFFFFF, v30  }
.LBB2_7:
0xd9: {  	s15 =	sadd.s32 $0x4, s15;
	v30 =	vshll.u32 v18, $0x10;
	v31 =	vshll.u32 v20, $0x10;
	v32 =	vshll.u32 v19, $0x10;
	v21 =	vmovc v17  }
0xda: {  	v12 =	vadd.s32 v12, v22;
	v14 =	vadd.s32 v14, v24;
	v13 =	vadd.s32 v13, v26;
	s14 =	sadd.s32 $0x40, s14;
	p0 =	slt.u32 s15, $0x26C  }
0xdb: {  	v27 =	vnsel vm6, $0x2740, v27;
	v29 =	vnsel vm7, $0x2740, v29;
	v11 =	vadd.s32 v15, v11;
	v26 =	vld [tilespmem:s14+$0x10]  }
0xdc: {  	v25 =	vnsel vm4, $0x2740, v25;
	v34 =	vnsel vm4, $0x1400, v16;
	v16 =	vnsel vm5, $0x2740, v28;
	v33 =	vld [tilespmem:s14+$0x0]  }
0xdd: {  	v18 =	vnsel vm5, $0x1400, v18;
	v20 =	vnsel vm6, $0x1400, v20;
	v19 =	vnsel vm7, $0x1400, v19;
	v22 =	vld [tilespmem:s14+$0xFFFFFFF0]  }
0xde: {  	v28 =	vsel vm4, $0x3F800000, v0;
	v35 =	vsel vm5, $0x3F800000, v0;
	v36 =	vsel vm6, $0x3F800000, v0;
	v24 =	vld [tilespmem:s14+$0xFFFFFFE0]  }
0xdf: {  	v37 =	vor.u32 v12, v23;
	v30 =	vor.u32 v14, v30;
	v12 =	vsel vm7, $0x3F800000, v0  }
0xe0: {  	v31 =	vor.u32 v13, v31;
	v13 =	vor.u32 v11, v32;
	v14 =	vshll.u32 v26, $0x2  }
0xe1: {  	v23 =	vshll.u32 v33, $0x2;
	v11 =	vand.u32 $0xFFFC, v14;
	[tilespmem:v29+s3+$0x0] =	vst.idx.msk $0xffff, v13  }
0xe2: {  	v15 =	vshra.s32 v26, $0x1C;
	v13 =	vshra.s32 v33, $0x1C;
	v29 =	vshrl.u32 v26, $0xE;
	[tilespmem:v19+s6+$0x0] =	vst.idx.add.f32.msk $0xffff, v12  }
0xe3: {  	v14 =	vshra.s32 v22, $0x1C;
	v19 =	vshrl.u32 v33, $0xE;
	v12 =	vshra.s32 v24, $0x1C;
	[tilespmem:v27+s3+$0x0] =	vst.idx.msk $0xffff, v31  }
0xe4: {  	vm7 =	veq.s32 v15, v9;
	v26 =	vshrl.u32 v24, $0xE;
	v27 =	vshrl.u32 v22, $0xE;
	[tilespmem:v20+s6+$0x0] =	vst.idx.add.f32.msk $0xffff, v36  }
0xe5: {  	vm6 =	veq.s32 v13, v9;
	vm5 =	veq.s32 v14, v9;
	v20 =	vand.u32 $0x3FFF, v29;
	[tilespmem:v16+s3+$0x0] =	vst.idx.msk $0xffff, v30  }
0xe6: {  	vm4 =	veq.s32 v12, v9;
	v16 =	vand.u32 $0x3FFF, v26;
	v26 =	vand.u32 $0x3FFF, v19;
	[tilespmem:v18+s6+$0x0] =	vst.idx.add.f32.msk $0xffff, v35  }
0xe7: {  	v19 =	vsub.s32 v20, v10;
	v16 =	vsub.s32 v16, v10;
	v18 =	vand.u32 $0x3FFF, v27;
	[tilespmem:v25+s3+$0x0] =	vst.idx.msk $0xffff, v37  }
0xe8: {  	v20 =	vsub.s32 v26, v10;
	vm8 =	vlt.u32 v16, $0x1400;
	v18 =	vsub.s32 v18, v10;
	[tilespmem:v34+s6+$0x0] =	vst.idx.add.f32.msk $0xffff, v28  }
0xe9: {  	vm9 =	vlt.u32 v19, $0x1400;
	vm4 =	vmand vm4, vm8;
	vm8 =	vlt.u32 v18, $0x1400  }
0xea: {  	v25 =	vsel vm4, $0x1, v1;
	vm5 =	vmand vm5, vm8;
	vm8 =	vlt.u32 v20, $0x1400  }
0xeb: {  	v26 =	vperm.xlane v25, v2;
	v27 =	vsel vm5, $0x1, v1;
	vm6 =	vmand vm6, vm8  }
0xec: {  	vm7 =	vmand vm7, vm9;
	v28 =	vperm.xlane v27, v2;
	v29 =	vsel vm6, $0x1, v1  }
0xed: {  	v31 =	vsel vm7, $0x1, v1;
	v26 =	vsel vm3, $0x0, v26;
	v30 =	vperm.xlane v29, v2  }
0xee: {  	v25 =	vadd.s32 v25, v26;
	v26 =	vsel vm3, $0x0, v28;
	v28 =	vperm.xlane v31, v2  }
0xef: {  	v32 =	vperm.xlane v25, v4;
	v26 =	vadd.s32 v27, v26;
	v27 =	vsel vm3, $0x0, v30  }
0xf0: {  	v30 =	vperm.xlane v26, v4;
	v27 =	vadd.s32 v29, v27;
	v28 =	vsel vm3, $0x0, v28  }
0xf1: {  	v29 =	vsel vm0, $0x0, v32;
	v32 =	vperm.xlane v27, v4;
	v28 =	vadd.s32 v31, v28  }
0xf2: {  	v25 =	vadd.s32 v29, v25;
	v29 =	vsel vm0, $0x0, v30;
	v30 =	vperm.xlane v28, v4  }
0xf3: {  	v31 =	vperm.xlane v25, v5;
	v26 =	vadd.s32 v29, v26;
	v29 =	vsel vm0, $0x0, v32  }
0xf4: {  	v32 =	vperm.xlane v26, v5;
	v27 =	vadd.s32 v29, v27;
	v29 =	vsel vm0, $0x0, v30  }
0xf5: {  	v30 =	vsel vm1, $0x0, v31;
	v31 =	vperm.xlane v27, v5;
	v28 =	vadd.s32 v29, v28  }
0xf6: {  	v25 =	vadd.s32 v30, v25;
	v29 =	vsel vm1, $0x0, v32;
	v30 =	vperm.xlane v28, v5  }
0xf7: {  	v32 =	vperm.xlane v25, v6;
	v26 =	vadd.s32 v29, v26;
	v29 =	vsel vm1, $0x0, v31  }
0xf8: {  	v31 =	vperm.xlane v26, v6;
	v27 =	vadd.s32 v29, v27;
	v29 =	vsel vm1, $0x0, v30  }
0xf9: {  	v30 =	vsel vm2, $0x0, v32;
	v32 =	vperm.xlane v27, v6;
	v28 =	vadd.s32 v29, v28  }
0xfa: {  	v25 =	vadd.s32 v30, v25;
	v29 =	vsel vm2, $0x0, v31;
	v30 =	vperm.xlane v28, v6  }
0xfb: {  	v31 =	vperm.xlane v25, v7;
	v26 =	vadd.s32 v29, v26;
	v29 =	vsel vm2, $0x0, v32  }
0xfc: {  	v32 =	vperm.xlane v26, v7;
	v27 =	vadd.s32 v29, v27;
	v29 =	vsel vm2, $0x0, v30  }
0xfd: {  	v17 =	vadd.s32 v17, v31;
	v30 =	vperm.xlane v27, v7;
	v28 =	vadd.s32 v29, v28  }
0xfe: {  	v24 =	vshll.u32 v24, $0x2;
	v29 =	vadd.s32 v17, v32;
	v31 =	vperm.xlane v28, v7  }
.Ltmp6:
0xff: {  	v32 =	vshll.u32 v22, $0x2;
	v27 =	vadd.s32 v27, v29;
	v22 =	vadd.s32 v29, v30;
	(pc) =	sbr.rel @p0 .LBB2_7-.Ltmp6, $4  }
0x100: {  	v30 =	vadd.s32 v26, v17;
	v28 =	vadd.s32 v28, v22;
	v17 =	vadd.s32 v22, v31  }
0x101: {  	v21 =	vadd.s32 v25, v21;
	v22 =	vand.u32 $0xFFFC, v24;
	v24 =	vand.u32 $0xFFFC, v32  }
0x102: {  	v26 =	vand.u32 $0xFFFC, v23;
	v27 =	vadd.s32 $0xFFFFFFFF, v27;
	v29 =	vadd.s32 $0xFFFFFFFF, v28  }
0x103: {  	v25 =	vadd.s32 $0xFFFFFFFF, v21;
	v23 =	vshll.u32 v16, $0x10;
	v28 =	vadd.s32 $0xFFFFFFFF, v30  }
0x104: {  	v21 =	vnsel vm7, $0x2740, v29  }
0x105: {  	v27 =	vnsel vm6, $0x2740, v27  }
0x106: {  	v49 =	vnsel vm7, $0x1400, v19;
	v50 =	vshll.u32 v19, $0x10  }
0x107: {  	v11 =	vadd.s32 v15, v11;
	v51 =	vnsel vm6, $0x1400, v20;
	v52 =	vshll.u32 v20, $0x10  }
0x108: {  	v28 =	vnsel vm5, $0x2740, v28;
	v13 =	vadd.s32 v13, v26;
	v11 =	vor.u32 v11, v50  }
0x109: {  	v53 =	vnsel vm5, $0x1400, v18;
	v13 =	vor.u32 v13, v52;
	[tilespmem:v21+s3+$0x0] =	vst.idx.msk $0xffff, v11  }
0x10a: {  	v54 =	vsel vm7, $0x3F800000, v0;
	v55 =	vnsel vm4, $0x2740, v25;
	v14 =	vadd.s32 v14, v24;
	[tilespmem:v27+s3+$0x0] =	vst.idx.msk $0xffff, v13  }
0x10b: {  	v16 =	vnsel vm4, $0x1400, v16;
	v56 =	vsel vm6, $0x3F800000, v0;
	v11 =	vshll.u32 v18, $0x10;
	[tilespmem:v49+s6+$0x0] =	vst.idx.add.f32.msk $0xffff, v54  }
0x10c: {  	v11 =	vor.u32 v14, v11;
	[tilespmem:v51+s6+$0x0] =	vst.idx.add.f32.msk $0xffff, v56  }
0x10d: {  	v12 =	vadd.s32 v12, v22;
	v57 =	vsel vm5, $0x3F800000, v0;
	[tilespmem:v28+s3+$0x0] =	vst.idx.msk $0xffff, v11  }
0x10e: {  	v11 =	vor.u32 v12, v23;
	[tilespmem:v53+s6+$0x0] =	vst.idx.add.f32.msk $0xffff, v57  }
0x10f: {  	v58 =	vsel vm4, $0x3F800000, v0;
	[tilespmem:v55+s3+$0x0] =	vst.idx.msk $0xffff, v11  }
0x110: {  	[tilespmem:v16+s6+$0x0] =	vst.idx.add.f32.msk $0xffff, v58  }
0x111: {  	v11 =	vld [tilespmem:$0x2700];
	_ =	sdelay $0x4  }
0x112: {  	v59 =	vshrl.u32 v11, $0xE  }
0x113: {  	v12 =	vand.u32 $0x3FFF, v59  }
0x114: {  	v60 =	vshra.s32 v11, $0x1C;
	v12 =	vsub.s32 v12, v10  }
0x115: {  	vm14 =	veq.s32 v60, v9;
	vm15 =	vlt.u32 v12, $0x1400  }
0x116: {  	vm4 =	vmand vm14, vm15  }
0x117: {  	v61 =	vsel vm4, $0x1, v1  }
0x118: {  	v62 =	vperm.xlane v61, v2;
	_ =	sdelay $0x1  }
0x119: {  	v15 =	vsel vm3, $0x0, v62  }
0x11a: {  	v14 =	vadd.s32 v61, v15  }
0x11b: {  	v15 =	vperm.xlane v14, v4;
	_ =	sdelay $0x1  }
0x11c: {  	v15 =	vsel vm0, $0x0, v15  }
0x11d: {  	v14 =	vadd.s32 v15, v14  }
0x11e: {  	v15 =	vperm.xlane v14, v5;
	_ =	sdelay $0x1  }
0x11f: {  	v15 =	vsel vm1, $0x0, v15  }
0x120: {  	v14 =	vadd.s32 v15, v14  }
0x121: {  	v15 =	vperm.xlane v14, v6;
	_ =	sdelay $0x1  }
0x122: {  	v15 =	vsel vm2, $0x0, v15  }
0x123: {  	v14 =	vadd.s32 v15, v14  }
0x124: {  	v15 =	vperm.xlane v14, v7;
	_ =	sdelay $0x1  }
0x125: {  	v15 =	vadd.s32 v17, v15  }
0x126: {  	(v2sf) =	vpush v15, $0x0;
	_ =	sdelay $0xd  }
0x127: {  	v14 =	vadd.s32 v14, v17  }
0x128: {  	v14 =	vadd.s32 $0xFFFFFFFF, v14;
	s14 =	spop (v2sf)  }
0x129: {  	v14 =	vnsel vm4, $0x2740, v14;
	s14 =	sadd.s32 $0xF, s14  }
0x12a: {  	v11 =	vshll.u32 v11, $0x2;
	v63 =	vnsel vm4, $0x1400, v12;
	s14 =	sshra.s32 s14, $0x4  }
0x12b: {  	v11 =	vand.u32 $0xFFFC, v11;
	v15 =	vadd.s32 v3, v15;
	p0 =	slt.s32 s14, $0x1  }
.Ltmp7:
0x12c: {  	v11 =	vadd.s32 v60, v11;
	v12 =	vshll.u32 v12, $0x10;
	(pc) =	sbr.rel @p0 .LBB2_29-.Ltmp7, $4  }
0x12d: {  	v11 =	vor.u32 v11, v12  }
0x12e: {  	[tilespmem:v14+s3+$0x0] =	vst.idx.msk $0xffff, v11;
	v11 =	vsel vm4, $0x3F800000, v0  }
0x12f: {  	[tilespmem:v63+s6+$0x0] =	vst.idx.add.f32.msk $0xffff, v11  }
0x130: {  	[tilespmem:v15+s3+$0x0] =	vst.idx.msk $0xffff, v8  }
0x131: {  	v11 =	vld [tilespmem:$0x2780];
	_ =	sdelay $0x4  }
0x132: {  	v12 =	vshra.s32 v11, $0x10  }
0x133: {  	v11 =	vand.u32 $0xFFFF, v11;
	v13 =	vadd.s32 v10, v12  }
0x134: {  	[tilespmem:$0x4F00] =	vst v11;
	v11 =	vshll.u32 v13, $0x2  }
0x135: {  	[tilespmem:$0x5700] =	vst v12;
	v11 =	vadd.s32 v9, v11  }
0x136: {  	s15 =	simm.s32 $0x4F00;
	s16 =	simm.s32 $0x5B00;
	[tilespmem:$0x5300] =	vst v11  }
0x137: {  	[tilespmem:s16], [sflag:$0x1] =	stream.indirect.gather [hbm4b:s4+s7], $0x80, s15, s7, $0xb8;
	[tilespmem:$0x19800] =	vst v63  }
0x138: {  	s23 =	simm.s32 $0x5300;
	s24 =	simm.s32 $0x9B00;
	p0 =	seq.s32 s14, $0x1  }
0x139: {  	[tilespmem:s24], [sflag:$0x9] =	stream.indirect.gather [hbm4b:s5+s7], $0x80, s23, s7, $0xb8;
	[tilespmem:$0x19800] =	vst v63  }
0x13a: {  	v11 =	vld @!p0 [tilespmem:$0x2790];
	_ =	sdelay $0x4  }
0x13b: {  	v12 =	vshra.s32 @!p0 v11, $0x10  }
0x13c: {  	v11 =	vand.u32 @!p0 $0xFFFF, v11;
	v13 =	vadd.s32 @!p0 v10, v12  }
0x13d: {  	[tilespmem:$0x4F80] =	vst @!p0 v11;
	v11 =	vshll.u32 @!p0 v13, $0x2  }
0x13e: {  	s17 =	simm.s32 @!p0 $0x6300;
	[tilespmem:$0x5780] =	vst @!p0 v12;
	v11 =	vadd.s32 @!p0 v9, v11  }
0x13f: {  	p1 =	slt.u32 @!p0 s14, $0x3;
	s15 =	simm.s32 @!p0 $0x10;
	s16 =	simm.s32 @!p0 $0x4F80;
	[tilespmem:$0x5380] =	vst @!p0 v11  }
0x140: {  	[tilespmem:s17], [sflag:$0x2] =	stream.indirect.gather @!p0 [hbm4b:s4+s15], $0x80, s16, s15, $0xb8;
	[tilespmem:$0x19800] =	vst v63  }
0x141: {  	p3 =	por p0, p1;
	s16 =	simm.s32 @!p0 $0x5380;
	s17 =	simm.s32 @!p0 $0xA300  }
0x142: {  	[tilespmem:s17], [sflag:$0xA] =	stream.indirect.gather @!p0 [hbm4b:s5+s15], $0x80, s16, s15, $0xb8;
	[tilespmem:$0x19800] =	vst v63  }
0x143: {  	v11 =	vld @!p3 [tilespmem:$0x27A0];
	_ =	sdelay $0x4  }
0x144: {  	v12 =	vshra.s32 @!p3 v11, $0x10  }
0x145: {  	v11 =	vand.u32 @!p3 $0xFFFF, v11;
	v13 =	vadd.s32 @!p3 v10, v12  }
0x146: {  	[tilespmem:$0x5000] =	vst @!p3 v11;
	v11 =	vshll.u32 @!p3 v13, $0x2  }
0x147: {  	p1 =	seq.s32 @!p3 s14, $0x3;
	[tilespmem:$0x5800] =	vst @!p3 v12;
	v11 =	vadd.s32 @!p3 v9, v11  }
0x148: {  	s15 =	simm.s32 @!p3 $0x10;
	s16 =	simm.s32 @!p3 $0x5000;
	s17 =	simm.s32 @!p3 $0x6B00;
	[tilespmem:$0x5400] =	vst @!p3 v11  }
0x149: {  	[tilespmem:s17], [sflag:$0x3] =	stream.indirect.gather @!p3 [hbm4b:s4+s15], $0x80, s16, s15, $0xb8;
	[tilespmem:$0x19800] =	vst v63  }
0x14a: {  	p6 =	por p3, p1;
	s16 =	simm.s32 @!p3 $0x5400;
	s17 =	simm.s32 @!p3 $0xAB00  }
0x14b: {  	[tilespmem:s17], [sflag:$0xB] =	stream.indirect.gather @!p3 [hbm4b:s5+s15], $0x80, s16, s15, $0xb8;
	[tilespmem:$0x19800] =	vst v63  }
0x14c: {  	v11 =	vld @!p6 [tilespmem:$0x27B0];
	_ =	sdelay $0x4  }
0x14d: {  	v12 =	vshra.s32 @!p6 v11, $0x10  }
0x14e: {  	p1 =	slt.u32 @!p6 s14, $0x5;
	v11 =	vand.u32 @!p6 $0xFFFF, v11;
	v13 =	vadd.s32 @!p6 v10, v12  }
0x14f: {  	p1 =	por p6, p1;
	[tilespmem:$0x5080] =	vst @!p6 v11;
	v11 =	vshll.u32 @!p6 v13, $0x2  }
.Ltmp8:
0x150: {  	[tilespmem:$0x5880] =	vst @!p6 v12;
	v11 =	vadd.s32 @!p6 v9, v11;
	(pc) =	sbr.rel @p1 .LBB2_10-.Ltmp8, $4  }
0x151: {  	s15 =	simm.s32 @!p6 $0x10;
	s16 =	simm.s32 @!p6 $0x5080;
	s17 =	simm.s32 @!p6 $0x7300;
	[tilespmem:$0x5480] =	vst @!p6 v11  }
0x152: {  	[tilespmem:s17], [sflag:$0x4] =	stream.indirect.gather @!p6 [hbm4b:s4+s15], $0x80, s16, s15, $0xb8;
	[tilespmem:$0x19800] =	vst v63  }
0x153: {  	s16 =	simm.s32 @!p6 $0x5480;
	s17 =	simm.s32 @!p6 $0xB300  }
0x154: {  	[tilespmem:s17], [sflag:$0xC] =	stream.indirect.gather @!p6 [hbm4b:s5+s15], $0x80, s16, s15, $0xb8;
	[tilespmem:$0x19800] =	vst v63  }
0x155: {  	v11 =	vld [tilespmem:$0x27C0];
	_ =	sdelay $0x4  }
0x156: {  	v12 =	vshra.s32 v11, $0x10  }
0x157: {  	v11 =	vand.u32 $0xFFFF, v11;
	v13 =	vadd.s32 v10, v12  }
0x158: {  	[tilespmem:$0x5100] =	vst v11;
	v11 =	vshll.u32 v13, $0x2  }
0x159: {  	[tilespmem:$0x5900] =	vst v12;
	v11 =	vadd.s32 v9, v11  }
0x15a: {  	s15 =	simm.s32 $0x5100;
	s16 =	simm.s32 $0x7B00;
	[tilespmem:$0x5500] =	vst v11  }
0x15b: {  	[tilespmem:s16], [sflag:$0x5] =	stream.indirect.gather [hbm4b:s4+s7], $0x80, s15, s7, $0xb8;
	[tilespmem:$0x19800] =	vst v63  }
0x15c: {  	s23 =	simm.s32 $0x5500;
	s24 =	simm.s32 $0xBB00;
	p6 =	seq.s32 s14, $0x5  }
0x15d: {  	[tilespmem:s24], [sflag:$0xD] =	stream.indirect.gather [hbm4b:s5+s7], $0x80, s23, s7, $0xb8;
	[tilespmem:$0x19800] =	vst v63  }
0x15e: {  	v11 =	vld @!p6 [tilespmem:$0x27D0];
	_ =	sdelay $0x4  }
0x15f: {  	v12 =	vshra.s32 @!p6 v11, $0x10  }
0x160: {  	v11 =	vand.u32 @!p6 $0xFFFF, v11;
	v13 =	vadd.s32 @!p6 v10, v12  }
0x161: {  	[tilespmem:$0x5180] =	vst @!p6 v11;
	v11 =	vshll.u32 @!p6 v13, $0x2  }
0x162: {  	s17 =	simm.s32 @!p6 $0x8300;
	[tilespmem:$0x5980] =	vst @!p6 v12;
	v11 =	vadd.s32 @!p6 v9, v11  }
0x163: {  	p1 =	slt.u32 @!p6 s14, $0x7;
	s15 =	simm.s32 @!p6 $0x10;
	s16 =	simm.s32 @!p6 $0x5180;
	[tilespmem:$0x5580] =	vst @!p6 v11  }
0x164: {  	[tilespmem:s17], [sflag:$0x6] =	stream.indirect.gather @!p6 [hbm4b:s4+s15], $0x80, s16, s15, $0xb8;
	[tilespmem:$0x19800] =	vst v63  }
0x165: {  	p2 =	por p1, p6;
	s16 =	simm.s32 @!p6 $0x5580;
	s17 =	simm.s32 @!p6 $0xC300  }
0x166: {  	[tilespmem:s17], [sflag:$0xE] =	stream.indirect.gather @!p6 [hbm4b:s5+s15], $0x80, s16, s15, $0xb8;
	[tilespmem:$0x19800] =	vst v63  }
0x167: {  	v11 =	vld @!p2 [tilespmem:$0x27E0];
	_ =	sdelay $0x4  }
0x168: {  	v12 =	vshra.s32 @!p2 v11, $0x10  }
0x169: {  	v11 =	vand.u32 @!p2 $0xFFFF, v11;
	v13 =	vadd.s32 @!p2 v10, v12  }
0x16a: {  	[tilespmem:$0x5200] =	vst @!p2 v11;
	v11 =	vshll.u32 @!p2 v13, $0x2  }
0x16b: {  	p5 =	por @!p6 $0x1, $0x1;
	[tilespmem:$0x5A00] =	vst @!p2 v12;
	v11 =	vadd.s32 @!p2 v9, v11  }
0x16c: {  	s15 =	simm.s32 @!p2 $0x10;
	s16 =	simm.s32 @!p2 $0x5200;
	s17 =	simm.s32 @!p2 $0x8B00;
	[tilespmem:$0x5600] =	vst @!p2 v11  }
0x16d: {  	[tilespmem:s17], [sflag:$0x7] =	stream.indirect.gather @!p2 [hbm4b:s4+s15], $0x80, s16, s15, $0xb8;
	[tilespmem:$0x19800] =	vst v63  }
0x16e: {  	p3 =	por @!p2 $0x1, $0x1;
	s16 =	simm.s32 @!p2 $0x5600;
	s17 =	simm.s32 @!p2 $0xCB00  }
0x16f: {  	[tilespmem:s17], [sflag:$0xF] =	stream.indirect.gather @!p2 [hbm4b:s5+s15], $0x80, s16, s15, $0xb8;
	[tilespmem:$0x19800] =	vst v63  }
0x170: {  	p1 =	por !p1, p6;
	p4 =	por p3, p3;
	p2 =	por @!p6 $0x0, $0x0  }
0x171: {  	p3 =	por @!p1 p5, p5;
	p4 =	por @!p1 p2, p2;
	p1 =	por $0x0, $0x0  }
0x172: {  	p1 =	por @!p6 p4, p4  }
0x173: {  	p2 =	por $0x1, $0x1;
	s15 =	simm.s32 @!p1 $0x0  }
0x174: {  	p2 =	por @!p6 p3, p3;
	s15 =	simm.s32 @p1 $0x1;
	p1 =	por $0x1, $0x1  }
.Ltmp9:
0x175: {  	[smem:$0x7FB] =	sst s15;
	s15 =	simm.s32 @!p2 $0x0;
	(pc) =	sbr.rel .LBB2_12-.Ltmp9, $4  }
0x176: {  	p1 =	por @!p6 p3, p3;
	s15 =	simm.s32 @p2 $0x1  }
0x177: {  	[smem:$0x7FD] =	sst s15;
	s15 =	simm.s32 @!p1 $0x0  }
0x178: {  	p4 =	por $0x1, $0x1;
	s15 =	simm.s32 @p1 $0x1;
	p1 =	por $0x0, $0x0  }
0x179: {  	p4 =	por @!p6 p3, p3;
	[smem:$0x7FC] =	sst s15;
	p1 =	por @!p6 p3, p3  }
.LBB2_10:
0x17a: {  	p1 =	por @!p0 $0x0, $0x0;
	p2 =	por $0x0, $0x0  }
0x17b: {  	p2 =	por @!p0 p1, p1  }
0x17c: {  	p4 =	por @!p3 $0x0, $0x0;
	p1 =	por p2, p2  }
0x17d: {  	p5 =	por @!p3 $0x1, $0x1;
	p1 =	por @!p3 p4, p4  }
0x17e: {  	p2 =	por @!p3 p5, p5;
	p5 =	por @!p6 $0x0, $0x0;
	p4 =	por p1, p1  }
0x17f: {  	p4 =	por @!p6 p5, p5  }
0x180: {  	p3 =	por @!p6 $0x1, $0x1;
	s15 =	simm.s32 @!p4 $0x0  }
0x181: {  	p2 =	por @!p6 p3, p3;
	s15 =	simm.s32 @p4 $0x1  }
0x182: {  	[smem:$0x7FB] =	sst s15;
	s15 =	simm.s32 @!p2 $0x0  }
0x183: {  	s15 =	simm.s32 @p2 $0x1;
	p2 =	por p1, p1  }
0x184: {  	p2 =	por @!p6 p5, p5  }
0x185: {  	[smem:$0x7FC] =	sst s15;
	s15 =	simm.s32 @!p2 $0x0  }
0x186: {  	p4 =	por p1, p1;
	s15 =	simm.s32 @p2 $0x1  }
0x187: {  	p4 =	por @!p6 p3, p3;
	p1 =	por @!p6 p5, p5;
	[smem:$0x7FD] =	sst s15  }
.LBB2_12:
0x188: {  	s15 =	simm.s32 $0x0;
	s16 =	simm.s32 $0x0  }
.LBB2_13:
0x189: {  	s17 =	sadd.s32 $0x7, s16  }
0x18a: {  	p6 =	sge.s32 s17, s14  }
0x18b: {  	p3 =	seq.s32 @!p6 s16, $0x0  }
0x18c: {  	p5 =	por p3, p6  }
0x18d: {  	s18 =	sand.u32 @!p5 $0x7, s17  }
0x18e: {  	s19 =	sadd.s32 @!p5 $0x11, s18  }
0x18f: {  	_ =	swait.ge @!p5 [sflag:s19], $0x800  }
0x190: {  	s17 =	sshll.u32 @!p6 s17, $0x6;
	[sflag:s19] =	ssyncset.done @!p5 $0x0  }
0x191: {  	s17 =	sshra.s32 @!p6 s17, $0x2;
	[sflag:s19] =	ssyncadd.s32 @!p5 $0xFFFFF800  }
0x192: {  	v11 =	vld @!p6 [tilespmem:s17+$0x2780];
	_ =	sdelay $0x3  }
0x193: {  	p3 =	por !p3, p6  }
0x194: {  	s18 =	simm.s32 @!p3 $0x7;
	v12 =	vshra.s32 @!p6 v11, $0x10  }
0x195: {  	s19 =	sshll.u32 @!p6 s18, $0x7;
	v11 =	vand.u32 @!p6 $0xFFFF, v11;
	v13 =	vadd.s32 @!p6 v10, v12  }
0x196: {  	s21 =	sshll.u32 @!p6 s18, $0xB;
	[tilespmem:s19+$0x4F00] =	vst @!p6 v11;
	v11 =	vshll.u32 @!p6 v13, $0x2  }
0x197: {  	s24 =	simm.s32 @!p6 $0x10;
	s23 =	sadd.s32 @!p6 $0x1, s18;
	s22 =	sadd.s32 @!p6 $0x5B00, s21;
	[tilespmem:s19+$0x5700] =	vst @!p6 v12;
	v11 =	vadd.s32 @!p6 v9, v11  }
0x198: {  	s18 =	sadd.s32 @!p6 $0x9, s18;
	s17 =	sand.u32 $0x7, s16;
	s20 =	sadd.s32 @!p6 $0x4F00, s19;
	[tilespmem:s19+$0x5300] =	vst @!p6 v11  }
0x199: {  	[tilespmem:s22], [sflag:s23] =	stream.indirect.gather @!p6 [hbm4b:s4+s24], $0x80, s20, s24, $0xb8;
	[tilespmem:$0x19800] =	vst v63  }
0x19a: {  	s19 =	sadd.s32 @!p6 $0x5300, s19;
	s20 =	sadd.s32 @!p6 $0x9B00, s21;
	s21 =	sadd.s32 $0x1, s17  }
0x19b: {  	[tilespmem:s20], [sflag:s18] =	stream.indirect.gather @!p6 [hbm4b:s5+s24], $0x80, s19, s24, $0xb8;
	[tilespmem:$0x19800] =	vst v63  }
0x19c: {  	_ =	swait.ge [sflag:s21], $0x800  }
0x19d: {  	[sflag:s21] =	ssyncset.done $0x0  }
0x19e: {  	s22 =	sadd.s32 $0x9, s17;
	[sflag:s21] =	ssyncadd.s32 $0xFFFFF800  }
0x19f: {  	s23 =	sshll.u32 s15, $0xB;
	_ =	swait.ge [sflag:s22], $0x800  }
0x1a0: {  	s24 =	sand.u32 $0x3800, s23;
	[sflag:s22] =	ssyncset.done $0x0  }
0x1a1: {  	s18 =	sadd.s32 $0x5C00, s24;
	[sflag:s22] =	ssyncadd.s32 $0xFFFFF800  }
0x1a2: {  	s22 =	sadd.s32 $0x9C00, s24;
	v11 =	vld [tilespmem:s18+$0x80]  }
0x1a3: {  	v12 =	vld [tilespmem:s22+$0x80]  }
0x1a4: {  	v13 =	vld [tilespmem:s22+$0xFFFFFF00]  }
0x1a5: {  	v14 =	vld [tilespmem:s18+$0xFFFFFF80]  }
0x1a6: {  	v15 =	vld [tilespmem:s22+$0xFFFFFF80]  }
0x1a7: {  	v16 =	vld [tilespmem:s22+$0x0]  }
0x1a8: {  	v11 =	vadd.f32 v12, v11;
	v12 =	vld [tilespmem:s18+$0x0]  }
0x1a9: {  	v17 =	vld [tilespmem:s18+$0xFFFFFF00]  }
0x1aa: {  	v11 =	vmax.f32 v11, $0.0e+00  }
0x1ab: {  	v14 =	vadd.f32 v15, v14;
	[tilespmem:s18+$0x80] =	vst v11;
	v11 =	vld [tilespmem:s18+$0x90]  }
0x1ac: {  	v18 =	vld [tilespmem:s22+$0x90]  }
0x1ad: {  	v19 =	vld [tilespmem:s18+$0xFFFFFF90];
	v14 =	vmax.f32 v14, $0.0e+00;
	v12 =	vadd.f32 v16, v12  }
0x1ae: {  	v15 =	vld [tilespmem:s18+$0xFFFFFF10];
	v13 =	vadd.f32 v13, v17;
	[tilespmem:s18+$0xFFFFFF80] =	vst v14  }
0x1af: {  	v16 =	vld [tilespmem:s22+$0xFFFFFF90];
	v12 =	vmax.f32 v12, $0.0e+00  }
0x1b0: {  	v13 =	vmax.f32 v13, $0.0e+00;
	v14 =	vld [tilespmem:s18+$0x10];
	[tilespmem:s18+$0x0] =	vst v12  }
0x1b1: {  	[tilespmem:s18+$0xFFFFFF00] =	vst v13;
	v11 =	vadd.f32 v18, v11;
	v12 =	vld [tilespmem:s22+$0x10]  }
0x1b2: {  	v13 =	vld [tilespmem:s22+$0xFFFFFF10]  }
0x1b3: {  	v11 =	vmax.f32 v11, $0.0e+00  }
0x1b4: {  	v16 =	vadd.f32 v16, v19;
	[tilespmem:s18+$0x90] =	vst v11;
	v11 =	vld [tilespmem:s18+$0xA0]  }
0x1b5: {  	v18 =	vld [tilespmem:s22+$0xA0]  }
0x1b6: {  	v17 =	vld [tilespmem:s18+$0xFFFFFF20];
	v16 =	vmax.f32 v16, $0.0e+00;
	v12 =	vadd.f32 v12, v14  }
0x1b7: {  	v13 =	vadd.f32 v13, v15;
	v19 =	vld [tilespmem:s18+$0xFFFFFFA0];
	[tilespmem:s18+$0xFFFFFF90] =	vst v16  }
0x1b8: {  	v15 =	vld [tilespmem:s22+$0xFFFFFFA0];
	v12 =	vmax.f32 v12, $0.0e+00  }
0x1b9: {  	v13 =	vmax.f32 v13, $0.0e+00;
	v14 =	vld [tilespmem:s18+$0x20];
	[tilespmem:s18+$0x10] =	vst v12  }
0x1ba: {  	[tilespmem:s18+$0xFFFFFF10] =	vst v13;
	v11 =	vadd.f32 v18, v11;
	v12 =	vld [tilespmem:s22+$0x20]  }
0x1bb: {  	v13 =	vld [tilespmem:s22+$0xFFFFFF20]  }
0x1bc: {  	v11 =	vmax.f32 v11, $0.0e+00  }
0x1bd: {  	v15 =	vadd.f32 v15, v19;
	[tilespmem:s18+$0xA0] =	vst v11;
	v11 =	vld [tilespmem:s18+$0xB0]  }
0x1be: {  	v18 =	vld [tilespmem:s22+$0xB0]  }
0x1bf: {  	v20 =	vld [tilespmem:s18+$0x30];
	v15 =	vmax.f32 v15, $0.0e+00;
	v12 =	vadd.f32 v12, v14  }
0x1c0: {  	v13 =	vadd.f32 v13, v17;
	v19 =	vld [tilespmem:s18+$0xFFFFFFB0];
	[tilespmem:s18+$0xFFFFFFA0] =	vst v15  }
0x1c1: {  	v14 =	vld [tilespmem:s22+$0xFFFFFFB0];
	v12 =	vmax.f32 v12, $0.0e+00  }
0x1c2: {  	v16 =	vld [tilespmem:s18+$0xFFFFFF30];
	[tilespmem:s18+$0x20] =	vst v12;
	v12 =	vmax.f32 v13, $0.0e+00  }
0x1c3: {  	v11 =	vadd.f32 v18, v11;
	[tilespmem:s18+$0xFFFFFF20] =	vst v12;
	v12 =	vld [tilespmem:s22+$0x30]  }
0x1c4: {  	v17 =	vld [tilespmem:s22+$0xFFFFFF30]  }
0x1c5: {  	v21 =	vld [tilespmem:s18+$0xFFFFFF40];
	v11 =	vmax.f32 v11, $0.0e+00  }
0x1c6: {  	v14 =	vadd.f32 v14, v19;
	[tilespmem:s18+$0xB0] =	vst v11;
	v11 =	vld [tilespmem:s18+$0xC0]  }
0x1c7: {  	v18 =	vld [tilespmem:s22+$0xC0]  }
0x1c8: {  	v22 =	vld [tilespmem:s18+$0xFFFFFFD0];
	v14 =	vmax.f32 v14, $0.0e+00;
	v12 =	vadd.f32 v12, v20  }
0x1c9: {  	v15 =	vld [tilespmem:s18+$0xFFFFFFC0];
	[tilespmem:s18+$0xFFFFFFB0] =	vst v14;
	v16 =	vadd.f32 v17, v16  }
0x1ca: {  	v17 =	vld [tilespmem:s22+$0xFFFFFFC0];
	v12 =	vmax.f32 v12, $0.0e+00  }
0x1cb: {  	v13 =	vld [tilespmem:s18+$0x40];
	[tilespmem:s18+$0x30] =	vst v12;
	v12 =	vmax.f32 v16, $0.0e+00  }
0x1cc: {  	v11 =	vadd.f32 v18, v11;
	v16 =	vld [tilespmem:s22+$0x40];
	[tilespmem:s18+$0xFFFFFF30] =	vst v12  }
0x1cd: {  	v12 =	vld [tilespmem:s22+$0xFFFFFF40]  }
0x1ce: {  	v19 =	vld [tilespmem:s18+$0xFFFFFF50];
	v11 =	vmax.f32 v11, $0.0e+00  }
0x1cf: {  	[tilespmem:s18+$0xC0] =	vst v11;
	v11 =	vadd.f32 v17, v15;
	v17 =	vld [tilespmem:s18+$0xD0]  }
0x1d0: {  	v18 =	vld [tilespmem:s22+$0xD0]  }
0x1d1: {  	v14 =	vld [tilespmem:s18+$0xFFFFFF60];
	v11 =	vmax.f32 v11, $0.0e+00;
	v13 =	vadd.f32 v16, v13  }
0x1d2: {  	v20 =	vld [tilespmem:s18+$0x50];
	[tilespmem:s18+$0xFFFFFFC0] =	vst v11;
	v11 =	vadd.f32 v12, v21  }
0x1d3: {  	v12 =	vld [tilespmem:s22+$0xFFFFFFD0];
	v13 =	vmax.f32 v13, $0.0e+00  }
0x1d4: {  	v15 =	vld [tilespmem:s18+$0xFFFFFFE0];
	[tilespmem:s18+$0x40] =	vst v13;
	v11 =	vmax.f32 v11, $0.0e+00  }
0x1d5: {  	v13 =	vld [tilespmem:s22+$0x50];
	v17 =	vadd.f32 v18, v17;
	[tilespmem:s18+$0xFFFFFF40] =	vst v11  }
0x1d6: {  	v11 =	vld [tilespmem:s22+$0xFFFFFF50]  }
0x1d7: {  	v16 =	vld [tilespmem:s18+$0x60];
	v17 =	vmax.f32 v17, $0.0e+00  }
0x1d8: {  	v12 =	vadd.f32 v12, v22;
	[tilespmem:s18+$0xD0] =	vst v17;
	v17 =	vld [tilespmem:s18+$0xE0]  }
0x1d9: {  	v21 =	vld [tilespmem:s22+$0xE0]  }
0x1da: {  	v12 =	vmax.f32 v12, $0.0e+00;
	v18 =	vadd.f32 v13, v20;
	v13 =	vld [tilespmem:s18+$0xFFFFFF70]  }
0x1db: {  	[tilespmem:s18+$0xFFFFFFD0] =	vst v12;
	v11 =	vadd.f32 v11, v19;
	v12 =	vld [tilespmem:s18+$0xFFFFFFF0]  }
0x1dc: {  	v19 =	vmax.f32 v18, $0.0e+00;
	v18 =	vld [tilespmem:s22+$0xFFFFFFE0]  }
0x1dd: {  	[tilespmem:s18+$0x50] =	vst v19;
	v19 =	vmax.f32 v11, $0.0e+00;
	v11 =	vld [tilespmem:s18+$0x70]  }
0x1de: {  	[tilespmem:s18+$0xFFFFFF50] =	vst v19;
	v19 =	vld [tilespmem:s22+$0x60];
	v17 =	vadd.f32 v21, v17  }
0x1df: {  	v20 =	vld [tilespmem:s22+$0xFFFFFF60]  }
0x1e0: {  	s20 =	simm.s32 $0x0;
	s21 =	sadd.s32 $0x200, s18;
	s19 =	smov.u32 s22;
	v21 =	vmax.f32 v17, $0.0e+00;
	v17 =	vld [tilespmem:s18+$0xF0]  }
.LBB2_14:
0x1e1: {  	v22 =	vld [tilespmem:s21+$0x80];
	v15 =	vadd.f32 v18, v15;
	[tilespmem:s18+$0xE0] =	vst v21  }
0x1e2: {  	s19 =	sadd.s32 $0x200, s19;
	v18 =	vld [tilespmem:s22+$0xF0]  }
0x1e3: {  	s20 =	sadd.s32 $0x4, s20;
	v21 =	vld [tilespmem:s19+$0x80];
	v15 =	vmax.f32 v15, $0.0e+00;
	v16 =	vadd.f32 v19, v16  }
0x1e4: {  	p6 =	slt.u32 s20, $0xC;
	v19 =	vld [tilespmem:s19+$0xFFFFFF00];
	v14 =	vadd.f32 v20, v14;
	[tilespmem:s18+$0xFFFFFFE0] =	vst v15  }
0x1e5: {  	v15 =	vld [tilespmem:s21+$0xFFFFFF80];
	v16 =	vmax.f32 v16, $0.0e+00  }
0x1e6: {  	v20 =	vld [tilespmem:s19+$0xFFFFFF80];
	v14 =	vmax.f32 v14, $0.0e+00;
	[tilespmem:s18+$0x60] =	vst v16  }
0x1e7: {  	v16 =	vld [tilespmem:s21+$0x0];
	[tilespmem:s18+$0xFFFFFF60] =	vst v14;
	v14 =	vadd.f32 v18, v17  }
0x1e8: {  	v17 =	vld [tilespmem:s19+$0x0];
	v18 =	vadd.f32 v21, v22  }
0x1e9: {  	v21 =	vld [tilespmem:s21+$0xFFFFFF00];
	v14 =	vmax.f32 v14, $0.0e+00  }
0x1ea: {  	v22 =	vld [tilespmem:s21+$0xFFFFFF10];
	v18 =	vmax.f32 v18, $0.0e+00;
	[tilespmem:s18+$0xF0] =	vst v14  }
0x1eb: {  	v14 =	vadd.f32 v20, v15;
	[tilespmem:s21+$0x80] =	vst v18;
	v15 =	vld [tilespmem:s21+$0x90]  }
0x1ec: {  	v18 =	vld [tilespmem:s19+$0x90]  }
0x1ed: {  	v14 =	vmax.f32 v14, $0.0e+00;
	v20 =	vld [tilespmem:s21+$0xFFFFFF90];
	v16 =	vadd.f32 v17, v16  }
0x1ee: {  	v17 =	vadd.f32 v19, v21;
	[tilespmem:s21+$0xFFFFFF80] =	vst v14;
	v14 =	vld [tilespmem:s21+$0x10]  }
0x1ef: {  	v19 =	vld [tilespmem:s19+$0xFFFFFF90];
	v16 =	vmax.f32 v16, $0.0e+00  }
0x1f0: {  	v17 =	vmax.f32 v17, $0.0e+00;
	v21 =	vld [tilespmem:s21+$0xFFFFFF20];
	[tilespmem:s21+$0x0] =	vst v16  }
0x1f1: {  	[tilespmem:s21+$0xFFFFFF00] =	vst v17;
	v16 =	vld [tilespmem:s19+$0x10];
	v15 =	vadd.f32 v18, v15  }
0x1f2: {  	v17 =	vld [tilespmem:s19+$0xFFFFFF10]  }
0x1f3: {  	v18 =	vld [tilespmem:s21+$0xFFFFFFA0];
	v15 =	vmax.f32 v15, $0.0e+00  }
0x1f4: {  	v19 =	vadd.f32 v19, v20;
	[tilespmem:s21+$0x90] =	vst v15;
	v15 =	vld [tilespmem:s21+$0xA0]  }
0x1f5: {  	v20 =	vld [tilespmem:s19+$0xA0]  }
0x1f6: {  	v19 =	vmax.f32 v19, $0.0e+00;
	v14 =	vadd.f32 v16, v14;
	v16 =	vld [tilespmem:s21+$0x20]  }
0x1f7: {  	v17 =	vadd.f32 v17, v22;
	v22 =	vld [tilespmem:s21+$0xFFFFFF30];
	[tilespmem:s21+$0xFFFFFF90] =	vst v19  }
0x1f8: {  	v19 =	vld [tilespmem:s19+$0xFFFFFFA0];
	v14 =	vmax.f32 v14, $0.0e+00  }
0x1f9: {  	v17 =	vmax.f32 v17, $0.0e+00;
	v23 =	vld [tilespmem:s21+$0xFFFFFFB0];
	[tilespmem:s21+$0x10] =	vst v14  }
0x1fa: {  	[tilespmem:s21+$0xFFFFFF10] =	vst v17;
	v14 =	vld [tilespmem:s19+$0x20];
	v15 =	vadd.f32 v20, v15  }
0x1fb: {  	v17 =	vld [tilespmem:s19+$0xFFFFFF20]  }
0x1fc: {  	v20 =	vld [tilespmem:s21+$0x30];
	v15 =	vmax.f32 v15, $0.0e+00  }
0x1fd: {  	v18 =	vadd.f32 v19, v18;
	[tilespmem:s21+$0xA0] =	vst v15;
	v15 =	vld [tilespmem:s21+$0xB0]  }
0x1fe: {  	v19 =	vld [tilespmem:s19+$0xB0]  }
0x1ff: {  	v24 =	vld [tilespmem:s21+$0xFFFFFF40];
	v18 =	vmax.f32 v18, $0.0e+00;
	v14 =	vadd.f32 v14, v16  }
0x200: {  	v16 =	vadd.f32 v17, v21;
	[tilespmem:s21+$0xFFFFFFA0] =	vst v18;
	v17 =	vld [tilespmem:s21+$0xFFFFFFC0]  }
0x201: {  	v18 =	vld [tilespmem:s19+$0xFFFFFFB0];
	v14 =	vmax.f32 v14, $0.0e+00  }
0x202: {  	v16 =	vmax.f32 v16, $0.0e+00;
	[tilespmem:s21+$0x20] =	vst v14;
	v21 =	vld [tilespmem:s21+$0x40]  }
0x203: {  	[tilespmem:s21+$0xFFFFFF20] =	vst v16;
	v14 =	vld [tilespmem:s19+$0x30];
	v15 =	vadd.f32 v19, v15  }
0x204: {  	v16 =	vld [tilespmem:s19+$0xFFFFFF30]  }
0x205: {  	v19 =	vld [tilespmem:s21+$0xFFFFFF50];
	v15 =	vmax.f32 v15, $0.0e+00  }
0x206: {  	v18 =	vadd.f32 v18, v23;
	[tilespmem:s21+$0xB0] =	vst v15;
	v15 =	vld [tilespmem:s21+$0xC0]  }
0x207: {  	v23 =	vld [tilespmem:s19+$0xC0]  }
0x208: {  	v18 =	vmax.f32 v18, $0.0e+00;
	v25 =	vld [tilespmem:s21+$0xFFFFFFD0];
	v14 =	vadd.f32 v14, v20  }
0x209: {  	v16 =	vadd.f32 v16, v22;
	[tilespmem:s21+$0xFFFFFFB0] =	vst v18;
	v18 =	vld [tilespmem:s21+$0x50]  }
0x20a: {  	v20 =	vld [tilespmem:s19+$0xFFFFFFC0];
	v22 =	vmax.f32 v14, $0.0e+00  }
0x20b: {  	v16 =	vmax.f32 v16, $0.0e+00;
	v14 =	vld [tilespmem:s21+$0xFFFFFF60];
	[tilespmem:s21+$0x30] =	vst v22  }
0x20c: {  	[tilespmem:s21+$0xFFFFFF30] =	vst v16;
	v16 =	vld [tilespmem:s19+$0x40];
	v22 =	vadd.f32 v23, v15  }
0x20d: {  	v23 =	vld [tilespmem:s19+$0xFFFFFF40]  }
0x20e: {  	v15 =	vld [tilespmem:s21+$0xFFFFFFE0];
	v22 =	vmax.f32 v22, $0.0e+00  }
0x20f: {  	v17 =	vadd.f32 v20, v17;
	[tilespmem:s21+$0xC0] =	vst v22;
	v20 =	vld [tilespmem:s21+$0xD0]  }
0x210: {  	v22 =	vld [tilespmem:s19+$0xD0]  }
0x211: {  	v17 =	vmax.f32 v17, $0.0e+00;
	v21 =	vadd.f32 v16, v21;
	v16 =	vld [tilespmem:s21+$0x60]  }
0x212: {  	v23 =	vadd.f32 v23, v24;
	[tilespmem:s21+$0xFFFFFFC0] =	vst v17;
	v17 =	vld [tilespmem:s22+$0xFFFFFF70]  }
0x213: {  	v24 =	vld [tilespmem:s19+$0xFFFFFFD0];
	v21 =	vmax.f32 v21, $0.0e+00  }
0x214: {  	v23 =	vmax.f32 v23, $0.0e+00;
	[tilespmem:s21+$0x40] =	vst v21;
	v21 =	vld [tilespmem:s22+$0xFFFFFFF0]  }
0x215: {  	[tilespmem:s21+$0xFFFFFF40] =	vst v23;
	v23 =	vld [tilespmem:s19+$0x50];
	v20 =	vadd.f32 v22, v20  }
0x216: {  	v22 =	vld [tilespmem:s19+$0xFFFFFF50]  }
0x217: {  	v20 =	vmax.f32 v20, $0.0e+00;
	v13 =	vadd.f32 v17, v13;
	v17 =	vld [tilespmem:s22+$0x70];
	s22 =	smov.u32 s19  }
0x218: {  	v24 =	vadd.f32 v24, v25;
	[tilespmem:s21+$0xD0] =	vst v20;
	v20 =	vld [tilespmem:s21+$0xE0]  }
0x219: {  	v25 =	vld [tilespmem:s19+$0xE0];
	v26 =	vmax.f32 v13, $0.0e+00;
	v21 =	vadd.f32 v21, v12  }
0x21a: {  	v13 =	vld [tilespmem:s21+$0xFFFFFF70];
	v12 =	vmax.f32 v24, $0.0e+00;
	v23 =	vadd.f32 v23, v18;
	[tilespmem:s18+$0xFFFFFF70] =	vst v26  }
0x21b: {  	v19 =	vadd.f32 v22, v19;
	[tilespmem:s21+$0xFFFFFFD0] =	vst v12;
	v12 =	vld [tilespmem:s21+$0xFFFFFFF0];
	v21 =	vmax.f32 v21, $0.0e+00  }
.Ltmp10:
0x21c: {  	v18 =	vld [tilespmem:s19+$0xFFFFFFE0];
	v22 =	vmax.f32 v23, $0.0e+00;
	[tilespmem:s18+$0xFFFFFFF0] =	vst v21;
	v17 =	vadd.f32 v17, v11;
	(pc) =	sbr.rel @p6 .LBB2_14-.Ltmp10, $4  }
0x21d: {  	v19 =	vmax.f32 v19, $0.0e+00;
	[tilespmem:s21+$0x50] =	vst v22;
	v11 =	vld [tilespmem:s21+$0x70]  }
0x21e: {  	[tilespmem:s21+$0xFFFFFF50] =	vst v19;
	v19 =	vld [tilespmem:s19+$0x60];
	v21 =	vadd.f32 v25, v20;
	v17 =	vmax.f32 v17, $0.0e+00  }
0x21f: {  	v20 =	vld [tilespmem:s19+$0xFFFFFF60];
	[tilespmem:s18+$0x70] =	vst v17;
	s18 =	smov.u32 s21  }
0x220: {  	s21 =	sadd.s32 $0x200, s21;
	v21 =	vmax.f32 v21, $0.0e+00;
	v17 =	vld [tilespmem:s18+$0xF0]  }
0x221: {  	_ = 	snop  }
0x222: {  	v15 =	vadd.f32 v18, v15  }
0x223: {  	v16 =	vadd.f32 v19, v16  }
0x224: {  	[tilespmem:s18+$0xE0] =	vst v21;
	v15 =	vmax.f32 v15, $0.0e+00;
	v14 =	vadd.f32 v20, v14  }
0x225: {  	v58 =	vld [tilespmem:s22+$0xF0];
	[tilespmem:s18+$0xFFFFFFE0] =	vst v15;
	v59 =	vmax.f32 v16, $0.0e+00  }
0x226: {  	v61 =	vld [tilespmem:s22+$0xFFFFFFF0];
	v14 =	vmax.f32 v14, $0.0e+00;
	[tilespmem:s18+$0x60] =	vst v59  }
0x227: {  	[tilespmem:s18+$0xFFFFFF60] =	vst v14;
	v62 =	vld [tilespmem:s22+$0x70]  }
0x228: {  	v60 =	vld [tilespmem:s22+$0xFFFFFF70];
	_ =	sdelay $0x1  }
0x229: {  	v17 =	vadd.f32 v58, v17  }
0x22a: {  	s16 =	sadd.s32 $0x1, s16;
	v12 =	vadd.f32 v61, v12  }
0x22b: {  	p3 =	sne.s32 s16, s14;
	v63 =	vmax.f32 v17, $0.0e+00;
	v11 =	vadd.f32 v62, v11  }
.Ltmp11:
0x22c: {  	[tilespmem:s18+$0xF0] =	vst v63;
	v12 =	vmax.f32 v12, $0.0e+00;
	v13 =	vadd.f32 v60, v13;
	(pc) =	sbr.rel @p3 .LBB2_13-.Ltmp11, $4  }
0x22d: {  	[tilespmem:s18+$0xFFFFFFF0] =	vst v12;
	v11 =	vmax.f32 v11, $0.0e+00  }
0x22e: {  	s19 =	sshll.u32 s17, $0xB;
	s20 =	sshll.u32 s17, $0x7;
	s24 =	sadd.s32 $0x11, s17;
	v13 =	vmax.f32 v13, $0.0e+00;
	[tilespmem:s18+$0x70] =	vst v11  }
0x22f: {  	s15 =	sadd.s32 $0x1, s15;
	s23 =	sadd.s32 $0x5700, s20;
	s22 =	sadd.s32 $0x5B00, s19;
	[tilespmem:s18+$0xFFFFFF70] =	vst v13  }
0x230: {  	[spmem:s1] =	stream.indirect.scatter.add.f32 [tilespmem:s22], [sflag:s24], $0x80, s23, s7, $0xb8;
	[tilespmem:$0x19800] =	vst v63  }
0x231: {  	s15 =	sadd.s32 $0xFFFFFFFF, s14  }
.Ltmp12:
0x232: {  	s15 =	sand.u32 $0x7, s15;
	(pc) =	sbr.rel @!p0 .LBB2_17-.Ltmp12, $4  }
0x233: {  	s15 =	sadd.s32 $0x11, s15  }
0x234: {  	_ =	swait.ge [sflag:s15], $0x800  }
0x235: {  	[sflag:s15] =	ssyncset.done $0x0  }
0x236: {  	[sflag:s15] =	ssyncadd.s32 $0xFFFFF800  }
0x237: {  	s15 =	sld [smem:$0x7FC];
	_ =	sdelay $0x2  }
0x238: {  	p0 =	seq.s32 s15, $0x1  }
.Ltmp13:
0x239: {  	_ = 	snop;
	(pc) =	sbr.rel @p0 .LBB2_23-.Ltmp13, $1  }
0x23a: {  	_ =	sdelay $0x3  }
.LBB2_18:
.Ltmp14:
0x23b: {  	(pc) =	sbr.rel @!p4 .LBB2_19-.Ltmp14, $1  }
0x23c: {  	_ =	sdelay $0x3  }
.LBB2_24:
0x23d: {  	s15 =	sand.u32 $0x7, s14  }
0x23e: {  	s15 =	sxor.u32 $0x4, s15  }
0x23f: {  	s15 =	sadd.s32 $0x11, s15  }
0x240: {  	_ =	swait.ge [sflag:s15], $0x800  }
0x241: {  	s24 =	sld [smem:$0x7FD];
	_ =	sdelay $0x2  }
0x242: {  	p0 =	seq.s32 s24, $0x1  }
.Ltmp15:
0x243: {  	_ = 	snop;
	(pc) =	sbr.rel @p0 .LBB2_25-.Ltmp15, $3  }
0x244: {  	_ =	sdelay $0x1  }
0x245: {  	[sflag:s15] =	ssyncset.done $0x0  }
0x246: {  	[sflag:s15] =	ssyncadd.s32 $0xFFFFF800  }
.LBB2_20:
.Ltmp16:
0x247: {  	(pc) =	sbr.rel @!p1 .LBB2_21-.Ltmp16, $1  }
0x248: {  	_ =	sdelay $0x3  }
.LBB2_26:
0x249: {  	s15 =	sadd.s32 $0x2, s14  }
0x24a: {  	s15 =	sand.u32 $0x7, s15  }
0x24b: {  	s15 =	sadd.s32 $0x11, s15  }
0x24c: {  	_ =	swait.ge [sflag:s15], $0x800  }
0x24d: {  	s24 =	sld [smem:$0x7FB];
	_ =	sdelay $0x2  }
0x24e: {  	p0 =	seq.s32 s24, $0x1  }
.Ltmp17:
0x24f: {  	_ = 	snop;
	(pc) =	sbr.rel @!p0 .LBB2_28-.Ltmp17, $4  }
.Ltmp18:
0x250: {  	_ = 	snop;
	(pc) =	sbr.rel @p0 .LBB2_27-.Ltmp18, $4  }
0x251: {  	_ = 	snop  }
0x252: {  	[sflag:s15] =	ssyncset.done $0x0  }
0x253: {  	[sflag:s15] =	ssyncadd.s32 $0xFFFFF800  }
0x254: {  	_ = 	snop  }
.LBB2_17:
0x255: {  	s15 =	sadd.s32 $0x6, s14  }
0x256: {  	s15 =	sand.u32 $0x7, s15  }
0x257: {  	s15 =	sadd.s32 $0x11, s15  }
0x258: {  	_ =	swait.ge [sflag:s15], $0x800  }
0x259: {  	s24 =	sld [smem:$0x7FC];
	_ =	sdelay $0x2  }
0x25a: {  	p0 =	seq.s32 s24, $0x1  }
.Ltmp19:
0x25b: {  	_ = 	snop;
	(pc) =	sbr.rel @!p0 .LBB2_18-.Ltmp19, $3  }
0x25c: {  	_ =	sdelay $0x1  }
0x25d: {  	[sflag:s15] =	ssyncset.done $0x0  }
0x25e: {  	[sflag:s15] =	ssyncadd.s32 $0xFFFFF800  }
.LBB2_23:
0x25f: {  	s15 =	sadd.s32 $0x5, s14  }
.Ltmp20:
0x260: {  	s15 =	sand.u32 $0x7, s15;
	(pc) =	sbr.rel @p4 .LBB2_24-.Ltmp20, $4  }
0x261: {  	s15 =	sadd.s32 $0x11, s15  }
0x262: {  	_ =	swait.ge [sflag:s15], $0x800  }
0x263: {  	[sflag:s15] =	ssyncset.done $0x0  }
0x264: {  	[sflag:s15] =	ssyncadd.s32 $0xFFFFF800  }
.LBB2_19:
0x265: {  	s15 =	sld [smem:$0x7FD];
	_ =	sdelay $0x2  }
0x266: {  	p0 =	seq.s32 s15, $0x1  }
.Ltmp21:
0x267: {  	_ = 	snop;
	(pc) =	sbr.rel @!p0 .LBB2_20-.Ltmp21, $1  }
0x268: {  	_ =	sdelay $0x3  }
.LBB2_25:
0x269: {  	s15 =	sadd.s32 $0x3, s14  }
.Ltmp22:
0x26a: {  	s15 =	sand.u32 $0x7, s15;
	(pc) =	sbr.rel @p1 .LBB2_26-.Ltmp22, $4  }
0x26b: {  	s15 =	sadd.s32 $0x11, s15  }
0x26c: {  	_ =	swait.ge [sflag:s15], $0x800  }
0x26d: {  	[sflag:s15] =	ssyncset.done $0x0  }
0x26e: {  	[sflag:s15] =	ssyncadd.s32 $0xFFFFF800  }
.LBB2_21:
0x26f: {  	s15 =	sld [smem:$0x7FB];
	_ =	sdelay $0x2  }
0x270: {  	p0 =	seq.s32 s15, $0x1  }
.Ltmp23:
0x271: {  	_ = 	snop;
	(pc) =	sbr.rel @!p0 .LBB2_28-.Ltmp23, $4  }
.Ltmp24:
0x272: {  	_ = 	snop;
	(pc) =	sbr.rel @p0 .LBB2_27-.Ltmp24, $4  }
0x273: {  	_ = 	snop  }
0x274: {  	_ = 	snop  }
0x275: {  	_ = 	snop  }
0x276: {  	_ = 	snop  }
.LBB2_31:
0x277: {  	_ =	sfence.sel $0x180000  }
0x278: {  	[bflag:$0x0] =	sbarrier.arrive $0xFFFF  }
0x279: {  	_ =	strace $0x90000047  }
0x27a: {  	[bflag:$0x2] =	sbarrier.arrive $0xFFFF  }
0x27b: {  	p0 =	sne.s32 s13, $0x0;
	s0 =	rddreg [dreg:$0x3]  }
0x27c: {  	s0 =	sadd.s32 @!p0 $0x100000, s0  }
0x27d: {  	[sflag:s0] =	ssyncadd.tile.s32 @!p0 $0x1;
	_ =	shalt  }
.Lfunc_end2:
_tile_overlayer_lowered:
.L_overlay_start_2:
0x27e: {  	(tag) =	ssettag $0x2  }
0x27f: {  	s0 =	rddreg [dreg:$0x0];
	s2 =	stileid.u32  }
0x280: {  	s1 =	rddreg [dreg:$0x1];
	p0 =	sne.s32 s2, $0x0  }
0x281: {  	s3 =	rddreg [dreg:$0x2];
	[bflag:$0x3] =	sbarrier.arrive $0xFFFF;
	s2 =	simm.s32 @!p0 $0x1C19  }
0x282: {  	[timem:s3], [sflag:s2] =	dma.local @!p0 [hbm:s0], s1  }
0x283: {  	s0 =	simm.s32 @!p0 $0x19  }
0x284: {  	_ =	swait.ge @!p0 [sflag:s0], s1  }
0x285: {  	s1 =	ssub.s32 @!p0 $0x0, s1;
	[sflag:s0] =	ssyncset.done @!p0 $0x0  }
0x286: {  	[sflag:s0] =	ssyncadd.s32 @!p0 s1  }
0x287: {  	[bflag:$0x3] =	sbarrier.arrive $0xFFFF  }
0x288: {  	_ =	shalt  }

</sc_bundles>
